<compile_context>
chip_gen: v7x
topology: tpu7x:2x2x1
jax: 0.10.2.dev20260603
libtpu: 0.0.44.dev20260713+nightly
codegen_flags: <defaults>
</compile_context>

<pallas_src>
import dataclasses
import functools

import jax
import jax.numpy as jnp
import numpy as np
from jax import lax
from jax.experimental import pallas as pl
from jax.experimental.pallas import tpu as pltpu
from jax.experimental.pallas import tpu_sc as plsc

_N = 10000
_D = 128
_E = 320000
_DE = 16
_EPS = 1e-05

_NC = 2
_NS = 16
_NW = _NC * _NS
_EPW = _E // _NW
_C = 80
_NCHUNK = _EPW // _C
_RPT = 624
_RTAIL = _N - _NS * _RPT


_LO = np.concatenate([np.arange(32 * q, 32 * q + 16) for q in range(4)])
_COLS = np.concatenate([_LO, _LO + 16])


def _edge_mm_body(a_ref, w_ref, o_ref):
    w = w_ref[...].astype(jnp.bfloat16)
    e = lax.dot_general(
        a_ref[...], w, (((1,), (0,)), ((), ())),
        preferred_element_type=jnp.float32).astype(jnp.bfloat16)
    lo = lax.bitcast_convert_type(e[:, :64], jnp.uint16).astype(jnp.uint32)
    hi = lax.bitcast_convert_type(e[:, 64:], jnp.uint16).astype(jnp.uint32)
    o_ref[...] = lax.bitcast_convert_type(lo | (hi << 16), jnp.int32)


_BE = 16000


def _edge_mm(edge_attr_bf, W_perm):
    return pl.pallas_call(
        _edge_mm_body,
        grid=(_E // _BE,),
        in_specs=[pl.BlockSpec((_BE, _DE), lambda i: (i, 0)),
                  pl.BlockSpec((_DE, _D), lambda i: (0, 0))],
        out_specs=pl.BlockSpec((_BE, _D // 2), lambda i: (i, 0)),
        out_shape=jax.ShapeDtypeStruct((_E, _D // 2), jnp.int32),
    )(edge_attr_bf, W_perm)


def _sc_cp():
    cp = pltpu.CompilerParams()
    if "needs_layout_passes" in pltpu.CompilerParams.__dataclass_fields__:
        cp = dataclasses.replace(cp, needs_layout_passes=False)
    return cp


def _sc_agg(x, src, dst, e):
    mesh = plsc.VectorSubcoreMesh(core_axis_name="c", subcore_axis_name="s")

    @functools.partial(
        pl.kernel,
        mesh=mesh,
        compiler_params=_sc_cp(),
        out_type=jax.ShapeDtypeStruct((_NC * _N, _D), jnp.float32),
        scratch_types=[
            pltpu.VMEM((4, _C), jnp.int32),
            pltpu.VMEM((4, _C), jnp.int32),
            pltpu.VMEM((2, _C, _D), jnp.float32),
            pltpu.VMEM((2, _C, _D // 2), jnp.int32),
            pltpu.VMEM_SHARED((_N, _D), jnp.float32),
            pltpu.SemaphoreType.DMA,
            pltpu.SemaphoreType.DMA,
            pltpu.SemaphoreType.DMA,
            pltpu.SemaphoreType.DMA,
        ],
    )
    def agg_kernel(x_hbm, src_hbm, dst_hbm, e_hbm, out_hbm,
                   idxs_v, idxd_v, xrows_v, erows_v, agg_sh,
                   sem_g, sem_e, sem_s, sem_i):
        cid = lax.axis_index("c")
        sid = lax.axis_index("s")
        wid = sid * _NC + cid

        zrows = xrows_v.at[0]

        @pl.loop(0, _C)
        def _(r):
            for g in range(_D // 16):
                zrows[r, pl.ds(g * 16, 16)] = jnp.zeros((16,), jnp.float32)

        zbase = sid * _RPT
        for j in range(_RPT // _C):
            pltpu.sync_copy(zrows, agg_sh.at[pl.ds(zbase + j * _C, _C)])
        _ztail = _RPT % _C
        if _ztail:
            pltpu.sync_copy(zrows.at[pl.ds(0, _ztail)],
                            agg_sh.at[pl.ds(zbase + (_RPT // _C) * _C, _ztail)])

        @pl.when(sid == _NS - 1)
        def _():
            pltpu.sync_copy(zrows.at[pl.ds(0, _RTAIL)],
                            agg_sh.at[pl.ds(_NS * _RPT, _RTAIL)])

        plsc.subcore_barrier()

        def issue_idx(g, islot):
            base = wid * _EPW + g * _C
            pltpu.async_copy(src_hbm.at[pl.ds(base, _C)], idxs_v.at[islot],
                             sem_i)
            pltpu.async_copy(dst_hbm.at[pl.ds(base, _C)], idxd_v.at[islot],
                             sem_i)

        def wait_idx(islot):
            pltpu.make_async_copy(src_hbm.at[pl.ds(0, _C)],
                                  idxs_v.at[islot], sem_i).wait()
            pltpu.make_async_copy(dst_hbm.at[pl.ds(0, _C)],
                                  idxd_v.at[islot], sem_i).wait()

        def issue(g, slot, islot):
            base = wid * _EPW + g * _C
            pltpu.async_copy(e_hbm.at[pl.ds(base, _C)], erows_v.at[slot],
                             sem_e)
            pltpu.async_copy(x_hbm.at[idxs_v.at[islot]], xrows_v.at[slot],
                             sem_g)

        def wait_dma(slot, islot):
            pltpu.make_async_copy(e_hbm.at[pl.ds(0, _C)], erows_v.at[slot],
                                  sem_e).wait()
            pltpu.make_async_copy(x_hbm.at[idxs_v.at[islot]],
                                  xrows_v.at[slot], sem_g).wait()

        def compute(slot):
            xr = xrows_v.at[slot]
            er = erows_v.at[slot]

            @pl.loop(0, _C // 2)
            def _(h):
                r = h * 2
                for t in range(2):
                    rr = r + t
                    for q in range(_D // 32):
                        ev = plsc.bitcast(er[rr, pl.ds(q * 16, 16)],
                                          jnp.bfloat16)
                        ea, eb = plsc.unpack(
                            ev, format=plsc.PackFormat.INTERLEAVED)
                        sa = pl.ds(q * 32, 16)
                        sb = pl.ds(q * 32 + 16, 16)
                        xr[rr, sa] = jnp.maximum(xr[rr, sa] + ea, 0.0)
                        xr[rr, sb] = jnp.maximum(xr[rr, sb] + eb, 0.0)

        def scatter_async(slot, islot):
            pltpu.async_copy(xrows_v.at[slot], agg_sh.at[idxd_v.at[islot]],
                             sem_s, add=True)

        def wait_scatter(slot, islot):
            pltpu.make_async_copy(xrows_v.at[slot],
                                  agg_sh.at[idxd_v.at[islot]], sem_s).wait()

        issue_idx(0, 0)
        issue_idx(1, 1)
        wait_idx(0)
        wait_idx(1)
        issue(0, 0, 0)
        issue(1, 1, 1)

        @pl.loop(0, (_NCHUNK - 1) // 2)
        def _(i):
            g0 = 2 * i
            ic0 = lax.rem(g0, 4)
            ic1 = lax.rem(g0 + 1, 4)
            i2 = lax.rem(g0 + 2, 4)
            i3 = lax.rem(g0 + 3, 4)
            issue_idx(g0 + 2, i2)

            @pl.when(g0 + 3 < _NCHUNK)
            def _():
                issue_idx(g0 + 3, i3)

            wait_dma(0, ic0)
            compute(0)
            scatter_async(0, ic0)
            wait_dma(1, ic1)
            compute(1)
            scatter_async(1, ic1)
            wait_scatter(0, ic0)
            wait_idx(i2)
            issue(g0 + 2, 0, i2)
            wait_scatter(1, ic1)

            @pl.when(g0 + 3 < _NCHUNK)
            def _():
                wait_idx(i3)
                issue(g0 + 3, 1, i3)

        _ilast = (_NCHUNK - 1) % 4
        wait_dma(0, _ilast)
        compute(0)
        pltpu.sync_copy(xrows_v.at[0], agg_sh.at[idxd_v.at[_ilast]], add=True)

        plsc.subcore_barrier()

        row0 = cid * _N + sid * _RPT
        pltpu.sync_copy(agg_sh.at[pl.ds(sid * _RPT, _RPT)],
                        out_hbm.at[pl.ds(row0, _RPT)])

        @pl.when(sid == _NS - 1)
        def _():
            pltpu.sync_copy(agg_sh.at[pl.ds(_NS * _RPT, _RTAIL)],
                            out_hbm.at[pl.ds(cid * _N + _NS * _RPT, _RTAIL)])

    return agg_kernel(x, src, dst, e)


def _final_body(x_ref, p0_ref, p1_ref, w_ref, b_ref, o_ref):
    h = x_ref[...] * (1.0 + _EPS) + p0_ref[...] + p1_ref[...]
    h = lax.dot_general(h, w_ref[...], (((1,), (1,)), ((), ())),
                        preferred_element_type=jnp.float32)
    o_ref[...] = jnp.maximum(h + b_ref[...], 0.0)


_BN = 2000


def _final(x, p0, p1, W_nn, b_nn2):
    return pl.pallas_call(
        _final_body,
        grid=(_N // _BN,),
        in_specs=[pl.BlockSpec((_BN, _D), lambda i: (i, 0)),
                  pl.BlockSpec((_BN, _D), lambda i: (i, 0)),
                  pl.BlockSpec((_BN, _D), lambda i: (i, 0)),
                  pl.BlockSpec((_D, _D), lambda i: (0, 0)),
                  pl.BlockSpec((1, _D), lambda i: (0, 0))],
        out_specs=pl.BlockSpec((_BN, _D), lambda i: (i, 0)),
        out_shape=jax.ShapeDtypeStruct((_N, _D), jnp.float32),
    )(x, p0, p1, W_nn, b_nn2)


def kernel(x, edge_index, edge_attr, W_edge, W_nn, b_nn):
    src = edge_index[0]
    dst = edge_index[1]
    W_perm = W_edge.T[:, _COLS]
    e = _edge_mm(edge_attr.astype(jnp.bfloat16), W_perm)
    parts = _sc_agg(x, src, dst, e)
    return _final(x, parts[:_N], parts[_N:], W_nn, b_nn.reshape(1, _D))

# --- scband reference (transcript-rebuilt; emitter-appended) ---
"""Pipeline reference for scband-res-graph-module-28398323761987 (READ-ONLY COPY).

The authoritative reference and input builder live on the scoring server;
editing this copy changes nothing except your own understanding.
"""

import jax, jax.numpy as jnp
import numpy as np

N = 10000
D = 128
E = 320000
DE = 16
EPS = 1e-05


def setup_inputs(seed: int = 0) -> dict:
    key = jax.random.key(seed)
    k1, k2, k3, k4, k5 = jax.random.split(key, 5)
    x = jax.random.normal(k1, (N, D), dtype=jnp.float32)
    edge_index = jax.random.randint(k2, (2, E), 0, N, dtype=jnp.int32)
    edge_attr = jax.random.normal(k3, (E, DE), dtype=jnp.float32)
    # edge_lin: nn.Linear(edge_channels=16, in_channels=128, bias=False) -> weight [128, 16]
    W_edge = jax.random.normal(k4, (D, DE), dtype=jnp.float32) * (1.0 / np.sqrt(DE))
    # GINEConv inner nn: nn.Linear(in_channels=128, out_channels=128) -> weight [128, 128], bias [128]
    W_nn = jax.random.normal(k5, (D, D), dtype=jnp.float32) * (1.0 / np.sqrt(D))
    b_nn = jnp.zeros((D,), dtype=jnp.float32)
    return {"x": x, "edge_index": edge_index, "edge_attr": edge_attr, "W_edge": W_edge, "W_nn": W_nn, "b_nn": b_nn}


def reference(x, edge_index, edge_attr, W_edge, W_nn, b_nn):
    # edge_attr = self.edge_lin(edge_attr)
    e = edge_attr @ W_edge.T
    # GINEConv: out = nn((1 + eps) * x + sum_{j->i} relu(x_j + e_ji))
    src = edge_index[0]
    dst = edge_index[1]
    msg = jax.nn.relu(jnp.take(x, src, axis=0) + e)
    agg = jax.ops.segment_sum(msg, dst, num_segments=N)
    h = (1.0 + EPS) * x + agg
    h = h @ W_nn.T + b_nn
    # outer relu (residual=False)
    return jax.nn.relu(h)

if __name__ == "__main__":
    import jax
    _d = setup_inputs()
    print(jax.jit(kernel)(*tuple(_d.values())))

</pallas_src>

<mosaic_0001>
#map = affine_map<(d0, d1) -> (0, 0)>
#map1 = affine_map<(d0, d1) -> (0)>
module attributes {stable_mosaic.version = 14 : i64} {
  func.func @agg_kernel(%arg0: i32, %arg1: i32, %arg2: memref<10000x128xf32, #tpu.memory_space<hbm>>, %arg3: memref<320000xi32, #tpu.memory_space<hbm>>, %arg4: memref<320000xi32, #tpu.memory_space<hbm>>, %arg5: memref<320000x64xi32, #tpu.memory_space<hbm>>, %arg6: memref<20000x128xf32, #tpu.memory_space<hbm>>, %arg7: memref<4x80xi32, #tpu.memory_space<vmem>>, %arg8: memref<4x80xi32, #tpu.memory_space<vmem>>, %arg9: memref<2x80x128xf32, #tpu.memory_space<vmem>>, %arg10: memref<2x80x64xi32, #tpu.memory_space<vmem>>, %arg11: memref<10000x128xf32, #tpu.memory_space<vmem_shared>>, %arg12: memref<!tpu.dma_semaphore, #tpu.memory_space<semaphore_mem>>, %arg13: memref<!tpu.dma_semaphore, #tpu.memory_space<semaphore_mem>>, %arg14: memref<!tpu.dma_semaphore, #tpu.memory_space<semaphore_mem>>, %arg15: memref<!tpu.dma_semaphore, #tpu.memory_space<semaphore_mem>>) attributes {dimension_semantics = [#tpu.dimension_semantics<core_parallel>, #tpu.dimension_semantics<subcore_parallel>], iteration_bounds = array<i64: 2, 16>, scalar_prefetch = 0 : i64, scratch_operands = 9 : i64, tpu.core_type = #tpu.core_type<sc_vector_subcore>, window_params = [{transform_indices = #map}, {transform_indices = #map1}, {transform_indices = #map1}, {transform_indices = #map}, {transform_indices = #map}]} {
    %mul3A = arith.constant 2 : i32
    %mul3A_0 = arith.muli %arg1, %mul3A : i32
    %add3A = arith.addi %mul3A_0, %arg0 : i32
    %scan3A = arith.constant 0 : i32
    %scan3A_1 = arith.constant 0 : i32
    %scan3A_2 = arith.constant 80 : i32
    %scan3A_3 = arith.addi %scan3A_1, %scan3A_2 : i32
    %scan3A_4 = arith.constant 1 : i32
    scf.for %scan3A_232 = %scan3A_1 to %scan3A_3 step %scan3A_4  : i32 {
      %mul3A_233 = arith.constant 1 : i32
      %mul3A_234 = arith.muli %scan3A_232, %mul3A_233 : i32
      %add3A_235 = arith.constant 0 : i32
      %add3A_236 = arith.addi %add3A_235, %mul3A_234 : i32
      %broadcast_in_dim3A = arith.constant 0.000000e+00 : f32
      %broadcast_in_dim3A_237 = vector.broadcast %broadcast_in_dim3A : f32 to vector<16xf32>
      %swap3A = arith.constant 0 : i32
      %swap3A_238 = arith.constant 0 : i32
      %swap3A_239 = tpu.memref_slice %arg9[%scan3A, %swap3A, %swap3A_238] : memref<2x80x128xf32, #tpu.memory_space<vmem>> -> memref<1x80x128xf32, #tpu.memory_space<vmem>>
      %swap3A_240 = tpu.memref_squeeze %swap3A_239 : memref<1x80x128xf32, #tpu.memory_space<vmem>> -> memref<80x128xf32, #tpu.memory_space<vmem>>
      %swap3A_241 = arith.index_cast %add3A_236 : i32 to index
      %swap3A_242 = arith.constant 0 : index
      %swap3A_243 = tpu.vector_load %swap3A_240[%swap3A_241, %swap3A_242] {strides = array<i32>} : memref<80x128xf32, #tpu.memory_space<vmem>>, vector<16xf32>,
      tpu.vector_store %swap3A_240[%swap3A_241, %swap3A_242], %broadcast_in_dim3A_237 {strides = array<i32>} : memref<80x128xf32, #tpu.memory_space<vmem>>, vector<16xf32>,
      %broadcast_in_dim3A_244 = arith.constant 0.000000e+00 : f32
      %broadcast_in_dim3A_245 = vector.broadcast %broadcast_in_dim3A_244 : f32 to vector<16xf32>
      %swap3A_246 = arith.constant 0 : i32
      %swap3A_247 = arith.constant 0 : i32
      %swap3A_248 = tpu.memref_slice %arg9[%scan3A, %swap3A_246, %swap3A_247] : memref<2x80x128xf32, #tpu.memory_space<vmem>> -> memref<1x80x128xf32, #tpu.memory_space<vmem>>
      %swap3A_249 = tpu.memref_squeeze %swap3A_248 : memref<1x80x128xf32, #tpu.memory_space<vmem>> -> memref<80x128xf32, #tpu.memory_space<vmem>>
      %swap3A_250 = arith.index_cast %add3A_236 : i32 to index
      %swap3A_251 = arith.constant 16 : index
      %swap3A_252 = tpu.vector_load %swap3A_249[%swap3A_250, %swap3A_251] {strides = array<i32>} : memref<80x128xf32, #tpu.memory_space<vmem>>, vector<16xf32>,
      tpu.vector_store %swap3A_249[%swap3A_250, %swap3A_251], %broadcast_in_dim3A_245 {strides = array<i32>} : memref<80x128xf32, #tpu.memory_space<vmem>>, vector<16xf32>,
      %broadcast_in_dim3A_253 = arith.constant 0.000000e+00 : f32
      %broadcast_in_dim3A_254 = vector.broadcast %broadcast_in_dim3A_253 : f32 to vector<16xf32>
      %swap3A_255 = arith.constant 0 : i32
      %swap3A_256 = arith.constant 0 : i32
      %swap3A_257 = tpu.memref_slice %arg9[%scan3A, %swap3A_255, %swap3A_256] : memref<2x80x128xf32, #tpu.memory_space<vmem>> -> memref<1x80x128xf32, #tpu.memory_space<vmem>>
      %swap3A_258 = tpu.memref_squeeze %swap3A_257 : memref<1x80x128xf32, #tpu.memory_space<vmem>> -> memref<80x128xf32, #tpu.memory_space<vmem>>
      %swap3A_259 = arith.index_cast %add3A_236 : i32 to index
      %swap3A_260 = arith.constant 32 : index
      %swap3A_261 = tpu.vector_load %swap3A_258[%swap3A_259, %swap3A_260] {strides = array<i32>} : memref<80x128xf32, #tpu.memory_space<vmem>>, vector<16xf32>,
      tpu.vector_store %swap3A_258[%swap3A_259, %swap3A_260], %broadcast_in_dim3A_254 {strides = array<i32>} : memref<80x128xf32, #tpu.memory_space<vmem>>, vector<16xf32>,
      %broadcast_in_dim3A_262 = arith.constant 0.000000e+00 : f32
      %broadcast_in_dim3A_263 = vector.broadcast %broadcast_in_dim3A_262 : f32 to vector<16xf32>
      %swap3A_264 = arith.constant 0 : i32
      %swap3A_265 = arith.constant 0 : i32
      %swap3A_266 = tpu.memref_slice %arg9[%scan3A, %swap3A_264, %swap3A_265] : memref<2x80x128xf32, #tpu.memory_space<vmem>> -> memref<1x80x128xf32, #tpu.memory_space<vmem>>
      %swap3A_267 = tpu.memref_squeeze %swap3A_266 : memref<1x80x128xf32, #tpu.memory_space<vmem>> -> memref<80x128xf32, #tpu.memory_space<vmem>>
      %swap3A_268 = arith.index_cast %add3A_236 : i32 to index
      %swap3A_269 = arith.constant 48 : index
      %swap3A_270 = tpu.vector_load %swap3A_267[%swap3A_268, %swap3A_269] {strides = array<i32>} : memref<80x128xf32, #tpu.memory_space<vmem>>, vector<16xf32>,
      tpu.vector_store %swap3A_267[%swap3A_268, %swap3A_269], %broadcast_in_dim3A_263 {strides = array<i32>} : memref<80x128xf32, #tpu.memory_space<vmem>>, vector<16xf32>,
      %broadcast_in_dim3A_271 = arith.constant 0.000000e+00 : f32
      %broadcast_in_dim3A_272 = vector.broadcast %broadcast_in_dim3A_271 : f32 to vector<16xf32>
      %swap3A_273 = arith.constant 0 : i32
      %swap3A_274 = arith.constant 0 : i32
      %swap3A_275 = tpu.memref_slice %arg9[%scan3A, %swap3A_273, %swap3A_274] : memref<2x80x128xf32, #tpu.memory_space<vmem>> -> memref<1x80x128xf32, #tpu.memory_space<vmem>>
      %swap3A_276 = tpu.memref_squeeze %swap3A_275 : memref<1x80x128xf32, #tpu.memory_space<vmem>> -> memref<80x128xf32, #tpu.memory_space<vmem>>
      %swap3A_277 = arith.index_cast %add3A_236 : i32 to index
      %swap3A_278 = arith.constant 64 : index
      %swap3A_279 = tpu.vector_load %swap3A_276[%swap3A_277, %swap3A_278] {strides = array<i32>} : memref<80x128xf32, #tpu.memory_space<vmem>>, vector<16xf32>,
      tpu.vector_store %swap3A_276[%swap3A_277, %swap3A_278], %broadcast_in_dim3A_272 {strides = array<i32>} : memref<80x128xf32, #tpu.memory_space<vmem>>, vector<16xf32>,
      %broadcast_in_dim3A_280 = arith.constant 0.000000e+00 : f32
      %broadcast_in_dim3A_281 = vector.broadcast %broadcast_in_dim3A_280 : f32 to vector<16xf32>
      %swap3A_282 = arith.constant 0 : i32
      %swap3A_283 = arith.constant 0 : i32
      %swap3A_284 = tpu.memref_slice %arg9[%scan3A, %swap3A_282, %swap3A_283] : memref<2x80x128xf32, #tpu.memory_space<vmem>> -> memref<1x80x128xf32, #tpu.memory_space<vmem>>
      %swap3A_285 = tpu.memref_squeeze %swap3A_284 : memref<1x80x128xf32, #tpu.memory_space<vmem>> -> memref<80x128xf32, #tpu.memory_space<vmem>>
      %swap3A_286 = arith.index_cast %add3A_236 : i32 to index
      %swap3A_287 = arith.constant 80 : index
      %swap3A_288 = tpu.vector_load %swap3A_285[%swap3A_286, %swap3A_287] {strides = array<i32>} : memref<80x128xf32, #tpu.memory_space<vmem>>, vector<16xf32>,
      tpu.vector_store %swap3A_285[%swap3A_286, %swap3A_287], %broadcast_in_dim3A_281 {strides = array<i32>} : memref<80x128xf32, #tpu.memory_space<vmem>>, vector<16xf32>,
      %broadcast_in_dim3A_289 = arith.constant 0.000000e+00 : f32
      %broadcast_in_dim3A_290 = vector.broadcast %broadcast_in_dim3A_289 : f32 to vector<16xf32>
      %swap3A_291 = arith.constant 0 : i32
      %swap3A_292 = arith.constant 0 : i32
      %swap3A_293 = tpu.memref_slice %arg9[%scan3A, %swap3A_291, %swap3A_292] : memref<2x80x128xf32, #tpu.memory_space<vmem>> -> memref<1x80x128xf32, #tpu.memory_space<vmem>>
      %swap3A_294 = tpu.memref_squeeze %swap3A_293 : memref<1x80x128xf32, #tpu.memory_space<vmem>> -> memref<80x128xf32, #tpu.memory_space<vmem>>
      %swap3A_295 = arith.index_cast %add3A_236 : i32 to index
      %swap3A_296 = arith.constant 96 : index
      %swap3A_297 = tpu.vector_load %swap3A_294[%swap3A_295, %swap3A_296] {strides = array<i32>} : memref<80x128xf32, #tpu.memory_space<vmem>>, vector<16xf32>,
      tpu.vector_store %swap3A_294[%swap3A_295, %swap3A_296], %broadcast_in_dim3A_290 {strides = array<i32>} : memref<80x128xf32, #tpu.memory_space<vmem>>, vector<16xf32>,
      %broadcast_in_dim3A_298 = arith.constant 0.000000e+00 : f32
      %broadcast_in_dim3A_299 = vector.broadcast %broadcast_in_dim3A_298 : f32 to vector<16xf32>
      %swap3A_300 = arith.constant 0 : i32
      %swap3A_301 = arith.constant 0 : i32
      %swap3A_302 = tpu.memref_slice %arg9[%scan3A, %swap3A_300, %swap3A_301] : memref<2x80x128xf32, #tpu.memory_space<vmem>> -> memref<1x80x128xf32, #tpu.memory_space<vmem>>
      %swap3A_303 = tpu.memref_squeeze %swap3A_302 : memref<1x80x128xf32, #tpu.memory_space<vmem>> -> memref<80x128xf32, #tpu.memory_space<vmem>>
      %swap3A_304 = arith.index_cast %add3A_236 : i32 to index
      %swap3A_305 = arith.constant 112 : index
      %swap3A_306 = tpu.vector_load %swap3A_303[%swap3A_304, %swap3A_305] {strides = array<i32>} : memref<80x128xf32, #tpu.memory_space<vmem>>, vector<16xf32>,
      tpu.vector_store %swap3A_303[%swap3A_304, %swap3A_305], %broadcast_in_dim3A_299 {strides = array<i32>} : memref<80x128xf32, #tpu.memory_space<vmem>>, vector<16xf32>,
    }
    %scan3A_5 = arith.constant 80 : i32
    %mul3A_6 = arith.constant 624 : i32
    %mul3A_7 = arith.muli %arg1, %mul3A_6 : i32
    %add3A_8 = arith.constant 0 : i32
    %add3A_9 = arith.addi %mul3A_7, %add3A_8 : i32
    %run_scoped3A = arith.constant 0 : i32
    "tpu.region"() ({
      %run_scoped3A_232 = tpu.sem_alloc : memref<!tpu.dma_semaphore, #tpu.memory_space<semaphore_mem>>
      %dma_start3A_233 = arith.constant 0 : i32
      %dma_start3A_234 = arith.constant 0 : i32
      %dma_start3A_235 = tpu.memref_slice %arg9[%run_scoped3A, %dma_start3A_233, %dma_start3A_234] : memref<2x80x128xf32, #tpu.memory_space<vmem>> -> memref<1x80x128xf32, #tpu.memory_space<vmem>>
      %dma_start3A_236 = tpu.memref_squeeze %dma_start3A_235 : memref<1x80x128xf32, #tpu.memory_space<vmem>> -> memref<80x128xf32, #tpu.memory_space<vmem>>
      %dma_start3A_237 = arith.constant 0 : i32
      %dma_start3A_238 = tpu.memref_slice %arg11[%add3A_9, %dma_start3A_237] : memref<10000x128xf32, #tpu.memory_space<vmem_shared>> -> memref<80x128xf32, #tpu.memory_space<vmem_shared>>
      %dma_start3A_239 = arith.constant 0 : i32
      %dma_start3A_240 = tpu.memref_slice %arg11[%add3A_9, %dma_start3A_239] : memref<10000x128xf32, #tpu.memory_space<vmem_shared>> -> memref<80x128xf32, #tpu.memory_space<vmem_shared>>
      %dma_start3A_241 = arith.constant 0 : i32
      %dma_start3A_242 = arith.constant 0 : i32
      %dma_start3A_243 = tpu.memref_slice %arg9[%run_scoped3A, %dma_start3A_241, %dma_start3A_242] : memref<2x80x128xf32, #tpu.memory_space<vmem>> -> memref<1x80x128xf32, #tpu.memory_space<vmem>>
      %dma_start3A_244 = tpu.memref_squeeze %dma_start3A_243 : memref<1x80x128xf32, #tpu.memory_space<vmem>> -> memref<80x128xf32, #tpu.memory_space<vmem>>
      tpu.enqueue_dma source(%dma_start3A_244 : memref<80x128xf32, #tpu.memory_space<vmem>>) target(%dma_start3A_240 : memref<80x128xf32, #tpu.memory_space<vmem_shared>>) target_semaphore(%run_scoped3A_232 : memref<!tpu.dma_semaphore, #tpu.memory_space<semaphore_mem>>)
      %dma_wait3A_245 = arith.constant 0 : i32
      %dma_wait3A_246 = arith.constant 0 : i32
      %dma_wait3A_247 = tpu.memref_slice %arg9[%run_scoped3A, %dma_wait3A_245, %dma_wait3A_246] : memref<2x80x128xf32, #tpu.memory_space<vmem>> -> memref<1x80x128xf32, #tpu.memory_space<vmem>>
      %dma_wait3A_248 = tpu.memref_squeeze %dma_wait3A_247 : memref<1x80x128xf32, #tpu.memory_space<vmem>> -> memref<80x128xf32, #tpu.memory_space<vmem>>
      %dma_wait3A_249 = arith.constant 0 : i32
      %dma_wait3A_250 = tpu.memref_slice %arg11[%add3A_9, %dma_wait3A_249] : memref<10000x128xf32, #tpu.memory_space<vmem_shared>> -> memref<80x128xf32, #tpu.memory_space<vmem_shared>>
      %dma_wait3A_251 = arith.constant 0 : i32
      %dma_wait3A_252 = tpu.memref_slice %arg11[%add3A_9, %dma_wait3A_251] : memref<10000x128xf32, #tpu.memory_space<vmem_shared>> -> memref<80x128xf32, #tpu.memory_space<vmem_shared>>
      %dma_wait3A_253 = arith.constant 0 : i32
      %dma_wait3A_254 = arith.constant 0 : i32
      %dma_wait3A_255 = tpu.memref_slice %arg9[%run_scoped3A, %dma_wait3A_253, %dma_wait3A_254] : memref<2x80x128xf32, #tpu.memory_space<vmem>> -> memref<1x80x128xf32, #tpu.memory_space<vmem>>
      %dma_wait3A_256 = tpu.memref_squeeze %dma_wait3A_255 : memref<1x80x128xf32, #tpu.memory_space<vmem>> -> memref<80x128xf32, #tpu.memory_space<vmem>>
      tpu.wait_dma2 semaphore(%run_scoped3A_232 : memref<!tpu.dma_semaphore, #tpu.memory_space<semaphore_mem>>) src(%dma_wait3A_256 : memref<80x128xf32, #tpu.memory_space<vmem>>) dst(%dma_wait3A_252 : memref<80x128xf32, #tpu.memory_space<vmem_shared>>)
      tpu.yield
    }) : () -> ()
    %add3A_10 = arith.constant 80 : i32
    %add3A_11 = arith.addi %mul3A_7, %add3A_10 : i32
    %run_scoped3A_12 = arith.constant 0 : i32
    "tpu.region"() ({
      %run_scoped3A_232 = tpu.sem_alloc : memref<!tpu.dma_semaphore, #tpu.memory_space<semaphore_mem>>
      %dma_start3A_233 = arith.constant 0 : i32
      %dma_start3A_234 = arith.constant 0 : i32
      %dma_start3A_235 = tpu.memref_slice %arg9[%run_scoped3A_12, %dma_start3A_233, %dma_start3A_234] : memref<2x80x128xf32, #tpu.memory_space<vmem>> -> memref<1x80x128xf32, #tpu.memory_space<vmem>>
      %dma_start3A_236 = tpu.memref_squeeze %dma_start3A_235 : memref<1x80x128xf32, #tpu.memory_space<vmem>> -> memref<80x128xf32, #tpu.memory_space<vmem>>
      %dma_start3A_237 = arith.constant 0 : i32
      %dma_start3A_238 = tpu.memref_slice %arg11[%add3A_11, %dma_start3A_237] : memref<10000x128xf32, #tpu.memory_space<vmem_shared>> -> memref<80x128xf32, #tpu.memory_space<vmem_shared>>
      %dma_start3A_239 = arith.constant 0 : i32
      %dma_start3A_240 = tpu.memref_slice %arg11[%add3A_11, %dma_start3A_239] : memref<10000x128xf32, #tpu.memory_space<vmem_shared>> -> memref<80x128xf32, #tpu.memory_space<vmem_shared>>
      %dma_start3A_241 = arith.constant 0 : i32
      %dma_start3A_242 = arith.constant 0 : i32
      %dma_start3A_243 = tpu.memref_slice %arg9[%run_scoped3A_12, %dma_start3A_241, %dma_start3A_242] : memref<2x80x128xf32, #tpu.memory_space<vmem>> -> memref<1x80x128xf32, #tpu.memory_space<vmem>>
      %dma_start3A_244 = tpu.memref_squeeze %dma_start3A_243 : memref<1x80x128xf32, #tpu.memory_space<vmem>> -> memref<80x128xf32, #tpu.memory_space<vmem>>
      tpu.enqueue_dma source(%dma_start3A_244 : memref<80x128xf32, #tpu.memory_space<vmem>>) target(%dma_start3A_240 : memref<80x128xf32, #tpu.memory_space<vmem_shared>>) target_semaphore(%run_scoped3A_232 : memref<!tpu.dma_semaphore, #tpu.memory_space<semaphore_mem>>)
      %dma_wait3A_245 = arith.constant 0 : i32
      %dma_wait3A_246 = arith.constant 0 : i32
      %dma_wait3A_247 = tpu.memref_slice %arg9[%run_scoped3A_12, %dma_wait3A_245, %dma_wait3A_246] : memref<2x80x128xf32, #tpu.memory_space<vmem>> -> memref<1x80x128xf32, #tpu.memory_space<vmem>>
      %dma_wait3A_248 = tpu.memref_squeeze %dma_wait3A_247 : memref<1x80x128xf32, #tpu.memory_space<vmem>> -> memref<80x128xf32, #tpu.memory_space<vmem>>
      %dma_wait3A_249 = arith.constant 0 : i32
      %dma_wait3A_250 = tpu.memref_slice %arg11[%add3A_11, %dma_wait3A_249] : memref<10000x128xf32, #tpu.memory_space<vmem_shared>> -> memref<80x128xf32, #tpu.memory_space<vmem_shared>>
      %dma_wait3A_251 = arith.constant 0 : i32
      %dma_wait3A_252 = tpu.memref_slice %arg11[%add3A_11, %dma_wait3A_251] : memref<10000x128xf32, #tpu.memory_space<vmem_shared>> -> memref<80x128xf32, #tpu.memory_space<vmem_shared>>
      %dma_wait3A_253 = arith.constant 0 : i32
      %dma_wait3A_254 = arith.constant 0 : i32
      %dma_wait3A_255 = tpu.memref_slice %arg9[%run_scoped3A_12, %dma_wait3A_253, %dma_wait3A_254] : memref<2x80x128xf32, #tpu.memory_space<vmem>> -> memref<1x80x128xf32, #tpu.memory_space<vmem>>
      %dma_wait3A_256 = tpu.memref_squeeze %dma_wait3A_255 : memref<1x80x128xf32, #tpu.memory_space<vmem>> -> memref<80x128xf32, #tpu.memory_space<vmem>>
      tpu.wait_dma2 semaphore(%run_scoped3A_232 : memref<!tpu.dma_semaphore, #tpu.memory_space<semaphore_mem>>) src(%dma_wait3A_256 : memref<80x128xf32, #tpu.memory_space<vmem>>) dst(%dma_wait3A_252 : memref<80x128xf32, #tpu.memory_space<vmem_shared>>)
      tpu.yield
    }) : () -> ()
    %add3A_13 = arith.constant 160 : i32
    %add3A_14 = arith.addi %mul3A_7, %add3A_13 : i32
    %run_scoped3A_15 = arith.constant 0 : i32
    "tpu.region"() ({
      %run_scoped3A_232 = tpu.sem_alloc : memref<!tpu.dma_semaphore, #tpu.memory_space<semaphore_mem>>
      %dma_start3A_233 = arith.constant 0 : i32
      %dma_start3A_234 = arith.constant 0 : i32
      %dma_start3A_235 = tpu.memref_slice %arg9[%run_scoped3A_15, %dma_start3A_233, %dma_start3A_234] : memref<2x80x128xf32, #tpu.memory_space<vmem>> -> memref<1x80x128xf32, #tpu.memory_space<vmem>>
      %dma_start3A_236 = tpu.memref_squeeze %dma_start3A_235 : memref<1x80x128xf32, #tpu.memory_space<vmem>> -> memref<80x128xf32, #tpu.memory_space<vmem>>
      %dma_start3A_237 = arith.constant 0 : i32
      %dma_start3A_238 = tpu.memref_slice %arg11[%add3A_14, %dma_start3A_237] : memref<10000x128xf32, #tpu.memory_space<vmem_shared>> -> memref<80x128xf32, #tpu.memory_space<vmem_shared>>
      %dma_start3A_239 = arith.constant 0 : i32
      %dma_start3A_240 = tpu.memref_slice %arg11[%add3A_14, %dma_start3A_239] : memref<10000x128xf32, #tpu.memory_space<vmem_shared>> -> memref<80x128xf32, #tpu.memory_space<vmem_shared>>
      %dma_start3A_241 = arith.constant 0 : i32
      %dma_start3A_242 = arith.constant 0 : i32
      %dma_start3A_243 = tpu.memref_slice %arg9[%run_scoped3A_15, %dma_start3A_241, %dma_start3A_242] : memref<2x80x128xf32, #tpu.memory_space<vmem>> -> memref<1x80x128xf32, #tpu.memory_space<vmem>>
      %dma_start3A_244 = tpu.memref_squeeze %dma_start3A_243 : memref<1x80x128xf32, #tpu.memory_space<vmem>> -> memref<80x128xf32, #tpu.memory_space<vmem>>
      tpu.enqueue_dma source(%dma_start3A_244 : memref<80x128xf32, #tpu.memory_space<vmem>>) target(%dma_start3A_240 : memref<80x128xf32, #tpu.memory_space<vmem_shared>>) target_semaphore(%run_scoped3A_232 : memref<!tpu.dma_semaphore, #tpu.memory_space<semaphore_mem>>)
      %dma_wait3A_245 = arith.constant 0 : i32
      %dma_wait3A_246 = arith.constant 0 : i32
      %dma_wait3A_247 = tpu.memref_slice %arg9[%run_scoped3A_15, %dma_wait3A_245, %dma_wait3A_246] : memref<2x80x128xf32, #tpu.memory_space<vmem>> -> memref<1x80x128xf32, #tpu.memory_space<vmem>>
      %dma_wait3A_248 = tpu.memref_squeeze %dma_wait3A_247 : memref<1x80x128xf32, #tpu.memory_space<vmem>> -> memref<80x128xf32, #tpu.memory_space<vmem>>
      %dma_wait3A_249 = arith.constant 0 : i32
      %dma_wait3A_250 = tpu.memref_slice %arg11[%add3A_14, %dma_wait3A_249] : memref<10000x128xf32, #tpu.memory_space<vmem_shared>> -> memref<80x128xf32, #tpu.memory_space<vmem_shared>>
      %dma_wait3A_251 = arith.constant 0 : i32
      %dma_wait3A_252 = tpu.memref_slice %arg11[%add3A_14, %dma_wait3A_251] : memref<10000x128xf32, #tpu.memory_space<vmem_shared>> -> memref<80x128xf32, #tpu.memory_space<vmem_shared>>
      %dma_wait3A_253 = arith.constant 0 : i32
      %dma_wait3A_254 = arith.constant 0 : i32
      %dma_wait3A_255 = tpu.memref_slice %arg9[%run_scoped3A_15, %dma_wait3A_253, %dma_wait3A_254] : memref<2x80x128xf32, #tpu.memory_space<vmem>> -> memref<1x80x128xf32, #tpu.memory_space<vmem>>
      %dma_wait3A_256 = tpu.memref_squeeze %dma_wait3A_255 : memref<1x80x128xf32, #tpu.memory_space<vmem>> -> memref<80x128xf32, #tpu.memory_space<vmem>>
      tpu.wait_dma2 semaphore(%run_scoped3A_232 : memref<!tpu.dma_semaphore, #tpu.memory_space<semaphore_mem>>) src(%dma_wait3A_256 : memref<80x128xf32, #tpu.memory_space<vmem>>) dst(%dma_wait3A_252 : memref<80x128xf32, #tpu.memory_space<vmem_shared>>)
      tpu.yield
    }) : () -> ()
    %add3A_16 = arith.constant 240 : i32
    %add3A_17 = arith.addi %mul3A_7, %add3A_16 : i32
    %run_scoped3A_18 = arith.constant 0 : i32
    "tpu.region"() ({
      %run_scoped3A_232 = tpu.sem_alloc : memref<!tpu.dma_semaphore, #tpu.memory_space<semaphore_mem>>
      %dma_start3A_233 = arith.constant 0 : i32
      %dma_start3A_234 = arith.constant 0 : i32
      %dma_start3A_235 = tpu.memref_slice %arg9[%run_scoped3A_18, %dma_start3A_233, %dma_start3A_234] : memref<2x80x128xf32, #tpu.memory_space<vmem>> -> memref<1x80x128xf32, #tpu.memory_space<vmem>>
      %dma_start3A_236 = tpu.memref_squeeze %dma_start3A_235 : memref<1x80x128xf32, #tpu.memory_space<vmem>> -> memref<80x128xf32, #tpu.memory_space<vmem>>
      %dma_start3A_237 = arith.constant 0 : i32
      %dma_start3A_238 = tpu.memref_slice %arg11[%add3A_17, %dma_start3A_237] : memref<10000x128xf32, #tpu.memory_space<vmem_shared>> -> memref<80x128xf32, #tpu.memory_space<vmem_shared>>
      %dma_start3A_239 = arith.constant 0 : i32
      %dma_start3A_240 = tpu.memref_slice %arg11[%add3A_17, %dma_start3A_239] : memref<10000x128xf32, #tpu.memory_space<vmem_shared>> -> memref<80x128xf32, #tpu.memory_space<vmem_shared>>
      %dma_start3A_241 = arith.constant 0 : i32
      %dma_start3A_242 = arith.constant 0 : i32
      %dma_start3A_243 = tpu.memref_slice %arg9[%run_scoped3A_18, %dma_start3A_241, %dma_start3A_242] : memref<2x80x128xf32, #tpu.memory_space<vmem>> -> memref<1x80x128xf32, #tpu.memory_space<vmem>>
      %dma_start3A_244 = tpu.memref_squeeze %dma_start3A_243 : memref<1x80x128xf32, #tpu.memory_space<vmem>> -> memref<80x128xf32, #tpu.memory_space<vmem>>
      tpu.enqueue_dma source(%dma_start3A_244 : memref<80x128xf32, #tpu.memory_space<vmem>>) target(%dma_start3A_240 : memref<80x128xf32, #tpu.memory_space<vmem_shared>>) target_semaphore(%run_scoped3A_232 : memref<!tpu.dma_semaphore, #tpu.memory_space<semaphore_mem>>)
      %dma_wait3A_245 = arith.constant 0 : i32
      %dma_wait3A_246 = arith.constant 0 : i32
      %dma_wait3A_247 = tpu.memref_slice %arg9[%run_scoped3A_18, %dma_wait3A_245, %dma_wait3A_246] : memref<2x80x128xf32, #tpu.memory_space<vmem>> -> memref<1x80x128xf32, #tpu.memory_space<vmem>>
      %dma_wait3A_248 = tpu.memref_squeeze %dma_wait3A_247 : memref<1x80x128xf32, #tpu.memory_space<vmem>> -> memref<80x128xf32, #tpu.memory_space<vmem>>
      %dma_wait3A_249 = arith.constant 0 : i32
      %dma_wait3A_250 = tpu.memref_slice %arg11[%add3A_17, %dma_wait3A_249] : memref<10000x128xf32, #tpu.memory_space<vmem_shared>> -> memref<80x128xf32, #tpu.memory_space<vmem_shared>>
      %dma_wait3A_251 = arith.constant 0 : i32
      %dma_wait3A_252 = tpu.memref_slice %arg11[%add3A_17, %dma_wait3A_251] : memref<10000x128xf32, #tpu.memory_space<vmem_shared>> -> memref<80x128xf32, #tpu.memory_space<vmem_shared>>
      %dma_wait3A_253 = arith.constant 0 : i32
      %dma_wait3A_254 = arith.constant 0 : i32
      %dma_wait3A_255 = tpu.memref_slice %arg9[%run_scoped3A_18, %dma_wait3A_253, %dma_wait3A_254] : memref<2x80x128xf32, #tpu.memory_space<vmem>> -> memref<1x80x128xf32, #tpu.memory_space<vmem>>
      %dma_wait3A_256 = tpu.memref_squeeze %dma_wait3A_255 : memref<1x80x128xf32, #tpu.memory_space<vmem>> -> memref<80x128xf32, #tpu.memory_space<vmem>>
      tpu.wait_dma2 semaphore(%run_scoped3A_232 : memref<!tpu.dma_semaphore, #tpu.memory_space<semaphore_mem>>) src(%dma_wait3A_256 : memref<80x128xf32, #tpu.memory_space<vmem>>) dst(%dma_wait3A_252 : memref<80x128xf32, #tpu.memory_space<vmem_shared>>)
      tpu.yield
    }) : () -> ()
    %add3A_19 = arith.constant 320 : i32
    %add3A_20 = arith.addi %mul3A_7, %add3A_19 : i32
    %run_scoped3A_21 = arith.constant 0 : i32
    "tpu.region"() ({
      %run_scoped3A_232 = tpu.sem_alloc : memref<!tpu.dma_semaphore, #tpu.memory_space<semaphore_mem>>
      %dma_start3A_233 = arith.constant 0 : i32
      %dma_start3A_234 = arith.constant 0 : i32
      %dma_start3A_235 = tpu.memref_slice %arg9[%run_scoped3A_21, %dma_start3A_233, %dma_start3A_234] : memref<2x80x128xf32, #tpu.memory_space<vmem>> -> memref<1x80x128xf32, #tpu.memory_space<vmem>>
      %dma_start3A_236 = tpu.memref_squeeze %dma_start3A_235 : memref<1x80x128xf32, #tpu.memory_space<vmem>> -> memref<80x128xf32, #tpu.memory_space<vmem>>
      %dma_start3A_237 = arith.constant 0 : i32
      %dma_start3A_238 = tpu.memref_slice %arg11[%add3A_20, %dma_start3A_237] : memref<10000x128xf32, #tpu.memory_space<vmem_shared>> -> memref<80x128xf32, #tpu.memory_space<vmem_shared>>
      %dma_start3A_239 = arith.constant 0 : i32
      %dma_start3A_240 = tpu.memref_slice %arg11[%add3A_20, %dma_start3A_239] : memref<10000x128xf32, #tpu.memory_space<vmem_shared>> -> memref<80x128xf32, #tpu.memory_space<vmem_shared>>
      %dma_start3A_241 = arith.constant 0 : i32
      %dma_start3A_242 = arith.constant 0 : i32
      %dma_start3A_243 = tpu.memref_slice %arg9[%run_scoped3A_21, %dma_start3A_241, %dma_start3A_242] : memref<2x80x128xf32, #tpu.memory_space<vmem>> -> memref<1x80x128xf32, #tpu.memory_space<vmem>>
      %dma_start3A_244 = tpu.memref_squeeze %dma_start3A_243 : memref<1x80x128xf32, #tpu.memory_space<vmem>> -> memref<80x128xf32, #tpu.memory_space<vmem>>
      tpu.enqueue_dma source(%dma_start3A_244 : memref<80x128xf32, #tpu.memory_space<vmem>>) target(%dma_start3A_240 : memref<80x128xf32, #tpu.memory_space<vmem_shared>>) target_semaphore(%run_scoped3A_232 : memref<!tpu.dma_semaphore, #tpu.memory_space<semaphore_mem>>)
      %dma_wait3A_245 = arith.constant 0 : i32
      %dma_wait3A_246 = arith.constant 0 : i32
      %dma_wait3A_247 = tpu.memref_slice %arg9[%run_scoped3A_21, %dma_wait3A_245, %dma_wait3A_246] : memref<2x80x128xf32, #tpu.memory_space<vmem>> -> memref<1x80x128xf32, #tpu.memory_space<vmem>>
      %dma_wait3A_248 = tpu.memref_squeeze %dma_wait3A_247 : memref<1x80x128xf32, #tpu.memory_space<vmem>> -> memref<80x128xf32, #tpu.memory_space<vmem>>
      %dma_wait3A_249 = arith.constant 0 : i32
      %dma_wait3A_250 = tpu.memref_slice %arg11[%add3A_20, %dma_wait3A_249] : memref<10000x128xf32, #tpu.memory_space<vmem_shared>> -> memref<80x128xf32, #tpu.memory_space<vmem_shared>>
      %dma_wait3A_251 = arith.constant 0 : i32
      %dma_wait3A_252 = tpu.memref_slice %arg11[%add3A_20, %dma_wait3A_251] : memref<10000x128xf32, #tpu.memory_space<vmem_shared>> -> memref<80x128xf32, #tpu.memory_space<vmem_shared>>
      %dma_wait3A_253 = arith.constant 0 : i32
      %dma_wait3A_254 = arith.constant 0 : i32
      %dma_wait3A_255 = tpu.memref_slice %arg9[%run_scoped3A_21, %dma_wait3A_253, %dma_wait3A_254] : memref<2x80x128xf32, #tpu.memory_space<vmem>> -> memref<1x80x128xf32, #tpu.memory_space<vmem>>
      %dma_wait3A_256 = tpu.memref_squeeze %dma_wait3A_255 : memref<1x80x128xf32, #tpu.memory_space<vmem>> -> memref<80x128xf32, #tpu.memory_space<vmem>>
      tpu.wait_dma2 semaphore(%run_scoped3A_232 : memref<!tpu.dma_semaphore, #tpu.memory_space<semaphore_mem>>) src(%dma_wait3A_256 : memref<80x128xf32, #tpu.memory_space<vmem>>) dst(%dma_wait3A_252 : memref<80x128xf32, #tpu.memory_space<vmem_shared>>)
      tpu.yield
    }) : () -> ()
    %add3A_22 = arith.constant 400 : i32
    %add3A_23 = arith.addi %mul3A_7, %add3A_22 : i32
    %run_scoped3A_24 = arith.constant 0 : i32
    "tpu.region"() ({
      %run_scoped3A_232 = tpu.sem_alloc : memref<!tpu.dma_semaphore, #tpu.memory_space<semaphore_mem>>
      %dma_start3A_233 = arith.constant 0 : i32
      %dma_start3A_234 = arith.constant 0 : i32
      %dma_start3A_235 = tpu.memref_slice %arg9[%run_scoped3A_24, %dma_start3A_233, %dma_start3A_234] : memref<2x80x128xf32, #tpu.memory_space<vmem>> -> memref<1x80x128xf32, #tpu.memory_space<vmem>>
      %dma_start3A_236 = tpu.memref_squeeze %dma_start3A_235 : memref<1x80x128xf32, #tpu.memory_space<vmem>> -> memref<80x128xf32, #tpu.memory_space<vmem>>
      %dma_start3A_237 = arith.constant 0 : i32
      %dma_start3A_238 = tpu.memref_slice %arg11[%add3A_23, %dma_start3A_237] : memref<10000x128xf32, #tpu.memory_space<vmem_shared>> -> memref<80x128xf32, #tpu.memory_space<vmem_shared>>
      %dma_start3A_239 = arith.constant 0 : i32
      %dma_start3A_240 = tpu.memref_slice %arg11[%add3A_23, %dma_start3A_239] : memref<10000x128xf32, #tpu.memory_space<vmem_shared>> -> memref<80x128xf32, #tpu.memory_space<vmem_shared>>
      %dma_start3A_241 = arith.constant 0 : i32
      %dma_start3A_242 = arith.constant 0 : i32
      %dma_start3A_243 = tpu.memref_slice %arg9[%run_scoped3A_24, %dma_start3A_241, %dma_start3A_242] : memref<2x80x128xf32, #tpu.memory_space<vmem>> -> memref<1x80x128xf32, #tpu.memory_space<vmem>>
      %dma_start3A_244 = tpu.memref_squeeze %dma_start3A_243 : memref<1x80x128xf32, #tpu.memory_space<vmem>> -> memref<80x128xf32, #tpu.memory_space<vmem>>
      tpu.enqueue_dma source(%dma_start3A_244 : memref<80x128xf32, #tpu.memory_space<vmem>>) target(%dma_start3A_240 : memref<80x128xf32, #tpu.memory_space<vmem_shared>>) target_semaphore(%run_scoped3A_232 : memref<!tpu.dma_semaphore, #tpu.memory_space<semaphore_mem>>)
      %dma_wait3A_245 = arith.constant 0 : i32
      %dma_wait3A_246 = arith.constant 0 : i32
      %dma_wait3A_247 = tpu.memref_slice %arg9[%run_scoped3A_24, %dma_wait3A_245, %dma_wait3A_246] : memref<2x80x128xf32, #tpu.memory_space<vmem>> -> memref<1x80x128xf32, #tpu.memory_space<vmem>>
      %dma_wait3A_248 = tpu.memref_squeeze %dma_wait3A_247 : memref<1x80x128xf32, #tpu.memory_space<vmem>> -> memref<80x128xf32, #tpu.memory_space<vmem>>
      %dma_wait3A_249 = arith.constant 0 : i32
      %dma_wait3A_250 = tpu.memref_slice %arg11[%add3A_23, %dma_wait3A_249] : memref<10000x128xf32, #tpu.memory_space<vmem_shared>> -> memref<80x128xf32, #tpu.memory_space<vmem_shared>>
      %dma_wait3A_251 = arith.constant 0 : i32
      %dma_wait3A_252 = tpu.memref_slice %arg11[%add3A_23, %dma_wait3A_251] : memref<10000x128xf32, #tpu.memory_space<vmem_shared>> -> memref<80x128xf32, #tpu.memory_space<vmem_shared>>
      %dma_wait3A_253 = arith.constant 0 : i32
      %dma_wait3A_254 = arith.constant 0 : i32
      %dma_wait3A_255 = tpu.memref_slice %arg9[%run_scoped3A_24, %dma_wait3A_253, %dma_wait3A_254] : memref<2x80x128xf32, #tpu.memory_space<vmem>> -> memref<1x80x128xf32, #tpu.memory_space<vmem>>
      %dma_wait3A_256 = tpu.memref_squeeze %dma_wait3A_255 : memref<1x80x128xf32, #tpu.memory_space<vmem>> -> memref<80x128xf32, #tpu.memory_space<vmem>>
      tpu.wait_dma2 semaphore(%run_scoped3A_232 : memref<!tpu.dma_semaphore, #tpu.memory_space<semaphore_mem>>) src(%dma_wait3A_256 : memref<80x128xf32, #tpu.memory_space<vmem>>) dst(%dma_wait3A_252 : memref<80x128xf32, #tpu.memory_space<vmem_shared>>)
      tpu.yield
    }) : () -> ()
    %add3A_25 = arith.constant 480 : i32
    %add3A_26 = arith.addi %mul3A_7, %add3A_25 : i32
    %run_scoped3A_27 = arith.constant 0 : i32
    "tpu.region"() ({
      %run_scoped3A_232 = tpu.sem_alloc : memref<!tpu.dma_semaphore, #tpu.memory_space<semaphore_mem>>
      %dma_start3A_233 = arith.constant 0 : i32
      %dma_start3A_234 = arith.constant 0 : i32
      %dma_start3A_235 = tpu.memref_slice %arg9[%run_scoped3A_27, %dma_start3A_233, %dma_start3A_234] : memref<2x80x128xf32, #tpu.memory_space<vmem>> -> memref<1x80x128xf32, #tpu.memory_space<vmem>>
      %dma_start3A_236 = tpu.memref_squeeze %dma_start3A_235 : memref<1x80x128xf32, #tpu.memory_space<vmem>> -> memref<80x128xf32, #tpu.memory_space<vmem>>
      %dma_start3A_237 = arith.constant 0 : i32
      %dma_start3A_238 = tpu.memref_slice %arg11[%add3A_26, %dma_start3A_237] : memref<10000x128xf32, #tpu.memory_space<vmem_shared>> -> memref<80x128xf32, #tpu.memory_space<vmem_shared>>
      %dma_start3A_239 = arith.constant 0 : i32
      %dma_start3A_240 = tpu.memref_slice %arg11[%add3A_26, %dma_start3A_239] : memref<10000x128xf32, #tpu.memory_space<vmem_shared>> -> memref<80x128xf32, #tpu.memory_space<vmem_shared>>
      %dma_start3A_241 = arith.constant 0 : i32
      %dma_start3A_242 = arith.constant 0 : i32
      %dma_start3A_243 = tpu.memref_slice %arg9[%run_scoped3A_27, %dma_start3A_241, %dma_start3A_242] : memref<2x80x128xf32, #tpu.memory_space<vmem>> -> memref<1x80x128xf32, #tpu.memory_space<vmem>>
      %dma_start3A_244 = tpu.memref_squeeze %dma_start3A_243 : memref<1x80x128xf32, #tpu.memory_space<vmem>> -> memref<80x128xf32, #tpu.memory_space<vmem>>
      tpu.enqueue_dma source(%dma_start3A_244 : memref<80x128xf32, #tpu.memory_space<vmem>>) target(%dma_start3A_240 : memref<80x128xf32, #tpu.memory_space<vmem_shared>>) target_semaphore(%run_scoped3A_232 : memref<!tpu.dma_semaphore, #tpu.memory_space<semaphore_mem>>)
      %dma_wait3A_245 = arith.constant 0 : i32
      %dma_wait3A_246 = arith.constant 0 : i32
      %dma_wait3A_247 = tpu.memref_slice %arg9[%run_scoped3A_27, %dma_wait3A_245, %dma_wait3A_246] : memref<2x80x128xf32, #tpu.memory_space<vmem>> -> memref<1x80x128xf32, #tpu.memory_space<vmem>>
      %dma_wait3A_248 = tpu.memref_squeeze %dma_wait3A_247 : memref<1x80x128xf32, #tpu.memory_space<vmem>> -> memref<80x128xf32, #tpu.memory_space<vmem>>
      %dma_wait3A_249 = arith.constant 0 : i32
      %dma_wait3A_250 = tpu.memref_slice %arg11[%add3A_26, %dma_wait3A_249] : memref<10000x128xf32, #tpu.memory_space<vmem_shared>> -> memref<80x128xf32, #tpu.memory_space<vmem_shared>>
      %dma_wait3A_251 = arith.constant 0 : i32
      %dma_wait3A_252 = tpu.memref_slice %arg11[%add3A_26, %dma_wait3A_251] : memref<10000x128xf32, #tpu.memory_space<vmem_shared>> -> memref<80x128xf32, #tpu.memory_space<vmem_shared>>
      %dma_wait3A_253 = arith.constant 0 : i32
      %dma_wait3A_254 = arith.constant 0 : i32
      %dma_wait3A_255 = tpu.memref_slice %arg9[%run_scoped3A_27, %dma_wait3A_253, %dma_wait3A_254] : memref<2x80x128xf32, #tpu.memory_space<vmem>> -> memref<1x80x128xf32, #tpu.memory_space<vmem>>
      %dma_wait3A_256 = tpu.memref_squeeze %dma_wait3A_255 : memref<1x80x128xf32, #tpu.memory_space<vmem>> -> memref<80x128xf32, #tpu.memory_space<vmem>>
      tpu.wait_dma2 semaphore(%run_scoped3A_232 : memref<!tpu.dma_semaphore, #tpu.memory_space<semaphore_mem>>) src(%dma_wait3A_256 : memref<80x128xf32, #tpu.memory_space<vmem>>) dst(%dma_wait3A_252 : memref<80x128xf32, #tpu.memory_space<vmem_shared>>)
      tpu.yield
    }) : () -> ()
    %add3A_28 = arith.constant 560 : i32
    %add3A_29 = arith.addi %mul3A_7, %add3A_28 : i32
    %run_scoped3A_30 = arith.constant 0 : i32
    "tpu.region"() ({
      %run_scoped3A_232 = tpu.sem_alloc : memref<!tpu.dma_semaphore, #tpu.memory_space<semaphore_mem>>
      %dma_start3A_233 = arith.constant 0 : i32
      %dma_start3A_234 = arith.constant 0 : i32
      %dma_start3A_235 = tpu.memref_slice %arg9[%run_scoped3A_30, %dma_start3A_233, %dma_start3A_234] : memref<2x80x128xf32, #tpu.memory_space<vmem>> -> memref<1x80x128xf32, #tpu.memory_space<vmem>>
      %dma_start3A_236 = tpu.memref_squeeze %dma_start3A_235 : memref<1x80x128xf32, #tpu.memory_space<vmem>> -> memref<80x128xf32, #tpu.memory_space<vmem>>
      %dma_start3A_237 = arith.constant 0 : i32
      %dma_start3A_238 = arith.constant 0 : i32
      %dma_start3A_239 = tpu.memref_slice %dma_start3A_236[%dma_start3A_237, %dma_start3A_238] : memref<80x128xf32, #tpu.memory_space<vmem>> -> memref<64x128xf32, #tpu.memory_space<vmem>>
      %dma_start3A_240 = arith.constant 0 : i32
      %dma_start3A_241 = tpu.memref_slice %arg11[%add3A_29, %dma_start3A_240] : memref<10000x128xf32, #tpu.memory_space<vmem_shared>> -> memref<64x128xf32, #tpu.memory_space<vmem_shared>>
      %dma_start3A_242 = arith.constant 0 : i32
      %dma_start3A_243 = tpu.memref_slice %arg11[%add3A_29, %dma_start3A_242] : memref<10000x128xf32, #tpu.memory_space<vmem_shared>> -> memref<64x128xf32, #tpu.memory_space<vmem_shared>>
      %dma_start3A_244 = arith.constant 0 : i32
      %dma_start3A_245 = arith.constant 0 : i32
      %dma_start3A_246 = tpu.memref_slice %arg9[%run_scoped3A_30, %dma_start3A_244, %dma_start3A_245] : memref<2x80x128xf32, #tpu.memory_space<vmem>> -> memref<1x80x128xf32, #tpu.memory_space<vmem>>
      %dma_start3A_247 = tpu.memref_squeeze %dma_start3A_246 : memref<1x80x128xf32, #tpu.memory_space<vmem>> -> memref<80x128xf32, #tpu.memory_space<vmem>>
      %dma_start3A_248 = arith.constant 0 : i32
      %dma_start3A_249 = arith.constant 0 : i32
      %dma_start3A_250 = tpu.memref_slice %dma_start3A_247[%dma_start3A_248, %dma_start3A_249] : memref<80x128xf32, #tpu.memory_space<vmem>> -> memref<64x128xf32, #tpu.memory_space<vmem>>
      tpu.enqueue_dma source(%dma_start3A_250 : memref<64x128xf32, #tpu.memory_space<vmem>>) target(%dma_start3A_243 : memref<64x128xf32, #tpu.memory_space<vmem_shared>>) target_semaphore(%run_scoped3A_232 : memref<!tpu.dma_semaphore, #tpu.memory_space<semaphore_mem>>)
      %dma_wait3A_251 = arith.constant 0 : i32
      %dma_wait3A_252 = arith.constant 0 : i32
      %dma_wait3A_253 = tpu.memref_slice %arg9[%run_scoped3A_30, %dma_wait3A_251, %dma_wait3A_252] : memref<2x80x128xf32, #tpu.memory_space<vmem>> -> memref<1x80x128xf32, #tpu.memory_space<vmem>>
      %dma_wait3A_254 = tpu.memref_squeeze %dma_wait3A_253 : memref<1x80x128xf32, #tpu.memory_space<vmem>> -> memref<80x128xf32, #tpu.memory_space<vmem>>
      %dma_wait3A_255 = arith.constant 0 : i32
      %dma_wait3A_256 = arith.constant 0 : i32
      %dma_wait3A_257 = tpu.memref_slice %dma_wait3A_254[%dma_wait3A_255, %dma_wait3A_256] : memref<80x128xf32, #tpu.memory_space<vmem>> -> memref<64x128xf32, #tpu.memory_space<vmem>>
      %dma_wait3A_258 = arith.constant 0 : i32
      %dma_wait3A_259 = tpu.memref_slice %arg11[%add3A_29, %dma_wait3A_258] : memref<10000x128xf32, #tpu.memory_space<vmem_shared>> -> memref<64x128xf32, #tpu.memory_space<vmem_shared>>
      %dma_wait3A_260 = arith.constant 0 : i32
      %dma_wait3A_261 = tpu.memref_slice %arg11[%add3A_29, %dma_wait3A_260] : memref<10000x128xf32, #tpu.memory_space<vmem_shared>> -> memref<64x128xf32, #tpu.memory_space<vmem_shared>>
      %dma_wait3A_262 = arith.constant 0 : i32
      %dma_wait3A_263 = arith.constant 0 : i32
      %dma_wait3A_264 = tpu.memref_slice %arg9[%run_scoped3A_30, %dma_wait3A_262, %dma_wait3A_263] : memref<2x80x128xf32, #tpu.memory_space<vmem>> -> memref<1x80x128xf32, #tpu.memory_space<vmem>>
      %dma_wait3A_265 = tpu.memref_squeeze %dma_wait3A_264 : memref<1x80x128xf32, #tpu.memory_space<vmem>> -> memref<80x128xf32, #tpu.memory_space<vmem>>
      %dma_wait3A_266 = arith.constant 0 : i32
      %dma_wait3A_267 = arith.constant 0 : i32
      %dma_wait3A_268 = tpu.memref_slice %dma_wait3A_265[%dma_wait3A_266, %dma_wait3A_267] : memref<80x128xf32, #tpu.memory_space<vmem>> -> memref<64x128xf32, #tpu.memory_space<vmem>>
      tpu.wait_dma2 semaphore(%run_scoped3A_232 : memref<!tpu.dma_semaphore, #tpu.memory_space<semaphore_mem>>) src(%dma_wait3A_268 : memref<64x128xf32, #tpu.memory_space<vmem>>) dst(%dma_wait3A_261 : memref<64x128xf32, #tpu.memory_space<vmem_shared>>)
      tpu.yield
    }) : () -> ()
    %eq3A = arith.constant 15 : i32
    %eq3A_31 = arith.cmpi eq, %arg1, %eq3A : i32
    %convert_element_type3A = arith.extui %eq3A_31 : i1 to i32
    %cond3A = arith.constant 0 : i32
    %cond3A_32 = arith.constant 0 : i32
    %cond3A_33 = arith.cmpi ne, %convert_element_type3A, %cond3A_32 : i32
    scf.if %cond3A_33 {
      "tpu.region"() ({
        %run_scoped3A_232 = tpu.sem_alloc : memref<!tpu.dma_semaphore, #tpu.memory_space<semaphore_mem>>
        %dma_start3A_233 = arith.constant 0 : i32
        %dma_start3A_234 = arith.constant 0 : i32
        %dma_start3A_235 = tpu.memref_slice %arg9[%cond3A, %dma_start3A_233, %dma_start3A_234] : memref<2x80x128xf32, #tpu.memory_space<vmem>> -> memref<1x80x128xf32, #tpu.memory_space<vmem>>
        %dma_start3A_236 = tpu.memref_squeeze %dma_start3A_235 : memref<1x80x128xf32, #tpu.memory_space<vmem>> -> memref<80x128xf32, #tpu.memory_space<vmem>>
        %dma_start3A_237 = arith.constant 0 : i32
        %dma_start3A_238 = arith.constant 0 : i32
        %dma_start3A_239 = tpu.memref_slice %dma_start3A_236[%dma_start3A_237, %dma_start3A_238] : memref<80x128xf32, #tpu.memory_space<vmem>> -> memref<16x128xf32, #tpu.memory_space<vmem>>
        %dma_start3A_240 = arith.constant 9984 : i32
        %dma_start3A_241 = arith.constant 0 : i32
        %dma_start3A_242 = tpu.memref_slice %arg11[%dma_start3A_240, %dma_start3A_241] : memref<10000x128xf32, #tpu.memory_space<vmem_shared>> -> memref<16x128xf32, #tpu.memory_space<vmem_shared>>
        %dma_start3A_243 = arith.constant 9984 : i32
        %dma_start3A_244 = arith.constant 0 : i32
        %dma_start3A_245 = tpu.memref_slice %arg11[%dma_start3A_243, %dma_start3A_244] : memref<10000x128xf32, #tpu.memory_space<vmem_shared>> -> memref<16x128xf32, #tpu.memory_space<vmem_shared>>
        %dma_start3A_246 = arith.constant 0 : i32
        %dma_start3A_247 = arith.constant 0 : i32
        %dma_start3A_248 = tpu.memref_slice %arg9[%cond3A, %dma_start3A_246, %dma_start3A_247] : memref<2x80x128xf32, #tpu.memory_space<vmem>> -> memref<1x80x128xf32, #tpu.memory_space<vmem>>
        %dma_start3A_249 = tpu.memref_squeeze %dma_start3A_248 : memref<1x80x128xf32, #tpu.memory_space<vmem>> -> memref<80x128xf32, #tpu.memory_space<vmem>>
        %dma_start3A_250 = arith.constant 0 : i32
        %dma_start3A_251 = arith.constant 0 : i32
        %dma_start3A_252 = tpu.memref_slice %dma_start3A_249[%dma_start3A_250, %dma_start3A_251] : memref<80x128xf32, #tpu.memory_space<vmem>> -> memref<16x128xf32, #tpu.memory_space<vmem>>
        tpu.enqueue_dma source(%dma_start3A_252 : memref<16x128xf32, #tpu.memory_space<vmem>>) target(%dma_start3A_245 : memref<16x128xf32, #tpu.memory_space<vmem_shared>>) target_semaphore(%run_scoped3A_232 : memref<!tpu.dma_semaphore, #tpu.memory_space<semaphore_mem>>)
        %dma_wait3A_253 = arith.constant 0 : i32
        %dma_wait3A_254 = arith.constant 0 : i32
        %dma_wait3A_255 = tpu.memref_slice %arg9[%cond3A, %dma_wait3A_253, %dma_wait3A_254] : memref<2x80x128xf32, #tpu.memory_space<vmem>> -> memref<1x80x128xf32, #tpu.memory_space<vmem>>
        %dma_wait3A_256 = tpu.memref_squeeze %dma_wait3A_255 : memref<1x80x128xf32, #tpu.memory_space<vmem>> -> memref<80x128xf32, #tpu.memory_space<vmem>>
        %dma_wait3A_257 = arith.constant 0 : i32
        %dma_wait3A_258 = arith.constant 0 : i32
        %dma_wait3A_259 = tpu.memref_slice %dma_wait3A_256[%dma_wait3A_257, %dma_wait3A_258] : memref<80x128xf32, #tpu.memory_space<vmem>> -> memref<16x128xf32, #tpu.memory_space<vmem>>
        %dma_wait3A_260 = arith.constant 9984 : i32
        %dma_wait3A_261 = arith.constant 0 : i32
        %dma_wait3A_262 = tpu.memref_slice %arg11[%dma_wait3A_260, %dma_wait3A_261] : memref<10000x128xf32, #tpu.memory_space<vmem_shared>> -> memref<16x128xf32, #tpu.memory_space<vmem_shared>>
        %dma_wait3A_263 = arith.constant 9984 : i32
        %dma_wait3A_264 = arith.constant 0 : i32
        %dma_wait3A_265 = tpu.memref_slice %arg11[%dma_wait3A_263, %dma_wait3A_264] : memref<10000x128xf32, #tpu.memory_space<vmem_shared>> -> memref<16x128xf32, #tpu.memory_space<vmem_shared>>
        %dma_wait3A_266 = arith.constant 0 : i32
        %dma_wait3A_267 = arith.constant 0 : i32
        %dma_wait3A_268 = tpu.memref_slice %arg9[%cond3A, %dma_wait3A_266, %dma_wait3A_267] : memref<2x80x128xf32, #tpu.memory_space<vmem>> -> memref<1x80x128xf32, #tpu.memory_space<vmem>>
        %dma_wait3A_269 = tpu.memref_squeeze %dma_wait3A_268 : memref<1x80x128xf32, #tpu.memory_space<vmem>> -> memref<80x128xf32, #tpu.memory_space<vmem>>
        %dma_wait3A_270 = arith.constant 0 : i32
        %dma_wait3A_271 = arith.constant 0 : i32
        %dma_wait3A_272 = tpu.memref_slice %dma_wait3A_269[%dma_wait3A_270, %dma_wait3A_271] : memref<80x128xf32, #tpu.memory_space<vmem>> -> memref<16x128xf32, #tpu.memory_space<vmem>>
        tpu.wait_dma2 semaphore(%run_scoped3A_232 : memref<!tpu.dma_semaphore, #tpu.memory_space<semaphore_mem>>) src(%dma_wait3A_272 : memref<16x128xf32, #tpu.memory_space<vmem>>) dst(%dma_wait3A_265 : memref<16x128xf32, #tpu.memory_space<vmem_shared>>)
        tpu.yield
      }) : () -> ()
    } else {
    }
    %barrier3A = arith.constant 0 : index
    tpu.barrier barrier_id(%barrier3A)
    %mul3A_34 = arith.constant 10000 : i32
    %mul3A_35 = arith.muli %add3A, %mul3A_34 : i32
    %add3A_36 = arith.constant 0 : i32
    %add3A_37 = arith.addi %mul3A_35, %add3A_36 : i32
    %dma_start3A = arith.constant 0 : i32
    %dma_start3A_38 = arith.constant 0 : i32
    %dma_start3A_39 = tpu.memref_slice %arg7[%dma_start3A, %dma_start3A_38] : memref<4x80xi32, #tpu.memory_space<vmem>> -> memref<1x80xi32, #tpu.memory_space<vmem>>
    %dma_start3A_40 = tpu.memref_squeeze %dma_start3A_39 : memref<1x80xi32, #tpu.memory_space<vmem>> -> memref<80xi32, #tpu.memory_space<vmem>>
    %dma_start3A_41 = tpu.memref_slice %arg3[%add3A_37] : memref<320000xi32, #tpu.memory_space<hbm>> -> memref<80xi32, #tpu.memory_space<hbm>>
    %dma_start3A_42 = arith.constant 0 : i32
    %dma_start3A_43 = tpu.memref_slice %arg7[%dma_start3A, %dma_start3A_42] : memref<4x80xi32, #tpu.memory_space<vmem>> -> memref<1x80xi32, #tpu.memory_space<vmem>>
    %dma_start3A_44 = tpu.memref_squeeze %dma_start3A_43 : memref<1x80xi32, #tpu.memory_space<vmem>> -> memref<80xi32, #tpu.memory_space<vmem>>
    %dma_start3A_45 = tpu.memref_slice %arg3[%add3A_37] : memref<320000xi32, #tpu.memory_space<hbm>> -> memref<80xi32, #tpu.memory_space<hbm>>
    tpu.enqueue_dma source(%dma_start3A_45 : memref<80xi32, #tpu.memory_space<hbm>>) target(%dma_start3A_44 : memref<80xi32, #tpu.memory_space<vmem>>) target_semaphore(%arg15 : memref<!tpu.dma_semaphore, #tpu.memory_space<semaphore_mem>>)
    %dma_start3A_46 = arith.constant 0 : i32
    %dma_start3A_47 = arith.constant 0 : i32
    %dma_start3A_48 = tpu.memref_slice %arg8[%dma_start3A_46, %dma_start3A_47] : memref<4x80xi32, #tpu.memory_space<vmem>> -> memref<1x80xi32, #tpu.memory_space<vmem>>
    %dma_start3A_49 = tpu.memref_squeeze %dma_start3A_48 : memref<1x80xi32, #tpu.memory_space<vmem>> -> memref<80xi32, #tpu.memory_space<vmem>>
    %dma_start3A_50 = tpu.memref_slice %arg4[%add3A_37] : memref<320000xi32, #tpu.memory_space<hbm>> -> memref<80xi32, #tpu.memory_space<hbm>>
    %dma_start3A_51 = arith.constant 0 : i32
    %dma_start3A_52 = tpu.memref_slice %arg8[%dma_start3A_46, %dma_start3A_51] : memref<4x80xi32, #tpu.memory_space<vmem>> -> memref<1x80xi32, #tpu.memory_space<vmem>>
    %dma_start3A_53 = tpu.memref_squeeze %dma_start3A_52 : memref<1x80xi32, #tpu.memory_space<vmem>> -> memref<80xi32, #tpu.memory_space<vmem>>
    %dma_start3A_54 = tpu.memref_slice %arg4[%add3A_37] : memref<320000xi32, #tpu.memory_space<hbm>> -> memref<80xi32, #tpu.memory_space<hbm>>
    tpu.enqueue_dma source(%dma_start3A_54 : memref<80xi32, #tpu.memory_space<hbm>>) target(%dma_start3A_53 : memref<80xi32, #tpu.memory_space<vmem>>) target_semaphore(%arg15 : memref<!tpu.dma_semaphore, #tpu.memory_space<semaphore_mem>>)
    %mul3A_55 = arith.constant 10000 : i32
    %mul3A_56 = arith.muli %add3A, %mul3A_55 : i32
    %add3A_57 = arith.constant 80 : i32
    %add3A_58 = arith.addi %mul3A_56, %add3A_57 : i32
    %dma_start3A_59 = arith.constant 1 : i32
    %dma_start3A_60 = arith.constant 0 : i32
    %dma_start3A_61 = tpu.memref_slice %arg7[%dma_start3A_59, %dma_start3A_60] : memref<4x80xi32, #tpu.memory_space<vmem>> -> memref<1x80xi32, #tpu.memory_space<vmem>>
    %dma_start3A_62 = tpu.memref_squeeze %dma_start3A_61 : memref<1x80xi32, #tpu.memory_space<vmem>> -> memref<80xi32, #tpu.memory_space<vmem>>
    %dma_start3A_63 = tpu.memref_slice %arg3[%add3A_58] : memref<320000xi32, #tpu.memory_space<hbm>> -> memref<80xi32, #tpu.memory_space<hbm>>
    %dma_start3A_64 = arith.constant 0 : i32
    %dma_start3A_65 = tpu.memref_slice %arg7[%dma_start3A_59, %dma_start3A_64] : memref<4x80xi32, #tpu.memory_space<vmem>> -> memref<1x80xi32, #tpu.memory_space<vmem>>
    %dma_start3A_66 = tpu.memref_squeeze %dma_start3A_65 : memref<1x80xi32, #tpu.memory_space<vmem>> -> memref<80xi32, #tpu.memory_space<vmem>>
    %dma_start3A_67 = tpu.memref_slice %arg3[%add3A_58] : memref<320000xi32, #tpu.memory_space<hbm>> -> memref<80xi32, #tpu.memory_space<hbm>>
    tpu.enqueue_dma source(%dma_start3A_67 : memref<80xi32, #tpu.memory_space<hbm>>) target(%dma_start3A_66 : memref<80xi32, #tpu.memory_space<vmem>>) target_semaphore(%arg15 : memref<!tpu.dma_semaphore, #tpu.memory_space<semaphore_mem>>)
    %dma_start3A_68 = arith.constant 1 : i32
    %dma_start3A_69 = arith.constant 0 : i32
    %dma_start3A_70 = tpu.memref_slice %arg8[%dma_start3A_68, %dma_start3A_69] : memref<4x80xi32, #tpu.memory_space<vmem>> -> memref<1x80xi32, #tpu.memory_space<vmem>>
    %dma_start3A_71 = tpu.memref_squeeze %dma_start3A_70 : memref<1x80xi32, #tpu.memory_space<vmem>> -> memref<80xi32, #tpu.memory_space<vmem>>
    %dma_start3A_72 = tpu.memref_slice %arg4[%add3A_58] : memref<320000xi32, #tpu.memory_space<hbm>> -> memref<80xi32, #tpu.memory_space<hbm>>
    %dma_start3A_73 = arith.constant 0 : i32
    %dma_start3A_74 = tpu.memref_slice %arg8[%dma_start3A_68, %dma_start3A_73] : memref<4x80xi32, #tpu.memory_space<vmem>> -> memref<1x80xi32, #tpu.memory_space<vmem>>
    %dma_start3A_75 = tpu.memref_squeeze %dma_start3A_74 : memref<1x80xi32, #tpu.memory_space<vmem>> -> memref<80xi32, #tpu.memory_space<vmem>>
    %dma_start3A_76 = tpu.memref_slice %arg4[%add3A_58] : memref<320000xi32, #tpu.memory_space<hbm>> -> memref<80xi32, #tpu.memory_space<hbm>>
    tpu.enqueue_dma source(%dma_start3A_76 : memref<80xi32, #tpu.memory_space<hbm>>) target(%dma_start3A_75 : memref<80xi32, #tpu.memory_space<vmem>>) target_semaphore(%arg15 : memref<!tpu.dma_semaphore, #tpu.memory_space<semaphore_mem>>)
    %dma_wait3A = arith.constant 0 : i32
    %dma_wait3A_77 = arith.constant 0 : i32
    %dma_wait3A_78 = tpu.memref_slice %arg7[%dma_wait3A, %dma_wait3A_77] : memref<4x80xi32, #tpu.memory_space<vmem>> -> memref<1x80xi32, #tpu.memory_space<vmem>>
    %dma_wait3A_79 = tpu.memref_squeeze %dma_wait3A_78 : memref<1x80xi32, #tpu.memory_space<vmem>> -> memref<80xi32, #tpu.memory_space<vmem>>
    %dma_wait3A_80 = arith.constant 0 : i32
    %dma_wait3A_81 = tpu.memref_slice %arg3[%dma_wait3A_80] : memref<320000xi32, #tpu.memory_space<hbm>> -> memref<80xi32, #tpu.memory_space<hbm>>
    %dma_wait3A_82 = arith.constant 0 : i32
    %dma_wait3A_83 = tpu.memref_slice %arg7[%dma_wait3A, %dma_wait3A_82] : memref<4x80xi32, #tpu.memory_space<vmem>> -> memref<1x80xi32, #tpu.memory_space<vmem>>
    %dma_wait3A_84 = tpu.memref_squeeze %dma_wait3A_83 : memref<1x80xi32, #tpu.memory_space<vmem>> -> memref<80xi32, #tpu.memory_space<vmem>>
    %dma_wait3A_85 = arith.constant 0 : i32
    %dma_wait3A_86 = tpu.memref_slice %arg3[%dma_wait3A_85] : memref<320000xi32, #tpu.memory_space<hbm>> -> memref<80xi32, #tpu.memory_space<hbm>>
    tpu.wait_dma2 semaphore(%arg15 : memref<!tpu.dma_semaphore, #tpu.memory_space<semaphore_mem>>) src(%dma_wait3A_86 : memref<80xi32, #tpu.memory_space<hbm>>) dst(%dma_wait3A_84 : memref<80xi32, #tpu.memory_space<vmem>>)
    %dma_wait3A_87 = arith.constant 0 : i32
    %dma_wait3A_88 = arith.constant 0 : i32
    %dma_wait3A_89 = tpu.memref_slice %arg8[%dma_wait3A_87, %dma_wait3A_88] : memref<4x80xi32, #tpu.memory_space<vmem>> -> memref<1x80xi32, #tpu.memory_space<vmem>>
    %dma_wait3A_90 = tpu.memref_squeeze %dma_wait3A_89 : memref<1x80xi32, #tpu.memory_space<vmem>> -> memref<80xi32, #tpu.memory_space<vmem>>
    %dma_wait3A_91 = arith.constant 0 : i32
    %dma_wait3A_92 = tpu.memref_slice %arg4[%dma_wait3A_91] : memref<320000xi32, #tpu.memory_space<hbm>> -> memref<80xi32, #tpu.memory_space<hbm>>
    %dma_wait3A_93 = arith.constant 0 : i32
    %dma_wait3A_94 = tpu.memref_slice %arg8[%dma_wait3A_87, %dma_wait3A_93] : memref<4x80xi32, #tpu.memory_space<vmem>> -> memref<1x80xi32, #tpu.memory_space<vmem>>
    %dma_wait3A_95 = tpu.memref_squeeze %dma_wait3A_94 : memref<1x80xi32, #tpu.memory_space<vmem>> -> memref<80xi32, #tpu.memory_space<vmem>>
    %dma_wait3A_96 = arith.constant 0 : i32
    %dma_wait3A_97 = tpu.memref_slice %arg4[%dma_wait3A_96] : memref<320000xi32, #tpu.memory_space<hbm>> -> memref<80xi32, #tpu.memory_space<hbm>>
    tpu.wait_dma2 semaphore(%arg15 : memref<!tpu.dma_semaphore, #tpu.memory_space<semaphore_mem>>) src(%dma_wait3A_97 : memref<80xi32, #tpu.memory_space<hbm>>) dst(%dma_wait3A_95 : memref<80xi32, #tpu.memory_space<vmem>>)
    %dma_wait3A_98 = arith.constant 1 : i32
    %dma_wait3A_99 = arith.constant 0 : i32
    %dma_wait3A_100 = tpu.memref_slice %arg7[%dma_wait3A_98, %dma_wait3A_99] : memref<4x80xi32, #tpu.memory_space<vmem>> -> memref<1x80xi32, #tpu.memory_space<vmem>>
    %dma_wait3A_101 = tpu.memref_squeeze %dma_wait3A_100 : memref<1x80xi32, #tpu.memory_space<vmem>> -> memref<80xi32, #tpu.memory_space<vmem>>
    %dma_wait3A_102 = arith.constant 0 : i32
    %dma_wait3A_103 = tpu.memref_slice %arg3[%dma_wait3A_102] : memref<320000xi32, #tpu.memory_space<hbm>> -> memref<80xi32, #tpu.memory_space<hbm>>
    %dma_wait3A_104 = arith.constant 0 : i32
    %dma_wait3A_105 = tpu.memref_slice %arg7[%dma_wait3A_98, %dma_wait3A_104] : memref<4x80xi32, #tpu.memory_space<vmem>> -> memref<1x80xi32, #tpu.memory_space<vmem>>
    %dma_wait3A_106 = tpu.memref_squeeze %dma_wait3A_105 : memref<1x80xi32, #tpu.memory_space<vmem>> -> memref<80xi32, #tpu.memory_space<vmem>>
    %dma_wait3A_107 = arith.constant 0 : i32
    %dma_wait3A_108 = tpu.memref_slice %arg3[%dma_wait3A_107] : memref<320000xi32, #tpu.memory_space<hbm>> -> memref<80xi32, #tpu.memory_space<hbm>>
    tpu.wait_dma2 semaphore(%arg15 : memref<!tpu.dma_semaphore, #tpu.memory_space<semaphore_mem>>) src(%dma_wait3A_108 : memref<80xi32, #tpu.memory_space<hbm>>) dst(%dma_wait3A_106 : memref<80xi32, #tpu.memory_space<vmem>>)
    %dma_wait3A_109 = arith.constant 1 : i32
    %dma_wait3A_110 = arith.constant 0 : i32
    %dma_wait3A_111 = tpu.memref_slice %arg8[%dma_wait3A_109, %dma_wait3A_110] : memref<4x80xi32, #tpu.memory_space<vmem>> -> memref<1x80xi32, #tpu.memory_space<vmem>>
    %dma_wait3A_112 = tpu.memref_squeeze %dma_wait3A_111 : memref<1x80xi32, #tpu.memory_space<vmem>> -> memref<80xi32, #tpu.memory_space<vmem>>
    %dma_wait3A_113 = arith.constant 0 : i32
    %dma_wait3A_114 = tpu.memref_slice %arg4[%dma_wait3A_113] : memref<320000xi32, #tpu.memory_space<hbm>> -> memref<80xi32, #tpu.memory_space<hbm>>
    %dma_wait3A_115 = arith.constant 0 : i32
    %dma_wait3A_116 = tpu.memref_slice %arg8[%dma_wait3A_109, %dma_wait3A_115] : memref<4x80xi32, #tpu.memory_space<vmem>> -> memref<1x80xi32, #tpu.memory_space<vmem>>
    %dma_wait3A_117 = tpu.memref_squeeze %dma_wait3A_116 : memref<1x80xi32, #tpu.memory_space<vmem>> -> memref<80xi32, #tpu.memory_space<vmem>>
    %dma_wait3A_118 = arith.constant 0 : i32
    %dma_wait3A_119 = tpu.memref_slice %arg4[%dma_wait3A_118] : memref<320000xi32, #tpu.memory_space<hbm>> -> memref<80xi32, #tpu.memory_space<hbm>>
    tpu.wait_dma2 semaphore(%arg15 : memref<!tpu.dma_semaphore, #tpu.memory_space<semaphore_mem>>) src(%dma_wait3A_119 : memref<80xi32, #tpu.memory_space<hbm>>) dst(%dma_wait3A_117 : memref<80xi32, #tpu.memory_space<vmem>>)
    %mul3A_120 = arith.constant 10000 : i32
    %mul3A_121 = arith.muli %add3A, %mul3A_120 : i32
    %add3A_122 = arith.constant 0 : i32
    %add3A_123 = arith.addi %mul3A_121, %add3A_122 : i32
    %dma_start3A_124 = arith.constant 0 : i32
    %dma_start3A_125 = arith.constant 0 : i32
    %dma_start3A_126 = arith.constant 0 : i32
    %dma_start3A_127 = tpu.memref_slice %arg10[%dma_start3A_124, %dma_start3A_125, %dma_start3A_126] : memref<2x80x64xi32, #tpu.memory_space<vmem>> -> memref<1x80x64xi32, #tpu.memory_space<vmem>>
    %dma_start3A_128 = tpu.memref_squeeze %dma_start3A_127 : memref<1x80x64xi32, #tpu.memory_space<vmem>> -> memref<80x64xi32, #tpu.memory_space<vmem>>
    %dma_start3A_129 = arith.constant 0 : i32
    %dma_start3A_130 = tpu.memref_slice %arg5[%add3A_123, %dma_start3A_129] : memref<320000x64xi32, #tpu.memory_space<hbm>> -> memref<80x64xi32, #tpu.memory_space<hbm>>
    %dma_start3A_131 = arith.constant 0 : i32
    %dma_start3A_132 = arith.constant 0 : i32
    %dma_start3A_133 = tpu.memref_slice %arg10[%dma_start3A_124, %dma_start3A_131, %dma_start3A_132] : memref<2x80x64xi32, #tpu.memory_space<vmem>> -> memref<1x80x64xi32, #tpu.memory_space<vmem>>
    %dma_start3A_134 = tpu.memref_squeeze %dma_start3A_133 : memref<1x80x64xi32, #tpu.memory_space<vmem>> -> memref<80x64xi32, #tpu.memory_space<vmem>>
    %dma_start3A_135 = arith.constant 0 : i32
    %dma_start3A_136 = tpu.memref_slice %arg5[%add3A_123, %dma_start3A_135] : memref<320000x64xi32, #tpu.memory_space<hbm>> -> memref<80x64xi32, #tpu.memory_space<hbm>>
    tpu.enqueue_dma source(%dma_start3A_136 : memref<80x64xi32, #tpu.memory_space<hbm>>) target(%dma_start3A_134 : memref<80x64xi32, #tpu.memory_space<vmem>>) target_semaphore(%arg13 : memref<!tpu.dma_semaphore, #tpu.memory_space<semaphore_mem>>)
    %dma_start3A_137 = arith.constant 0 : i32
    %dma_start3A_138 = arith.constant 0 : i32
    %dma_start3A_139 = arith.constant 0 : i32
    %dma_start3A_140 = arith.constant 0 : i32
    %dma_start3A_141 = tpu.memref_slice %arg9[%dma_start3A_138, %dma_start3A_139, %dma_start3A_140] : memref<2x80x128xf32, #tpu.memory_space<vmem>> -> memref<1x80x128xf32, #tpu.memory_space<vmem>>
    %dma_start3A_142 = tpu.memref_squeeze %dma_start3A_141 : memref<1x80x128xf32, #tpu.memory_space<vmem>> -> memref<80x128xf32, #tpu.memory_space<vmem>>
    %dma_start3A_143 = arith.constant 0 : i32
    %dma_start3A_144 = tpu.memref_slice %arg7[%dma_start3A_137, %dma_start3A_143] : memref<4x80xi32, #tpu.memory_space<vmem>> -> memref<1x80xi32, #tpu.memory_space<vmem>>
    %dma_start3A_145 = tpu.memref_squeeze %dma_start3A_144 : memref<1x80xi32, #tpu.memory_space<vmem>> -> memref<80xi32, #tpu.memory_space<vmem>>
    %dma_start3A_146 = arith.constant 0 : i32
    %dma_start3A_147 = arith.constant 0 : i32
    %dma_start3A_148 = tpu.memref_slice %arg2[%dma_start3A_146, %dma_start3A_147] : memref<10000x128xf32, #tpu.memory_space<hbm>> -> memref<10000x128xf32, #tpu.memory_space<hbm>>
    tpu.enqueue_indirect_dma source(%dma_start3A_148 : memref<10000x128xf32, #tpu.memory_space<hbm>>) target(%dma_start3A_142 : memref<80x128xf32, #tpu.memory_space<vmem>>) offsets(%dma_start3A_145 : memref<80xi32, #tpu.memory_space<vmem>>) semaphore(%arg12 : memref<!tpu.dma_semaphore, #tpu.memory_space<semaphore_mem>>)
    %mul3A_149 = arith.constant 10000 : i32
    %mul3A_150 = arith.muli %add3A, %mul3A_149 : i32
    %add3A_151 = arith.constant 80 : i32
    %add3A_152 = arith.addi %mul3A_150, %add3A_151 : i32
    %dma_start3A_153 = arith.constant 1 : i32
    %dma_start3A_154 = arith.constant 0 : i32
    %dma_start3A_155 = arith.constant 0 : i32
    %dma_start3A_156 = tpu.memref_slice %arg10[%dma_start3A_153, %dma_start3A_154, %dma_start3A_155] : memref<2x80x64xi32, #tpu.memory_space<vmem>> -> memref<1x80x64xi32, #tpu.memory_space<vmem>>
    %dma_start3A_157 = tpu.memref_squeeze %dma_start3A_156 : memref<1x80x64xi32, #tpu.memory_space<vmem>> -> memref<80x64xi32, #tpu.memory_space<vmem>>
    %dma_start3A_158 = arith.constant 0 : i32
    %dma_start3A_159 = tpu.memref_slice %arg5[%add3A_152, %dma_start3A_158] : memref<320000x64xi32, #tpu.memory_space<hbm>> -> memref<80x64xi32, #tpu.memory_space<hbm>>
    %dma_start3A_160 = arith.constant 0 : i32
    %dma_start3A_161 = arith.constant 0 : i32
    %dma_start3A_162 = tpu.memref_slice %arg10[%dma_start3A_153, %dma_start3A_160, %dma_start3A_161] : memref<2x80x64xi32, #tpu.memory_space<vmem>> -> memref<1x80x64xi32, #tpu.memory_space<vmem>>
    %dma_start3A_163 = tpu.memref_squeeze %dma_start3A_162 : memref<1x80x64xi32, #tpu.memory_space<vmem>> -> memref<80x64xi32, #tpu.memory_space<vmem>>
    %dma_start3A_164 = arith.constant 0 : i32
    %dma_start3A_165 = tpu.memref_slice %arg5[%add3A_152, %dma_start3A_164] : memref<320000x64xi32, #tpu.memory_space<hbm>> -> memref<80x64xi32, #tpu.memory_space<hbm>>
    tpu.enqueue_dma source(%dma_start3A_165 : memref<80x64xi32, #tpu.memory_space<hbm>>) target(%dma_start3A_163 : memref<80x64xi32, #tpu.memory_space<vmem>>) target_semaphore(%arg13 : memref<!tpu.dma_semaphore, #tpu.memory_space<semaphore_mem>>)
    %dma_start3A_166 = arith.constant 1 : i32
    %dma_start3A_167 = arith.constant 1 : i32
    %dma_start3A_168 = arith.constant 0 : i32
    %dma_start3A_169 = arith.constant 0 : i32
    %dma_start3A_170 = tpu.memref_slice %arg9[%dma_start3A_167, %dma_start3A_168, %dma_start3A_169] : memref<2x80x128xf32, #tpu.memory_space<vmem>> -> memref<1x80x128xf32, #tpu.memory_space<vmem>>
    %dma_start3A_171 = tpu.memref_squeeze %dma_start3A_170 : memref<1x80x128xf32, #tpu.memory_space<vmem>> -> memref<80x128xf32, #tpu.memory_space<vmem>>
    %dma_start3A_172 = arith.constant 0 : i32
    %dma_start3A_173 = tpu.memref_slice %arg7[%dma_start3A_166, %dma_start3A_172] : memref<4x80xi32, #tpu.memory_space<vmem>> -> memref<1x80xi32, #tpu.memory_space<vmem>>
    %dma_start3A_174 = tpu.memref_squeeze %dma_start3A_173 : memref<1x80xi32, #tpu.memory_space<vmem>> -> memref<80xi32, #tpu.memory_space<vmem>>
    %dma_start3A_175 = arith.constant 0 : i32
    %dma_start3A_176 = arith.constant 0 : i32
    %dma_start3A_177 = tpu.memref_slice %arg2[%dma_start3A_175, %dma_start3A_176] : memref<10000x128xf32, #tpu.memory_space<hbm>> -> memref<10000x128xf32, #tpu.memory_space<hbm>>
    tpu.enqueue_indirect_dma source(%dma_start3A_177 : memref<10000x128xf32, #tpu.memory_space<hbm>>) target(%dma_start3A_171 : memref<80x128xf32, #tpu.memory_space<vmem>>) offsets(%dma_start3A_174 : memref<80xi32, #tpu.memory_space<vmem>>) semaphore(%arg12 : memref<!tpu.dma_semaphore, #tpu.memory_space<semaphore_mem>>)
    %scan3A_178 = arith.constant 0 : i32
    %scan3A_179 = arith.constant 62 : i32
    %scan3A_180 = arith.addi %scan3A_178, %scan3A_179 : i32
    %scan3A_181 = arith.constant 1 : i32
    scf.for %scan3A_232 = %scan3A_178 to %scan3A_180 step %scan3A_181  : i32 {
      %mul3A_233 = arith.constant 1 : i32
      %mul3A_234 = arith.muli %scan3A_232, %mul3A_233 : i32
      %add3A_235 = arith.constant 0 : i32
      %add3A_236 = arith.addi %add3A_235, %mul3A_234 : i32
      %mul3A_237 = arith.constant 2 : i32
      %mul3A_238 = arith.muli %mul3A_237, %add3A_236 : i32
      %rem3A = arith.constant 4 : i32
      %rem3A_239 = arith.remsi %mul3A_238, %rem3A : i32
      %add3A_240 = arith.constant 1 : i32
      %add3A_241 = arith.addi %mul3A_238, %add3A_240 : i32
      %rem3A_242 = arith.constant 4 : i32
      %rem3A_243 = arith.remsi %add3A_241, %rem3A_242 : i32
      %add3A_244 = arith.constant 2 : i32
      %add3A_245 = arith.addi %mul3A_238, %add3A_244 : i32
      %rem3A_246 = arith.constant 4 : i32
      %rem3A_247 = arith.remsi %add3A_245, %rem3A_246 : i32
      %add3A_248 = arith.constant 3 : i32
      %add3A_249 = arith.addi %mul3A_238, %add3A_248 : i32
      %rem3A_250 = arith.constant 4 : i32
      %rem3A_251 = arith.remsi %add3A_249, %rem3A_250 : i32
      %add3A_252 = arith.constant 2 : i32
      %add3A_253 = arith.addi %mul3A_238, %add3A_252 : i32
      %mul3A_254 = arith.constant 10000 : i32
      %mul3A_255 = arith.muli %add3A, %mul3A_254 : i32
      %mul3A_256 = arith.constant 80 : i32
      %mul3A_257 = arith.muli %add3A_253, %mul3A_256 : i32
      %add3A_258 = arith.addi %mul3A_255, %mul3A_257 : i32
      %dma_start3A_259 = arith.constant 0 : i32
      %dma_start3A_260 = tpu.memref_slice %arg7[%rem3A_247, %dma_start3A_259] : memref<4x80xi32, #tpu.memory_space<vmem>> -> memref<1x80xi32, #tpu.memory_space<vmem>>
      %dma_start3A_261 = tpu.memref_squeeze %dma_start3A_260 : memref<1x80xi32, #tpu.memory_space<vmem>> -> memref<80xi32, #tpu.memory_space<vmem>>
      %dma_start3A_262 = tpu.memref_slice %arg3[%add3A_258] : memref<320000xi32, #tpu.memory_space<hbm>> -> memref<80xi32, #tpu.memory_space<hbm>>
      %dma_start3A_263 = arith.constant 0 : i32
      %dma_start3A_264 = tpu.memref_slice %arg7[%rem3A_247, %dma_start3A_263] : memref<4x80xi32, #tpu.memory_space<vmem>> -> memref<1x80xi32, #tpu.memory_space<vmem>>
      %dma_start3A_265 = tpu.memref_squeeze %dma_start3A_264 : memref<1x80xi32, #tpu.memory_space<vmem>> -> memref<80xi32, #tpu.memory_space<vmem>>
      %dma_start3A_266 = tpu.memref_slice %arg3[%add3A_258] : memref<320000xi32, #tpu.memory_space<hbm>> -> memref<80xi32, #tpu.memory_space<hbm>>
      tpu.enqueue_dma source(%dma_start3A_266 : memref<80xi32, #tpu.memory_space<hbm>>) target(%dma_start3A_265 : memref<80xi32, #tpu.memory_space<vmem>>) target_semaphore(%arg15 : memref<!tpu.dma_semaphore, #tpu.memory_space<semaphore_mem>>)
      %dma_start3A_267 = arith.constant 0 : i32
      %dma_start3A_268 = tpu.memref_slice %arg8[%rem3A_247, %dma_start3A_267] : memref<4x80xi32, #tpu.memory_space<vmem>> -> memref<1x80xi32, #tpu.memory_space<vmem>>
      %dma_start3A_269 = tpu.memref_squeeze %dma_start3A_268 : memref<1x80xi32, #tpu.memory_space<vmem>> -> memref<80xi32, #tpu.memory_space<vmem>>
      %dma_start3A_270 = tpu.memref_slice %arg4[%add3A_258] : memref<320000xi32, #tpu.memory_space<hbm>> -> memref<80xi32, #tpu.memory_space<hbm>>
      %dma_start3A_271 = arith.constant 0 : i32
      %dma_start3A_272 = tpu.memref_slice %arg8[%rem3A_247, %dma_start3A_271] : memref<4x80xi32, #tpu.memory_space<vmem>> -> memref<1x80xi32, #tpu.memory_space<vmem>>
      %dma_start3A_273 = tpu.memref_squeeze %dma_start3A_272 : memref<1x80xi32, #tpu.memory_space<vmem>> -> memref<80xi32, #tpu.memory_space<vmem>>
      %dma_start3A_274 = tpu.memref_slice %arg4[%add3A_258] : memref<320000xi32, #tpu.memory_space<hbm>> -> memref<80xi32, #tpu.memory_space<hbm>>
      tpu.enqueue_dma source(%dma_start3A_274 : memref<80xi32, #tpu.memory_space<hbm>>) target(%dma_start3A_273 : memref<80xi32, #tpu.memory_space<vmem>>) target_semaphore(%arg15 : memref<!tpu.dma_semaphore, #tpu.memory_space<semaphore_mem>>)
      %add3A_275 = arith.constant 3 : i32
      %add3A_276 = arith.addi %mul3A_238, %add3A_275 : i32
      %lt3A = arith.constant 125 : i32
      %lt3A_277 = arith.cmpi slt, %add3A_276, %lt3A : i32
      %convert_element_type3A_278 = arith.extui %lt3A_277 : i1 to i32
      %cond3A_279 = arith.constant 0 : i32
      %cond3A_280 = arith.cmpi ne, %convert_element_type3A_278, %cond3A_279 : i32
      scf.if %cond3A_280 {
        %add3A_449 = arith.constant 3 : i32
        %add3A_450 = arith.addi %mul3A_238, %add3A_449 : i32
        %mul3A_451 = arith.constant 10000 : i32
        %mul3A_452 = arith.muli %add3A, %mul3A_451 : i32
        %mul3A_453 = arith.constant 80 : i32
        %mul3A_454 = arith.muli %add3A_450, %mul3A_453 : i32
        %add3A_455 = arith.addi %mul3A_452, %mul3A_454 : i32
        %dma_start3A_456 = arith.constant 0 : i32
        %dma_start3A_457 = tpu.memref_slice %arg7[%rem3A_251, %dma_start3A_456] : memref<4x80xi32, #tpu.memory_space<vmem>> -> memref<1x80xi32, #tpu.memory_space<vmem>>
        %dma_start3A_458 = tpu.memref_squeeze %dma_start3A_457 : memref<1x80xi32, #tpu.memory_space<vmem>> -> memref<80xi32, #tpu.memory_space<vmem>>
        %dma_start3A_459 = tpu.memref_slice %arg3[%add3A_455] : memref<320000xi32, #tpu.memory_space<hbm>> -> memref<80xi32, #tpu.memory_space<hbm>>
        %dma_start3A_460 = arith.constant 0 : i32
        %dma_start3A_461 = tpu.memref_slice %arg7[%rem3A_251, %dma_start3A_460] : memref<4x80xi32, #tpu.memory_space<vmem>> -> memref<1x80xi32, #tpu.memory_space<vmem>>
        %dma_start3A_462 = tpu.memref_squeeze %dma_start3A_461 : memref<1x80xi32, #tpu.memory_space<vmem>> -> memref<80xi32, #tpu.memory_space<vmem>>
        %dma_start3A_463 = tpu.memref_slice %arg3[%add3A_455] : memref<320000xi32, #tpu.memory_space<hbm>> -> memref<80xi32, #tpu.memory_space<hbm>>
        tpu.enqueue_dma source(%dma_start3A_463 : memref<80xi32, #tpu.memory_space<hbm>>) target(%dma_start3A_462 : memref<80xi32, #tpu.memory_space<vmem>>) target_semaphore(%arg15 : memref<!tpu.dma_semaphore, #tpu.memory_space<semaphore_mem>>)
        %dma_start3A_464 = arith.constant 0 : i32
        %dma_start3A_465 = tpu.memref_slice %arg8[%rem3A_251, %dma_start3A_464] : memref<4x80xi32, #tpu.memory_space<vmem>> -> memref<1x80xi32, #tpu.memory_space<vmem>>
        %dma_start3A_466 = tpu.memref_squeeze %dma_start3A_465 : memref<1x80xi32, #tpu.memory_space<vmem>> -> memref<80xi32, #tpu.memory_space<vmem>>
        %dma_start3A_467 = tpu.memref_slice %arg4[%add3A_455] : memref<320000xi32, #tpu.memory_space<hbm>> -> memref<80xi32, #tpu.memory_space<hbm>>
        %dma_start3A_468 = arith.constant 0 : i32
        %dma_start3A_469 = tpu.memref_slice %arg8[%rem3A_251, %dma_start3A_468] : memref<4x80xi32, #tpu.memory_space<vmem>> -> memref<1x80xi32, #tpu.memory_space<vmem>>
        %dma_start3A_470 = tpu.memref_squeeze %dma_start3A_469 : memref<1x80xi32, #tpu.memory_space<vmem>> -> memref<80xi32, #tpu.memory_space<vmem>>
        %dma_start3A_471 = tpu.memref_slice %arg4[%add3A_455] : memref<320000xi32, #tpu.memory_space<hbm>> -> memref<80xi32, #tpu.memory_space<hbm>>
        tpu.enqueue_dma source(%dma_start3A_471 : memref<80xi32, #tpu.memory_space<hbm>>) target(%dma_start3A_470 : memref<80xi32, #tpu.memory_space<vmem>>) target_semaphore(%arg15 : memref<!tpu.dma_semaphore, #tpu.memory_space<semaphore_mem>>)
      } else {
      }
      %dma_wait3A_281 = arith.constant 0 : i32
      %dma_wait3A_282 = arith.constant 0 : i32
      %dma_wait3A_283 = arith.constant 0 : i32
      %dma_wait3A_284 = tpu.memref_slice %arg10[%dma_wait3A_281, %dma_wait3A_282, %dma_wait3A_283] : memref<2x80x64xi32, #tpu.memory_space<vmem>> -> memref<1x80x64xi32, #tpu.memory_space<vmem>>
      %dma_wait3A_285 = tpu.memref_squeeze %dma_wait3A_284 : memref<1x80x64xi32, #tpu.memory_space<vmem>> -> memref<80x64xi32, #tpu.memory_space<vmem>>
      %dma_wait3A_286 = arith.constant 0 : i32
      %dma_wait3A_287 = arith.constant 0 : i32
      %dma_wait3A_288 = tpu.memref_slice %arg5[%dma_wait3A_286, %dma_wait3A_287] : memref<320000x64xi32, #tpu.memory_space<hbm>> -> memref<80x64xi32, #tpu.memory_space<hbm>>
      %dma_wait3A_289 = arith.constant 0 : i32
      %dma_wait3A_290 = arith.constant 0 : i32
      %dma_wait3A_291 = tpu.memref_slice %arg10[%dma_wait3A_281, %dma_wait3A_289, %dma_wait3A_290] : memref<2x80x64xi32, #tpu.memory_space<vmem>> -> memref<1x80x64xi32, #tpu.memory_space<vmem>>
      %dma_wait3A_292 = tpu.memref_squeeze %dma_wait3A_291 : memref<1x80x64xi32, #tpu.memory_space<vmem>> -> memref<80x64xi32, #tpu.memory_space<vmem>>
      %dma_wait3A_293 = arith.constant 0 : i32
      %dma_wait3A_294 = arith.constant 0 : i32
      %dma_wait3A_295 = tpu.memref_slice %arg5[%dma_wait3A_293, %dma_wait3A_294] : memref<320000x64xi32, #tpu.memory_space<hbm>> -> memref<80x64xi32, #tpu.memory_space<hbm>>
      tpu.wait_dma2 semaphore(%arg13 : memref<!tpu.dma_semaphore, #tpu.memory_space<semaphore_mem>>) src(%dma_wait3A_295 : memref<80x64xi32, #tpu.memory_space<hbm>>) dst(%dma_wait3A_292 : memref<80x64xi32, #tpu.memory_space<vmem>>)
      %dma_wait3A_296 = arith.constant 0 : i32
      %dma_wait3A_297 = arith.constant 0 : i32
      %dma_wait3A_298 = arith.constant 0 : i32
      %dma_wait3A_299 = tpu.memref_slice %arg9[%dma_wait3A_296, %dma_wait3A_297, %dma_wait3A_298] : memref<2x80x128xf32, #tpu.memory_space<vmem>> -> memref<1x80x128xf32, #tpu.memory_space<vmem>>
      %dma_wait3A_300 = tpu.memref_squeeze %dma_wait3A_299 : memref<1x80x128xf32, #tpu.memory_space<vmem>> -> memref<80x128xf32, #tpu.memory_space<vmem>>
      %dma_wait3A_301 = arith.constant 0 : i32
      %dma_wait3A_302 = tpu.memref_slice %arg7[%rem3A_239, %dma_wait3A_301] : memref<4x80xi32, #tpu.memory_space<vmem>> -> memref<1x80xi32, #tpu.memory_space<vmem>>
      %dma_wait3A_303 = tpu.memref_squeeze %dma_wait3A_302 : memref<1x80xi32, #tpu.memory_space<vmem>> -> memref<80xi32, #tpu.memory_space<vmem>>
      %dma_wait3A_304 = arith.constant 0 : i32
      %dma_wait3A_305 = arith.constant 0 : i32
      %dma_wait3A_306 = tpu.memref_slice %arg2[%dma_wait3A_304, %dma_wait3A_305] : memref<10000x128xf32, #tpu.memory_space<hbm>> -> memref<10000x128xf32, #tpu.memory_space<hbm>>
      tpu.wait_indirect_dma semaphore(%arg12 : memref<!tpu.dma_semaphore, #tpu.memory_space<semaphore_mem>>) src(%dma_wait3A_306 : memref<10000x128xf32, #tpu.memory_space<hbm>>) dst(%dma_wait3A_300 : memref<80x128xf32, #tpu.memory_space<vmem>>)
      %scan3A_307 = arith.constant 0 : i32
      %scan3A_308 = arith.constant 0 : i32
      %scan3A_309 = arith.constant 0 : i32
      %scan3A_310 = arith.constant 40 : i32
      %scan3A_311 = arith.addi %scan3A_309, %scan3A_310 : i32
      %scan3A_312 = arith.constant 1 : i32
      scf.for %scan3A_449 = %scan3A_309 to %scan3A_311 step %scan3A_312  : i32 {
        %mul3A_450 = arith.constant 1 : i32
        %mul3A_451 = arith.muli %scan3A_449, %mul3A_450 : i32
        %add3A_452 = arith.constant 0 : i32
        %add3A_453 = arith.addi %add3A_452, %mul3A_451 : i32
        %mul3A_454 = arith.constant 2 : i32
        %mul3A_455 = arith.muli %add3A_453, %mul3A_454 : i32
        %add3A_456 = arith.constant 0 : i32
        %add3A_457 = arith.addi %mul3A_455, %add3A_456 : i32
        %get3A = arith.constant 0 : i32
        %get3A_458 = arith.constant 0 : i32
        %get3A_459 = tpu.memref_slice %arg10[%scan3A_307, %get3A, %get3A_458] : memref<2x80x64xi32, #tpu.memory_space<vmem>> -> memref<1x80x64xi32, #tpu.memory_space<vmem>>
        %get3A_460 = tpu.memref_squeeze %get3A_459 : memref<1x80x64xi32, #tpu.memory_space<vmem>> -> memref<80x64xi32, #tpu.memory_space<vmem>>
        %get3A_461 = arith.index_cast %add3A_457 : i32 to index
        %get3A_462 = arith.constant 0 : index
        %get3A_463 = tpu.vector_load %get3A_460[%get3A_461, %get3A_462] {strides = array<i32>} : memref<80x64xi32, #tpu.memory_space<vmem>>, vector<16xi32>,
        %bitcast3A = vector.bitcast %get3A_463 : vector<16xi32> to vector<32xbf16>
        %unpack3A = tpu.unpack_subelements %bitcast3A, 0 {pack_format = #tpu.pack_format<interleaved>} : vector<32xbf16> -> vector<16xf32>
        %unpack3A_464 = tpu.unpack_subelements %bitcast3A, 1 {pack_format = #tpu.pack_format<interleaved>} : vector<32xbf16> -> vector<16xf32>
        %get3A_465 = arith.constant 0 : i32
        %get3A_466 = arith.constant 0 : i32
        %get3A_467 = tpu.memref_slice %arg9[%scan3A_308, %get3A_465, %get3A_466] : memref<2x80x128xf32, #tpu.memory_space<vmem>> -> memref<1x80x128xf32, #tpu.memory_space<vmem>>
        %get3A_468 = tpu.memref_squeeze %get3A_467 : memref<1x80x128xf32, #tpu.memory_space<vmem>> -> memref<80x128xf32, #tpu.memory_space<vmem>>
        %get3A_469 = arith.index_cast %add3A_457 : i32 to index
        %get3A_470 = arith.constant 0 : index
        %get3A_471 = tpu.vector_load %get3A_468[%get3A_469, %get3A_470] {strides = array<i32>} : memref<80x128xf32, #tpu.memory_space<vmem>>, vector<16xf32>,
        %add3A_472 = arith.addf %get3A_471, %unpack3A : vector<16xf32>
        %max3A = arith.constant 0.000000e+00 : f32
        %max3A_473 = vector.broadcast %max3A : f32 to vector<16xf32>
        %max3A_474 = arith.maximumf %add3A_472, %max3A_473 : vector<16xf32>
        %swap3A = arith.constant 0 : i32
        %swap3A_475 = arith.constant 0 : i32
        %swap3A_476 = tpu.memref_slice %arg9[%scan3A_308, %swap3A, %swap3A_475] : memref<2x80x128xf32, #tpu.memory_space<vmem>> -> memref<1x80x128xf32, #tpu.memory_space<vmem>>
        %swap3A_477 = tpu.memref_squeeze %swap3A_476 : memref<1x80x128xf32, #tpu.memory_space<vmem>> -> memref<80x128xf32, #tpu.memory_space<vmem>>
        %swap3A_478 = arith.index_cast %add3A_457 : i32 to index
        %swap3A_479 = arith.constant 0 : index
        %swap3A_480 = tpu.vector_load %swap3A_477[%swap3A_478, %swap3A_479] {strides = array<i32>} : memref<80x128xf32, #tpu.memory_space<vmem>>, vector<16xf32>,
        tpu.vector_store %swap3A_477[%swap3A_478, %swap3A_479], %max3A_474 {strides = array<i32>} : memref<80x128xf32, #tpu.memory_space<vmem>>, vector<16xf32>,
        %get3A_481 = arith.constant 0 : i32
        %get3A_482 = arith.constant 0 : i32
        %get3A_483 = tpu.memref_slice %arg9[%scan3A_308, %get3A_481, %get3A_482] : memref<2x80x128xf32, #tpu.memory_space<vmem>> -> memref<1x80x128xf32, #tpu.memory_space<vmem>>
        %get3A_484 = tpu.memref_squeeze %get3A_483 : memref<1x80x128xf32, #tpu.memory_space<vmem>> -> memref<80x128xf32, #tpu.memory_space<vmem>>
        %get3A_485 = arith.index_cast %add3A_457 : i32 to index
        %get3A_486 = arith.constant 16 : index
        %get3A_487 = tpu.vector_load %get3A_484[%get3A_485, %get3A_486] {strides = array<i32>} : memref<80x128xf32, #tpu.memory_space<vmem>>, vector<16xf32>,
        %add3A_488 = arith.addf %get3A_487, %unpack3A_464 : vector<16xf32>
        %max3A_489 = arith.constant 0.000000e+00 : f32
        %max3A_490 = vector.broadcast %max3A_489 : f32 to vector<16xf32>
        %max3A_491 = arith.maximumf %add3A_488, %max3A_490 : vector<16xf32>
        %swap3A_492 = arith.constant 0 : i32
        %swap3A_493 = arith.constant 0 : i32
        %swap3A_494 = tpu.memref_slice %arg9[%scan3A_308, %swap3A_492, %swap3A_493] : memref<2x80x128xf32, #tpu.memory_space<vmem>> -> memref<1x80x128xf32, #tpu.memory_space<vmem>>
        %swap3A_495 = tpu.memref_squeeze %swap3A_494 : memref<1x80x128xf32, #tpu.memory_space<vmem>> -> memref<80x128xf32, #tpu.memory_space<vmem>>
        %swap3A_496 = arith.index_cast %add3A_457 : i32 to index
        %swap3A_497 = arith.constant 16 : index
        %swap3A_498 = tpu.vector_load %swap3A_495[%swap3A_496, %swap3A_497] {strides = array<i32>} : memref<80x128xf32, #tpu.memory_space<vmem>>, vector<16xf32>,
        tpu.vector_store %swap3A_495[%swap3A_496, %swap3A_497], %max3A_491 {strides = array<i32>} : memref<80x128xf32, #tpu.memory_space<vmem>>, vector<16xf32>,
        %get3A_499 = arith.constant 0 : i32
        %get3A_500 = arith.constant 0 : i32
        %get3A_501 = tpu.memref_slice %arg10[%scan3A_307, %get3A_499, %get3A_500] : memref<2x80x64xi32, #tpu.memory_space<vmem>> -> memref<1x80x64xi32, #tpu.memory_space<vmem>>
        %get3A_502 = tpu.memref_squeeze %get3A_501 : memref<1x80x64xi32, #tpu.memory_space<vmem>> -> memref<80x64xi32, #tpu.memory_space<vmem>>
        %get3A_503 = arith.index_cast %add3A_457 : i32 to index
        %get3A_504 = arith.constant 16 : index
        %get3A_505 = tpu.vector_load %get3A_502[%get3A_503, %get3A_504] {strides = array<i32>} : memref<80x64xi32, #tpu.memory_space<vmem>>, vector<16xi32>,
        %bitcast3A_506 = vector.bitcast %get3A_505 : vector<16xi32> to vector<32xbf16>
        %unpack3A_507 = tpu.unpack_subelements %bitcast3A_506, 0 {pack_format = #tpu.pack_format<interleaved>} : vector<32xbf16> -> vector<16xf32>
        %unpack3A_508 = tpu.unpack_subelements %bitcast3A_506, 1 {pack_format = #tpu.pack_format<interleaved>} : vector<32xbf16> -> vector<16xf32>
        %get3A_509 = arith.constant 0 : i32
        %get3A_510 = arith.constant 0 : i32
        %get3A_511 = tpu.memref_slice %arg9[%scan3A_308, %get3A_509, %get3A_510] : memref<2x80x128xf32, #tpu.memory_space<vmem>> -> memref<1x80x128xf32, #tpu.memory_space<vmem>>
        %get3A_512 = tpu.memref_squeeze %get3A_511 : memref<1x80x128xf32, #tpu.memory_space<vmem>> -> memref<80x128xf32, #tpu.memory_space<vmem>>
        %get3A_513 = arith.index_cast %add3A_457 : i32 to index
        %get3A_514 = arith.constant 32 : index
        %get3A_515 = tpu.vector_load %get3A_512[%get3A_513, %get3A_514] {strides = array<i32>} : memref<80x128xf32, #tpu.memory_space<vmem>>, vector<16xf32>,
        %add3A_516 = arith.addf %get3A_515, %unpack3A_507 : vector<16xf32>
        %max3A_517 = arith.constant 0.000000e+00 : f32
        %max3A_518 = vector.broadcast %max3A_517 : f32 to vector<16xf32>
        %max3A_519 = arith.maximumf %add3A_516, %max3A_518 : vector<16xf32>
        %swap3A_520 = arith.constant 0 : i32
        %swap3A_521 = arith.constant 0 : i32
        %swap3A_522 = tpu.memref_slice %arg9[%scan3A_308, %swap3A_520, %swap3A_521] : memref<2x80x128xf32, #tpu.memory_space<vmem>> -> memref<1x80x128xf32, #tpu.memory_space<vmem>>
        %swap3A_523 = tpu.memref_squeeze %swap3A_522 : memref<1x80x128xf32, #tpu.memory_space<vmem>> -> memref<80x128xf32, #tpu.memory_space<vmem>>
        %swap3A_524 = arith.index_cast %add3A_457 : i32 to index
        %swap3A_525 = arith.constant 32 : index
        %swap3A_526 = tpu.vector_load %swap3A_523[%swap3A_524, %swap3A_525] {strides = array<i32>} : memref<80x128xf32, #tpu.memory_space<vmem>>, vector<16xf32>,
        tpu.vector_store %swap3A_523[%swap3A_524, %swap3A_525], %max3A_519 {strides = array<i32>} : memref<80x128xf32, #tpu.memory_space<vmem>>, vector<16xf32>,
        %get3A_527 = arith.constant 0 : i32
        %get3A_528 = arith.constant 0 : i32
        %get3A_529 = tpu.memref_slice %arg9[%scan3A_308, %get3A_527, %get3A_528] : memref<2x80x128xf32, #tpu.memory_space<vmem>> -> memref<1x80x128xf32, #tpu.memory_space<vmem>>
        %get3A_530 = tpu.memref_squeeze %get3A_529 : memref<1x80x128xf32, #tpu.memory_space<vmem>> -> memref<80x128xf32, #tpu.memory_space<vmem>>
        %get3A_531 = arith.index_cast %add3A_457 : i32 to index
        %get3A_532 = arith.constant 48 : index
        %get3A_533 = tpu.vector_load %get3A_530[%get3A_531, %get3A_532] {strides = array<i32>} : memref<80x128xf32, #tpu.memory_space<vmem>>, vector<16xf32>,
        %add3A_534 = arith.addf %get3A_533, %unpack3A_508 : vector<16xf32>
        %max3A_535 = arith.constant 0.000000e+00 : f32
        %max3A_536 = vector.broadcast %max3A_535 : f32 to vector<16xf32>
        %max3A_537 = arith.maximumf %add3A_534, %max3A_536 : vector<16xf32>
        %swap3A_538 = arith.constant 0 : i32
        %swap3A_539 = arith.constant 0 : i32
        %swap3A_540 = tpu.memref_slice %arg9[%scan3A_308, %swap3A_538, %swap3A_539] : memref<2x80x128xf32, #tpu.memory_space<vmem>> -> memref<1x80x128xf32, #tpu.memory_space<vmem>>
        %swap3A_541 = tpu.memref_squeeze %swap3A_540 : memref<1x80x128xf32, #tpu.memory_space<vmem>> -> memref<80x128xf32, #tpu.memory_space<vmem>>
        %swap3A_542 = arith.index_cast %add3A_457 : i32 to index
        %swap3A_543 = arith.constant 48 : index
        %swap3A_544 = tpu.vector_load %swap3A_541[%swap3A_542, %swap3A_543] {strides = array<i32>} : memref<80x128xf32, #tpu.memory_space<vmem>>, vector<16xf32>,
        tpu.vector_store %swap3A_541[%swap3A_542, %swap3A_543], %max3A_537 {strides = array<i32>} : memref<80x128xf32, #tpu.memory_space<vmem>>, vector<16xf32>,
        %get3A_545 = arith.constant 0 : i32
        %get3A_546 = arith.constant 0 : i32
        %get3A_547 = tpu.memref_slice %arg10[%scan3A_307, %get3A_545, %get3A_546] : memref<2x80x64xi32, #tpu.memory_space<vmem>> -> memref<1x80x64xi32, #tpu.memory_space<vmem>>
        %get3A_548 = tpu.memref_squeeze %get3A_547 : memref<1x80x64xi32, #tpu.memory_space<vmem>> -> memref<80x64xi32, #tpu.memory_space<vmem>>
        %get3A_549 = arith.index_cast %add3A_457 : i32 to index
        %get3A_550 = arith.constant 32 : index
        %get3A_551 = tpu.vector_load %get3A_548[%get3A_549, %get3A_550] {strides = array<i32>} : memref<80x64xi32, #tpu.memory_space<vmem>>, vector<16xi32>,
        %bitcast3A_552 = vector.bitcast %get3A_551 : vector<16xi32> to vector<32xbf16>
        %unpack3A_553 = tpu.unpack_subelements %bitcast3A_552, 0 {pack_format = #tpu.pack_format<interleaved>} : vector<32xbf16> -> vector<16xf32>
        %unpack3A_554 = tpu.unpack_subelements %bitcast3A_552, 1 {pack_format = #tpu.pack_format<interleaved>} : vector<32xbf16> -> vector<16xf32>
        %get3A_555 = arith.constant 0 : i32
        %get3A_556 = arith.constant 0 : i32
        %get3A_557 = tpu.memref_slice %arg9[%scan3A_308, %get3A_555, %get3A_556] : memref<2x80x128xf32, #tpu.memory_space<vmem>> -> memref<1x80x128xf32, #tpu.memory_space<vmem>>
        %get3A_558 = tpu.memref_squeeze %get3A_557 : memref<1x80x128xf32, #tpu.memory_space<vmem>> -> memref<80x128xf32, #tpu.memory_space<vmem>>
        %get3A_559 = arith.index_cast %add3A_457 : i32 to index
        %get3A_560 = arith.constant 64 : index
        %get3A_561 = tpu.vector_load %get3A_558[%get3A_559, %get3A_560] {strides = array<i32>} : memref<80x128xf32, #tpu.memory_space<vmem>>, vector<16xf32>,
        %add3A_562 = arith.addf %get3A_561, %unpack3A_553 : vector<16xf32>
        %max3A_563 = arith.constant 0.000000e+00 : f32
        %max3A_564 = vector.broadcast %max3A_563 : f32 to vector<16xf32>
        %max3A_565 = arith.maximumf %add3A_562, %max3A_564 : vector<16xf32>
        %swap3A_566 = arith.constant 0 : i32
        %swap3A_567 = arith.constant 0 : i32
        %swap3A_568 = tpu.memref_slice %arg9[%scan3A_308, %swap3A_566, %swap3A_567] : memref<2x80x128xf32, #tpu.memory_space<vmem>> -> memref<1x80x128xf32, #tpu.memory_space<vmem>>
        %swap3A_569 = tpu.memref_squeeze %swap3A_568 : memref<1x80x128xf32, #tpu.memory_space<vmem>> -> memref<80x128xf32, #tpu.memory_space<vmem>>
        %swap3A_570 = arith.index_cast %add3A_457 : i32 to index
        %swap3A_571 = arith.constant 64 : index
        %swap3A_572 = tpu.vector_load %swap3A_569[%swap3A_570, %swap3A_571] {strides = array<i32>} : memref<80x128xf32, #tpu.memory_space<vmem>>, vector<16xf32>,
        tpu.vector_store %swap3A_569[%swap3A_570, %swap3A_571], %max3A_565 {strides = array<i32>} : memref<80x128xf32, #tpu.memory_space<vmem>>, vector<16xf32>,
        %get3A_573 = arith.constant 0 : i32
        %get3A_574 = arith.constant 0 : i32
        %get3A_575 = tpu.memref_slice %arg9[%scan3A_308, %get3A_573, %get3A_574] : memref<2x80x128xf32, #tpu.memory_space<vmem>> -> memref<1x80x128xf32, #tpu.memory_space<vmem>>
        %get3A_576 = tpu.memref_squeeze %get3A_575 : memref<1x80x128xf32, #tpu.memory_space<vmem>> -> memref<80x128xf32, #tpu.memory_space<vmem>>
        %get3A_577 = arith.index_cast %add3A_457 : i32 to index
        %get3A_578 = arith.constant 80 : index
        %get3A_579 = tpu.vector_load %get3A_576[%get3A_577, %get3A_578] {strides = array<i32>} : memref<80x128xf32, #tpu.memory_space<vmem>>, vector<16xf32>,
        %add3A_580 = arith.addf %get3A_579, %unpack3A_554 : vector<16xf32>
        %max3A_581 = arith.constant 0.000000e+00 : f32
        %max3A_582 = vector.broadcast %max3A_581 : f32 to vector<16xf32>
        %max3A_583 = arith.maximumf %add3A_580, %max3A_582 : vector<16xf32>
        %swap3A_584 = arith.constant 0 : i32
        %swap3A_585 = arith.constant 0 : i32
        %swap3A_586 = tpu.memref_slice %arg9[%scan3A_308, %swap3A_584, %swap3A_585] : memref<2x80x128xf32, #tpu.memory_space<vmem>> -> memref<1x80x128xf32, #tpu.memory_space<vmem>>
        %swap3A_587 = tpu.memref_squeeze %swap3A_586 : memref<1x80x128xf32, #tpu.memory_space<vmem>> -> memref<80x128xf32, #tpu.memory_space<vmem>>
        %swap3A_588 = arith.index_cast %add3A_457 : i32 to index
        %swap3A_589 = arith.constant 80 : index
        %swap3A_590 = tpu.vector_load %swap3A_587[%swap3A_588, %swap3A_589] {strides = array<i32>} : memref<80x128xf32, #tpu.memory_space<vmem>>, vector<16xf32>,
        tpu.vector_store %swap3A_587[%swap3A_588, %swap3A_589], %max3A_583 {strides = array<i32>} : memref<80x128xf32, #tpu.memory_space<vmem>>, vector<16xf32>,
        %get3A_591 = arith.constant 0 : i32
        %get3A_592 = arith.constant 0 : i32
        %get3A_593 = tpu.memref_slice %arg10[%scan3A_307, %get3A_591, %get3A_592] : memref<2x80x64xi32, #tpu.memory_space<vmem>> -> memref<1x80x64xi32, #tpu.memory_space<vmem>>
        %get3A_594 = tpu.memref_squeeze %get3A_593 : memref<1x80x64xi32, #tpu.memory_space<vmem>> -> memref<80x64xi32, #tpu.memory_space<vmem>>
        %get3A_595 = arith.index_cast %add3A_457 : i32 to index
        %get3A_596 = arith.constant 48 : index
        %get3A_597 = tpu.vector_load %get3A_594[%get3A_595, %get3A_596] {strides = array<i32>} : memref<80x64xi32, #tpu.memory_space<vmem>>, vector<16xi32>,
        %bitcast3A_598 = vector.bitcast %get3A_597 : vector<16xi32> to vector<32xbf16>
        %unpack3A_599 = tpu.unpack_subelements %bitcast3A_598, 0 {pack_format = #tpu.pack_format<interleaved>} : vector<32xbf16> -> vector<16xf32>
        %unpack3A_600 = tpu.unpack_subelements %bitcast3A_598, 1 {pack_format = #tpu.pack_format<interleaved>} : vector<32xbf16> -> vector<16xf32>
        %get3A_601 = arith.constant 0 : i32
        %get3A_602 = arith.constant 0 : i32
        %get3A_603 = tpu.memref_slice %arg9[%scan3A_308, %get3A_601, %get3A_602] : memref<2x80x128xf32, #tpu.memory_space<vmem>> -> memref<1x80x128xf32, #tpu.memory_space<vmem>>
        %get3A_604 = tpu.memref_squeeze %get3A_603 : memref<1x80x128xf32, #tpu.memory_space<vmem>> -> memref<80x128xf32, #tpu.memory_space<vmem>>
        %get3A_605 = arith.index_cast %add3A_457 : i32 to index
        %get3A_606 = arith.constant 96 : index
        %get3A_607 = tpu.vector_load %get3A_604[%get3A_605, %get3A_606] {strides = array<i32>} : memref<80x128xf32, #tpu.memory_space<vmem>>, vector<16xf32>,
        %add3A_608 = arith.addf %get3A_607, %unpack3A_599 : vector<16xf32>
        %max3A_609 = arith.constant 0.000000e+00 : f32
        %max3A_610 = vector.broadcast %max3A_609 : f32 to vector<16xf32>
        %max3A_611 = arith.maximumf %add3A_608, %max3A_610 : vector<16xf32>
        %swap3A_612 = arith.constant 0 : i32
        %swap3A_613 = arith.constant 0 : i32
        %swap3A_614 = tpu.memref_slice %arg9[%scan3A_308, %swap3A_612, %swap3A_613] : memref<2x80x128xf32, #tpu.memory_space<vmem>> -> memref<1x80x128xf32, #tpu.memory_space<vmem>>
        %swap3A_615 = tpu.memref_squeeze %swap3A_614 : memref<1x80x128xf32, #tpu.memory_space<vmem>> -> memref<80x128xf32, #tpu.memory_space<vmem>>
        %swap3A_616 = arith.index_cast %add3A_457 : i32 to index
        %swap3A_617 = arith.constant 96 : index
        %swap3A_618 = tpu.vector_load %swap3A_615[%swap3A_616, %swap3A_617] {strides = array<i32>} : memref<80x128xf32, #tpu.memory_space<vmem>>, vector<16xf32>,
        tpu.vector_store %swap3A_615[%swap3A_616, %swap3A_617], %max3A_611 {strides = array<i32>} : memref<80x128xf32, #tpu.memory_space<vmem>>, vector<16xf32>,
        %get3A_619 = arith.constant 0 : i32
        %get3A_620 = arith.constant 0 : i32
        %get3A_621 = tpu.memref_slice %arg9[%scan3A_308, %get3A_619, %get3A_620] : memref<2x80x128xf32, #tpu.memory_space<vmem>> -> memref<1x80x128xf32, #tpu.memory_space<vmem>>
        %get3A_622 = tpu.memref_squeeze %get3A_621 : memref<1x80x128xf32, #tpu.memory_space<vmem>> -> memref<80x128xf32, #tpu.memory_space<vmem>>
        %get3A_623 = arith.index_cast %add3A_457 : i32 to index
        %get3A_624 = arith.constant 112 : index
        %get3A_625 = tpu.vector_load %get3A_622[%get3A_623, %get3A_624] {strides = array<i32>} : memref<80x128xf32, #tpu.memory_space<vmem>>, vector<16xf32>,
        %add3A_626 = arith.addf %get3A_625, %unpack3A_600 : vector<16xf32>
        %max3A_627 = arith.constant 0.000000e+00 : f32
        %max3A_628 = vector.broadcast %max3A_627 : f32 to vector<16xf32>
        %max3A_629 = arith.maximumf %add3A_626, %max3A_628 : vector<16xf32>
        %swap3A_630 = arith.constant 0 : i32
        %swap3A_631 = arith.constant 0 : i32
        %swap3A_632 = tpu.memref_slice %arg9[%scan3A_308, %swap3A_630, %swap3A_631] : memref<2x80x128xf32, #tpu.memory_space<vmem>> -> memref<1x80x128xf32, #tpu.memory_space<vmem>>
        %swap3A_633 = tpu.memref_squeeze %swap3A_632 : memref<1x80x128xf32, #tpu.memory_space<vmem>> -> memref<80x128xf32, #tpu.memory_space<vmem>>
        %swap3A_634 = arith.index_cast %add3A_457 : i32 to index
        %swap3A_635 = arith.constant 112 : index
        %swap3A_636 = tpu.vector_load %swap3A_633[%swap3A_634, %swap3A_635] {strides = array<i32>} : memref<80x128xf32, #tpu.memory_space<vmem>>, vector<16xf32>,
        tpu.vector_store %swap3A_633[%swap3A_634, %swap3A_635], %max3A_629 {strides = array<i32>} : memref<80x128xf32, #tpu.memory_space<vmem>>, vector<16xf32>,
        %add3A_637 = arith.constant 1 : i32
        %add3A_638 = arith.addi %mul3A_455, %add3A_637 : i32
        %get3A_639 = arith.constant 0 : i32
        %get3A_640 = arith.constant 0 : i32
        %get3A_641 = tpu.memref_slice %arg10[%scan3A_307, %get3A_639, %get3A_640] : memref<2x80x64xi32, #tpu.memory_space<vmem>> -> memref<1x80x64xi32, #tpu.memory_space<vmem>>
        %get3A_642 = tpu.memref_squeeze %get3A_641 : memref<1x80x64xi32, #tpu.memory_space<vmem>> -> memref<80x64xi32, #tpu.memory_space<vmem>>
        %get3A_643 = arith.index_cast %add3A_638 : i32 to index
        %get3A_644 = arith.constant 0 : index
        %get3A_645 = tpu.vector_load %get3A_642[%get3A_643, %get3A_644] {strides = array<i32>} : memref<80x64xi32, #tpu.memory_space<vmem>>, vector<16xi32>,
        %bitcast3A_646 = vector.bitcast %get3A_645 : vector<16xi32> to vector<32xbf16>
        %unpack3A_647 = tpu.unpack_subelements %bitcast3A_646, 0 {pack_format = #tpu.pack_format<interleaved>} : vector<32xbf16> -> vector<16xf32>
        %unpack3A_648 = tpu.unpack_subelements %bitcast3A_646, 1 {pack_format = #tpu.pack_format<interleaved>} : vector<32xbf16> -> vector<16xf32>
        %get3A_649 = arith.constant 0 : i32
        %get3A_650 = arith.constant 0 : i32
        %get3A_651 = tpu.memref_slice %arg9[%scan3A_308, %get3A_649, %get3A_650] : memref<2x80x128xf32, #tpu.memory_space<vmem>> -> memref<1x80x128xf32, #tpu.memory_space<vmem>>
        %get3A_652 = tpu.memref_squeeze %get3A_651 : memref<1x80x128xf32, #tpu.memory_space<vmem>> -> memref<80x128xf32, #tpu.memory_space<vmem>>
        %get3A_653 = arith.index_cast %add3A_638 : i32 to index
        %get3A_654 = arith.constant 0 : index
        %get3A_655 = tpu.vector_load %get3A_652[%get3A_653, %get3A_654] {strides = array<i32>} : memref<80x128xf32, #tpu.memory_space<vmem>>, vector<16xf32>,
        %add3A_656 = arith.addf %get3A_655, %unpack3A_647 : vector<16xf32>
        %max3A_657 = arith.constant 0.000000e+00 : f32
        %max3A_658 = vector.broadcast %max3A_657 : f32 to vector<16xf32>
        %max3A_659 = arith.maximumf %add3A_656, %max3A_658 : vector<16xf32>
        %swap3A_660 = arith.constant 0 : i32
        %swap3A_661 = arith.constant 0 : i32
        %swap3A_662 = tpu.memref_slice %arg9[%scan3A_308, %swap3A_660, %swap3A_661] : memref<2x80x128xf32, #tpu.memory_space<vmem>> -> memref<1x80x128xf32, #tpu.memory_space<vmem>>
        %swap3A_663 = tpu.memref_squeeze %swap3A_662 : memref<1x80x128xf32, #tpu.memory_space<vmem>> -> memref<80x128xf32, #tpu.memory_space<vmem>>
        %swap3A_664 = arith.index_cast %add3A_638 : i32 to index
        %swap3A_665 = arith.constant 0 : index
        %swap3A_666 = tpu.vector_load %swap3A_663[%swap3A_664, %swap3A_665] {strides = array<i32>} : memref<80x128xf32, #tpu.memory_space<vmem>>, vector<16xf32>,
        tpu.vector_store %swap3A_663[%swap3A_664, %swap3A_665], %max3A_659 {strides = array<i32>} : memref<80x128xf32, #tpu.memory_space<vmem>>, vector<16xf32>,
        %get3A_667 = arith.constant 0 : i32
        %get3A_668 = arith.constant 0 : i32
        %get3A_669 = tpu.memref_slice %arg9[%scan3A_308, %get3A_667, %get3A_668] : memref<2x80x128xf32, #tpu.memory_space<vmem>> -> memref<1x80x128xf32, #tpu.memory_space<vmem>>
        %get3A_670 = tpu.memref_squeeze %get3A_669 : memref<1x80x128xf32, #tpu.memory_space<vmem>> -> memref<80x128xf32, #tpu.memory_space<vmem>>
        %get3A_671 = arith.index_cast %add3A_638 : i32 to index
        %get3A_672 = arith.constant 16 : index
        %get3A_673 = tpu.vector_load %get3A_670[%get3A_671, %get3A_672] {strides = array<i32>} : memref<80x128xf32, #tpu.memory_space<vmem>>, vector<16xf32>,
        %add3A_674 = arith.addf %get3A_673, %unpack3A_648 : vector<16xf32>
        %max3A_675 = arith.constant 0.000000e+00 : f32
        %max3A_676 = vector.broadcast %max3A_675 : f32 to vector<16xf32>
        %max3A_677 = arith.maximumf %add3A_674, %max3A_676 : vector<16xf32>
        %swap3A_678 = arith.constant 0 : i32
        %swap3A_679 = arith.constant 0 : i32
        %swap3A_680 = tpu.memref_slice %arg9[%scan3A_308, %swap3A_678, %swap3A_679] : memref<2x80x128xf32, #tpu.memory_space<vmem>> -> memref<1x80x128xf32, #tpu.memory_space<vmem>>
        %swap3A_681 = tpu.memref_squeeze %swap3A_680 : memref<1x80x128xf32, #tpu.memory_space<vmem>> -> memref<80x128xf32, #tpu.memory_space<vmem>>
        %swap3A_682 = arith.index_cast %add3A_638 : i32 to index
        %swap3A_683 = arith.constant 16 : index
        %swap3A_684 = tpu.vector_load %swap3A_681[%swap3A_682, %swap3A_683] {strides = array<i32>} : memref<80x128xf32, #tpu.memory_space<vmem>>, vector<16xf32>,
        tpu.vector_store %swap3A_681[%swap3A_682, %swap3A_683], %max3A_677 {strides = array<i32>} : memref<80x128xf32, #tpu.memory_space<vmem>>, vector<16xf32>,
        %get3A_685 = arith.constant 0 : i32
        %get3A_686 = arith.constant 0 : i32
        %get3A_687 = tpu.memref_slice %arg10[%scan3A_307, %get3A_685, %get3A_686] : memref<2x80x64xi32, #tpu.memory_space<vmem>> -> memref<1x80x64xi32, #tpu.memory_space<vmem>>
        %get3A_688 = tpu.memref_squeeze %get3A_687 : memref<1x80x64xi32, #tpu.memory_space<vmem>> -> memref<80x64xi32, #tpu.memory_space<vmem>>
        %get3A_689 = arith.index_cast %add3A_638 : i32 to index
        %get3A_690 = arith.constant 16 : index
        %get3A_691 = tpu.vector_load %get3A_688[%get3A_689, %get3A_690] {strides = array<i32>} : memref<80x64xi32, #tpu.memory_space<vmem>>, vector<16xi32>,
        %bitcast3A_692 = vector.bitcast %get3A_691 : vector<16xi32> to vector<32xbf16>
        %unpack3A_693 = tpu.unpack_subelements %bitcast3A_692, 0 {pack_format = #tpu.pack_format<interleaved>} : vector<32xbf16> -> vector<16xf32>
        %unpack3A_694 = tpu.unpack_subelements %bitcast3A_692, 1 {pack_format = #tpu.pack_format<interleaved>} : vector<32xbf16> -> vector<16xf32>
        %get3A_695 = arith.constant 0 : i32
        %get3A_696 = arith.constant 0 : i32
        %get3A_697 = tpu.memref_slice %arg9[%scan3A_308, %get3A_695, %get3A_696] : memref<2x80x128xf32, #tpu.memory_space<vmem>> -> memref<1x80x128xf32, #tpu.memory_space<vmem>>
        %get3A_698 = tpu.memref_squeeze %get3A_697 : memref<1x80x128xf32, #tpu.memory_space<vmem>> -> memref<80x128xf32, #tpu.memory_space<vmem>>
        %get3A_699 = arith.index_cast %add3A_638 : i32 to index
        %get3A_700 = arith.constant 32 : index
        %get3A_701 = tpu.vector_load %get3A_698[%get3A_699, %get3A_700] {strides = array<i32>} : memref<80x128xf32, #tpu.memory_space<vmem>>, vector<16xf32>,
        %add3A_702 = arith.addf %get3A_701, %unpack3A_693 : vector<16xf32>
        %max3A_703 = arith.constant 0.000000e+00 : f32
        %max3A_704 = vector.broadcast %max3A_703 : f32 to vector<16xf32>
        %max3A_705 = arith.maximumf %add3A_702, %max3A_704 : vector<16xf32>
        %swap3A_706 = arith.constant 0 : i32
        %swap3A_707 = arith.constant 0 : i32
        %swap3A_708 = tpu.memref_slice %arg9[%scan3A_308, %swap3A_706, %swap3A_707] : memref<2x80x128xf32, #tpu.memory_space<vmem>> -> memref<1x80x128xf32, #tpu.memory_space<vmem>>
        %swap3A_709 = tpu.memref_squeeze %swap3A_708 : memref<1x80x128xf32, #tpu.memory_space<vmem>> -> memref<80x128xf32, #tpu.memory_space<vmem>>
        %swap3A_710 = arith.index_cast %add3A_638 : i32 to index
        %swap3A_711 = arith.constant 32 : index
        %swap3A_712 = tpu.vector_load %swap3A_709[%swap3A_710, %swap3A_711] {strides = array<i32>} : memref<80x128xf32, #tpu.memory_space<vmem>>, vector<16xf32>,
        tpu.vector_store %swap3A_709[%swap3A_710, %swap3A_711], %max3A_705 {strides = array<i32>} : memref<80x128xf32, #tpu.memory_space<vmem>>, vector<16xf32>,
        %get3A_713 = arith.constant 0 : i32
        %get3A_714 = arith.constant 0 : i32
        %get3A_715 = tpu.memref_slice %arg9[%scan3A_308, %get3A_713, %get3A_714] : memref<2x80x128xf32, #tpu.memory_space<vmem>> -> memref<1x80x128xf32, #tpu.memory_space<vmem>>
        %get3A_716 = tpu.memref_squeeze %get3A_715 : memref<1x80x128xf32, #tpu.memory_space<vmem>> -> memref<80x128xf32, #tpu.memory_space<vmem>>
        %get3A_717 = arith.index_cast %add3A_638 : i32 to index
        %get3A_718 = arith.constant 48 : index
        %get3A_719 = tpu.vector_load %get3A_716[%get3A_717, %get3A_718] {strides = array<i32>} : memref<80x128xf32, #tpu.memory_space<vmem>>, vector<16xf32>,
        %add3A_720 = arith.addf %get3A_719, %unpack3A_694 : vector<16xf32>
        %max3A_721 = arith.constant 0.000000e+00 : f32
        %max3A_722 = vector.broadcast %max3A_721 : f32 to vector<16xf32>
        %max3A_723 = arith.maximumf %add3A_720, %max3A_722 : vector<16xf32>
        %swap3A_724 = arith.constant 0 : i32
        %swap3A_725 = arith.constant 0 : i32
        %swap3A_726 = tpu.memref_slice %arg9[%scan3A_308, %swap3A_724, %swap3A_725] : memref<2x80x128xf32, #tpu.memory_space<vmem>> -> memref<1x80x128xf32, #tpu.memory_space<vmem>>
        %swap3A_727 = tpu.memref_squeeze %swap3A_726 : memref<1x80x128xf32, #tpu.memory_space<vmem>> -> memref<80x128xf32, #tpu.memory_space<vmem>>
        %swap3A_728 = arith.index_cast %add3A_638 : i32 to index
        %swap3A_729 = arith.constant 48 : index
        %swap3A_730 = tpu.vector_load %swap3A_727[%swap3A_728, %swap3A_729] {strides = array<i32>} : memref<80x128xf32, #tpu.memory_space<vmem>>, vector<16xf32>,
        tpu.vector_store %swap3A_727[%swap3A_728, %swap3A_729], %max3A_723 {strides = array<i32>} : memref<80x128xf32, #tpu.memory_space<vmem>>, vector<16xf32>,
        %get3A_731 = arith.constant 0 : i32
        %get3A_732 = arith.constant 0 : i32
        %get3A_733 = tpu.memref_slice %arg10[%scan3A_307, %get3A_731, %get3A_732] : memref<2x80x64xi32, #tpu.memory_space<vmem>> -> memref<1x80x64xi32, #tpu.memory_space<vmem>>
        %get3A_734 = tpu.memref_squeeze %get3A_733 : memref<1x80x64xi32, #tpu.memory_space<vmem>> -> memref<80x64xi32, #tpu.memory_space<vmem>>
        %get3A_735 = arith.index_cast %add3A_638 : i32 to index
        %get3A_736 = arith.constant 32 : index
        %get3A_737 = tpu.vector_load %get3A_734[%get3A_735, %get3A_736] {strides = array<i32>} : memref<80x64xi32, #tpu.memory_space<vmem>>, vector<16xi32>,
        %bitcast3A_738 = vector.bitcast %get3A_737 : vector<16xi32> to vector<32xbf16>
        %unpack3A_739 = tpu.unpack_subelements %bitcast3A_738, 0 {pack_format = #tpu.pack_format<interleaved>} : vector<32xbf16> -> vector<16xf32>
        %unpack3A_740 = tpu.unpack_subelements %bitcast3A_738, 1 {pack_format = #tpu.pack_format<interleaved>} : vector<32xbf16> -> vector<16xf32>
        %get3A_741 = arith.constant 0 : i32
        %get3A_742 = arith.constant 0 : i32
        %get3A_743 = tpu.memref_slice %arg9[%scan3A_308, %get3A_741, %get3A_742] : memref<2x80x128xf32, #tpu.memory_space<vmem>> -> memref<1x80x128xf32, #tpu.memory_space<vmem>>
        %get3A_744 = tpu.memref_squeeze %get3A_743 : memref<1x80x128xf32, #tpu.memory_space<vmem>> -> memref<80x128xf32, #tpu.memory_space<vmem>>
        %get3A_745 = arith.index_cast %add3A_638 : i32 to index
        %get3A_746 = arith.constant 64 : index
        %get3A_747 = tpu.vector_load %get3A_744[%get3A_745, %get3A_746] {strides = array<i32>} : memref<80x128xf32, #tpu.memory_space<vmem>>, vector<16xf32>,
        %add3A_748 = arith.addf %get3A_747, %unpack3A_739 : vector<16xf32>
        %max3A_749 = arith.constant 0.000000e+00 : f32
        %max3A_750 = vector.broadcast %max3A_749 : f32 to vector<16xf32>
        %max3A_751 = arith.maximumf %add3A_748, %max3A_750 : vector<16xf32>
        %swap3A_752 = arith.constant 0 : i32
        %swap3A_753 = arith.constant 0 : i32
        %swap3A_754 = tpu.memref_slice %arg9[%scan3A_308, %swap3A_752, %swap3A_753] : memref<2x80x128xf32, #tpu.memory_space<vmem>> -> memref<1x80x128xf32, #tpu.memory_space<vmem>>
        %swap3A_755 = tpu.memref_squeeze %swap3A_754 : memref<1x80x128xf32, #tpu.memory_space<vmem>> -> memref<80x128xf32, #tpu.memory_space<vmem>>
        %swap3A_756 = arith.index_cast %add3A_638 : i32 to index
        %swap3A_757 = arith.constant 64 : index
        %swap3A_758 = tpu.vector_load %swap3A_755[%swap3A_756, %swap3A_757] {strides = array<i32>} : memref<80x128xf32, #tpu.memory_space<vmem>>, vector<16xf32>,
        tpu.vector_store %swap3A_755[%swap3A_756, %swap3A_757], %max3A_751 {strides = array<i32>} : memref<80x128xf32, #tpu.memory_space<vmem>>, vector<16xf32>,
        %get3A_759 = arith.constant 0 : i32
        %get3A_760 = arith.constant 0 : i32
        %get3A_761 = tpu.memref_slice %arg9[%scan3A_308, %get3A_759, %get3A_760] : memref<2x80x128xf32, #tpu.memory_space<vmem>> -> memref<1x80x128xf32, #tpu.memory_space<vmem>>
        %get3A_762 = tpu.memref_squeeze %get3A_761 : memref<1x80x128xf32, #tpu.memory_space<vmem>> -> memref<80x128xf32, #tpu.memory_space<vmem>>
        %get3A_763 = arith.index_cast %add3A_638 : i32 to index
        %get3A_764 = arith.constant 80 : index
        %get3A_765 = tpu.vector_load %get3A_762[%get3A_763, %get3A_764] {strides = array<i32>} : memref<80x128xf32, #tpu.memory_space<vmem>>, vector<16xf32>,
        %add3A_766 = arith.addf %get3A_765, %unpack3A_740 : vector<16xf32>
        %max3A_767 = arith.constant 0.000000e+00 : f32
        %max3A_768 = vector.broadcast %max3A_767 : f32 to vector<16xf32>
        %max3A_769 = arith.maximumf %add3A_766, %max3A_768 : vector<16xf32>
        %swap3A_770 = arith.constant 0 : i32
        %swap3A_771 = arith.constant 0 : i32
        %swap3A_772 = tpu.memref_slice %arg9[%scan3A_308, %swap3A_770, %swap3A_771] : memref<2x80x128xf32, #tpu.memory_space<vmem>> -> memref<1x80x128xf32, #tpu.memory_space<vmem>>
        %swap3A_773 = tpu.memref_squeeze %swap3A_772 : memref<1x80x128xf32, #tpu.memory_space<vmem>> -> memref<80x128xf32, #tpu.memory_space<vmem>>
        %swap3A_774 = arith.index_cast %add3A_638 : i32 to index
        %swap3A_775 = arith.constant 80 : index
        %swap3A_776 = tpu.vector_load %swap3A_773[%swap3A_774, %swap3A_775] {strides = array<i32>} : memref<80x128xf32, #tpu.memory_space<vmem>>, vector<16xf32>,
        tpu.vector_store %swap3A_773[%swap3A_774, %swap3A_775], %max3A_769 {strides = array<i32>} : memref<80x128xf32, #tpu.memory_space<vmem>>, vector<16xf32>,
        %get3A_777 = arith.constant 0 : i32
        %get3A_778 = arith.constant 0 : i32
        %get3A_779 = tpu.memref_slice %arg10[%scan3A_307, %get3A_777, %get3A_778] : memref<2x80x64xi32, #tpu.memory_space<vmem>> -> memref<1x80x64xi32, #tpu.memory_space<vmem>>
        %get3A_780 = tpu.memref_squeeze %get3A_779 : memref<1x80x64xi32, #tpu.memory_space<vmem>> -> memref<80x64xi32, #tpu.memory_space<vmem>>
        %get3A_781 = arith.index_cast %add3A_638 : i32 to index
        %get3A_782 = arith.constant 48 : index
        %get3A_783 = tpu.vector_load %get3A_780[%get3A_781, %get3A_782] {strides = array<i32>} : memref<80x64xi32, #tpu.memory_space<vmem>>, vector<16xi32>,
        %bitcast3A_784 = vector.bitcast %get3A_783 : vector<16xi32> to vector<32xbf16>
        %unpack3A_785 = tpu.unpack_subelements %bitcast3A_784, 0 {pack_format = #tpu.pack_format<interleaved>} : vector<32xbf16> -> vector<16xf32>
        %unpack3A_786 = tpu.unpack_subelements %bitcast3A_784, 1 {pack_format = #tpu.pack_format<interleaved>} : vector<32xbf16> -> vector<16xf32>
        %get3A_787 = arith.constant 0 : i32
        %get3A_788 = arith.constant 0 : i32
        %get3A_789 = tpu.memref_slice %arg9[%scan3A_308, %get3A_787, %get3A_788] : memref<2x80x128xf32, #tpu.memory_space<vmem>> -> memref<1x80x128xf32, #tpu.memory_space<vmem>>
        %get3A_790 = tpu.memref_squeeze %get3A_789 : memref<1x80x128xf32, #tpu.memory_space<vmem>> -> memref<80x128xf32, #tpu.memory_space<vmem>>
        %get3A_791 = arith.index_cast %add3A_638 : i32 to index
        %get3A_792 = arith.constant 96 : index
        %get3A_793 = tpu.vector_load %get3A_790[%get3A_791, %get3A_792] {strides = array<i32>} : memref<80x128xf32, #tpu.memory_space<vmem>>, vector<16xf32>,
        %add3A_794 = arith.addf %get3A_793, %unpack3A_785 : vector<16xf32>
        %max3A_795 = arith.constant 0.000000e+00 : f32
        %max3A_796 = vector.broadcast %max3A_795 : f32 to vector<16xf32>
        %max3A_797 = arith.maximumf %add3A_794, %max3A_796 : vector<16xf32>
        %swap3A_798 = arith.constant 0 : i32
        %swap3A_799 = arith.constant 0 : i32
        %swap3A_800 = tpu.memref_slice %arg9[%scan3A_308, %swap3A_798, %swap3A_799] : memref<2x80x128xf32, #tpu.memory_space<vmem>> -> memref<1x80x128xf32, #tpu.memory_space<vmem>>
        %swap3A_801 = tpu.memref_squeeze %swap3A_800 : memref<1x80x128xf32, #tpu.memory_space<vmem>> -> memref<80x128xf32, #tpu.memory_space<vmem>>
        %swap3A_802 = arith.index_cast %add3A_638 : i32 to index
        %swap3A_803 = arith.constant 96 : index
        %swap3A_804 = tpu.vector_load %swap3A_801[%swap3A_802, %swap3A_803] {strides = array<i32>} : memref<80x128xf32, #tpu.memory_space<vmem>>, vector<16xf32>,
        tpu.vector_store %swap3A_801[%swap3A_802, %swap3A_803], %max3A_797 {strides = array<i32>} : memref<80x128xf32, #tpu.memory_space<vmem>>, vector<16xf32>,
        %get3A_805 = arith.constant 0 : i32
        %get3A_806 = arith.constant 0 : i32
        %get3A_807 = tpu.memref_slice %arg9[%scan3A_308, %get3A_805, %get3A_806] : memref<2x80x128xf32, #tpu.memory_space<vmem>> -> memref<1x80x128xf32, #tpu.memory_space<vmem>>
        %get3A_808 = tpu.memref_squeeze %get3A_807 : memref<1x80x128xf32, #tpu.memory_space<vmem>> -> memref<80x128xf32, #tpu.memory_space<vmem>>
        %get3A_809 = arith.index_cast %add3A_638 : i32 to index
        %get3A_810 = arith.constant 112 : index
        %get3A_811 = tpu.vector_load %get3A_808[%get3A_809, %get3A_810] {strides = array<i32>} : memref<80x128xf32, #tpu.memory_space<vmem>>, vector<16xf32>,
        %add3A_812 = arith.addf %get3A_811, %unpack3A_786 : vector<16xf32>
        %max3A_813 = arith.constant 0.000000e+00 : f32
        %max3A_814 = vector.broadcast %max3A_813 : f32 to vector<16xf32>
        %max3A_815 = arith.maximumf %add3A_812, %max3A_814 : vector<16xf32>
        %swap3A_816 = arith.constant 0 : i32
        %swap3A_817 = arith.constant 0 : i32
        %swap3A_818 = tpu.memref_slice %arg9[%scan3A_308, %swap3A_816, %swap3A_817] : memref<2x80x128xf32, #tpu.memory_space<vmem>> -> memref<1x80x128xf32, #tpu.memory_space<vmem>>
        %swap3A_819 = tpu.memref_squeeze %swap3A_818 : memref<1x80x128xf32, #tpu.memory_space<vmem>> -> memref<80x128xf32, #tpu.memory_space<vmem>>
        %swap3A_820 = arith.index_cast %add3A_638 : i32 to index
        %swap3A_821 = arith.constant 112 : index
        %swap3A_822 = tpu.vector_load %swap3A_819[%swap3A_820, %swap3A_821] {strides = array<i32>} : memref<80x128xf32, #tpu.memory_space<vmem>>, vector<16xf32>,
        tpu.vector_store %swap3A_819[%swap3A_820, %swap3A_821], %max3A_815 {strides = array<i32>} : memref<80x128xf32, #tpu.memory_space<vmem>>, vector<16xf32>,
      }
      %scan3A_313 = arith.constant 40 : i32
      %dma_start3A_314 = arith.constant 0 : i32
      %dma_start3A_315 = arith.constant 0 : i32
      %dma_start3A_316 = arith.constant 0 : i32
      %dma_start3A_317 = tpu.memref_slice %arg9[%dma_start3A_314, %dma_start3A_315, %dma_start3A_316] : memref<2x80x128xf32, #tpu.memory_space<vmem>> -> memref<1x80x128xf32, #tpu.memory_space<vmem>>
      %dma_start3A_318 = tpu.memref_squeeze %dma_start3A_317 : memref<1x80x128xf32, #tpu.memory_space<vmem>> -> memref<80x128xf32, #tpu.memory_space<vmem>>
      %dma_start3A_319 = arith.constant 0 : i32
      %dma_start3A_320 = tpu.memref_slice %arg8[%rem3A_239, %dma_start3A_319] : memref<4x80xi32, #tpu.memory_space<vmem>> -> memref<1x80xi32, #tpu.memory_space<vmem>>
      %dma_start3A_321 = tpu.memref_squeeze %dma_start3A_320 : memref<1x80xi32, #tpu.memory_space<vmem>> -> memref<80xi32, #tpu.memory_space<vmem>>
      %dma_start3A_322 = arith.constant 0 : i32
      %dma_start3A_323 = arith.constant 0 : i32
      %dma_start3A_324 = tpu.memref_slice %arg11[%dma_start3A_322, %dma_start3A_323] : memref<10000x128xf32, #tpu.memory_space<vmem_shared>> -> memref<10000x128xf32, #tpu.memory_space<vmem_shared>>
      tpu.enqueue_indirect_dma source(%dma_start3A_318 : memref<80x128xf32, #tpu.memory_space<vmem>>) target(%dma_start3A_324 : memref<10000x128xf32, #tpu.memory_space<vmem_shared>>) offsets(%dma_start3A_321 : memref<80xi32, #tpu.memory_space<vmem>>) semaphore(%arg14 : memref<!tpu.dma_semaphore, #tpu.memory_space<semaphore_mem>>) {add = true}
      %dma_wait3A_325 = arith.constant 1 : i32
      %dma_wait3A_326 = arith.constant 0 : i32
      %dma_wait3A_327 = arith.constant 0 : i32
      %dma_wait3A_328 = tpu.memref_slice %arg10[%dma_wait3A_325, %dma_wait3A_326, %dma_wait3A_327] : memref<2x80x64xi32, #tpu.memory_space<vmem>> -> memref<1x80x64xi32, #tpu.memory_space<vmem>>
      %dma_wait3A_329 = tpu.memref_squeeze %dma_wait3A_328 : memref<1x80x64xi32, #tpu.memory_space<vmem>> -> memref<80x64xi32, #tpu.memory_space<vmem>>
      %dma_wait3A_330 = arith.constant 0 : i32
      %dma_wait3A_331 = arith.constant 0 : i32
      %dma_wait3A_332 = tpu.memref_slice %arg5[%dma_wait3A_330, %dma_wait3A_331] : memref<320000x64xi32, #tpu.memory_space<hbm>> -> memref<80x64xi32, #tpu.memory_space<hbm>>
      %dma_wait3A_333 = arith.constant 0 : i32
      %dma_wait3A_334 = arith.constant 0 : i32
      %dma_wait3A_335 = tpu.memref_slice %arg10[%dma_wait3A_325, %dma_wait3A_333, %dma_wait3A_334] : memref<2x80x64xi32, #tpu.memory_space<vmem>> -> memref<1x80x64xi32, #tpu.memory_space<vmem>>
      %dma_wait3A_336 = tpu.memref_squeeze %dma_wait3A_335 : memref<1x80x64xi32, #tpu.memory_space<vmem>> -> memref<80x64xi32, #tpu.memory_space<vmem>>
      %dma_wait3A_337 = arith.constant 0 : i32
      %dma_wait3A_338 = arith.constant 0 : i32
      %dma_wait3A_339 = tpu.memref_slice %arg5[%dma_wait3A_337, %dma_wait3A_338] : memref<320000x64xi32, #tpu.memory_space<hbm>> -> memref<80x64xi32, #tpu.memory_space<hbm>>
      tpu.wait_dma2 semaphore(%arg13 : memref<!tpu.dma_semaphore, #tpu.memory_space<semaphore_mem>>) src(%dma_wait3A_339 : memref<80x64xi32, #tpu.memory_space<hbm>>) dst(%dma_wait3A_336 : memref<80x64xi32, #tpu.memory_space<vmem>>)
      %dma_wait3A_340 = arith.constant 1 : i32
      %dma_wait3A_341 = arith.constant 0 : i32
      %dma_wait3A_342 = arith.constant 0 : i32
      %dma_wait3A_343 = tpu.memref_slice %arg9[%dma_wait3A_340, %dma_wait3A_341, %dma_wait3A_342] : memref<2x80x128xf32, #tpu.memory_space<vmem>> -> memref<1x80x128xf32, #tpu.memory_space<vmem>>
      %dma_wait3A_344 = tpu.memref_squeeze %dma_wait3A_343 : memref<1x80x128xf32, #tpu.memory_space<vmem>> -> memref<80x128xf32, #tpu.memory_space<vmem>>
      %dma_wait3A_345 = arith.constant 0 : i32
      %dma_wait3A_346 = tpu.memref_slice %arg7[%rem3A_243, %dma_wait3A_345] : memref<4x80xi32, #tpu.memory_space<vmem>> -> memref<1x80xi32, #tpu.memory_space<vmem>>
      %dma_wait3A_347 = tpu.memref_squeeze %dma_wait3A_346 : memref<1x80xi32, #tpu.memory_space<vmem>> -> memref<80xi32, #tpu.memory_space<vmem>>
      %dma_wait3A_348 = arith.constant 0 : i32
      %dma_wait3A_349 = arith.constant 0 : i32
      %dma_wait3A_350 = tpu.memref_slice %arg2[%dma_wait3A_348, %dma_wait3A_349] : memref<10000x128xf32, #tpu.memory_space<hbm>> -> memref<10000x128xf32, #tpu.memory_space<hbm>>
      tpu.wait_indirect_dma semaphore(%arg12 : memref<!tpu.dma_semaphore, #tpu.memory_space<semaphore_mem>>) src(%dma_wait3A_350 : memref<10000x128xf32, #tpu.memory_space<hbm>>) dst(%dma_wait3A_344 : memref<80x128xf32, #tpu.memory_space<vmem>>)
      %scan3A_351 = arith.constant 1 : i32
      %scan3A_352 = arith.constant 1 : i32
      %scan3A_353 = arith.constant 0 : i32
      %scan3A_354 = arith.constant 40 : i32
      %scan3A_355 = arith.addi %scan3A_353, %scan3A_354 : i32
      %scan3A_356 = arith.constant 1 : i32
      scf.for %scan3A_449 = %scan3A_353 to %scan3A_355 step %scan3A_356  : i32 {
        %mul3A_450 = arith.constant 1 : i32
        %mul3A_451 = arith.muli %scan3A_449, %mul3A_450 : i32
        %add3A_452 = arith.constant 0 : i32
        %add3A_453 = arith.addi %add3A_452, %mul3A_451 : i32
        %mul3A_454 = arith.constant 2 : i32
        %mul3A_455 = arith.muli %add3A_453, %mul3A_454 : i32
        %add3A_456 = arith.constant 0 : i32
        %add3A_457 = arith.addi %mul3A_455, %add3A_456 : i32
        %get3A = arith.constant 0 : i32
        %get3A_458 = arith.constant 0 : i32
        %get3A_459 = tpu.memref_slice %arg10[%scan3A_351, %get3A, %get3A_458] : memref<2x80x64xi32, #tpu.memory_space<vmem>> -> memref<1x80x64xi32, #tpu.memory_space<vmem>>
        %get3A_460 = tpu.memref_squeeze %get3A_459 : memref<1x80x64xi32, #tpu.memory_space<vmem>> -> memref<80x64xi32, #tpu.memory_space<vmem>>
        %get3A_461 = arith.index_cast %add3A_457 : i32 to index
        %get3A_462 = arith.constant 0 : index
        %get3A_463 = tpu.vector_load %get3A_460[%get3A_461, %get3A_462] {strides = array<i32>} : memref<80x64xi32, #tpu.memory_space<vmem>>, vector<16xi32>,
        %bitcast3A = vector.bitcast %get3A_463 : vector<16xi32> to vector<32xbf16>
        %unpack3A = tpu.unpack_subelements %bitcast3A, 0 {pack_format = #tpu.pack_format<interleaved>} : vector<32xbf16> -> vector<16xf32>
        %unpack3A_464 = tpu.unpack_subelements %bitcast3A, 1 {pack_format = #tpu.pack_format<interleaved>} : vector<32xbf16> -> vector<16xf32>
        %get3A_465 = arith.constant 0 : i32
        %get3A_466 = arith.constant 0 : i32
        %get3A_467 = tpu.memref_slice %arg9[%scan3A_352, %get3A_465, %get3A_466] : memref<2x80x128xf32, #tpu.memory_space<vmem>> -> memref<1x80x128xf32, #tpu.memory_space<vmem>>
        %get3A_468 = tpu.memref_squeeze %get3A_467 : memref<1x80x128xf32, #tpu.memory_space<vmem>> -> memref<80x128xf32, #tpu.memory_space<vmem>>
        %get3A_469 = arith.index_cast %add3A_457 : i32 to index
        %get3A_470 = arith.constant 0 : index
        %get3A_471 = tpu.vector_load %get3A_468[%get3A_469, %get3A_470] {strides = array<i32>} : memref<80x128xf32, #tpu.memory_space<vmem>>, vector<16xf32>,
        %add3A_472 = arith.addf %get3A_471, %unpack3A : vector<16xf32>
        %max3A = arith.constant 0.000000e+00 : f32
        %max3A_473 = vector.broadcast %max3A : f32 to vector<16xf32>
        %max3A_474 = arith.maximumf %add3A_472, %max3A_473 : vector<16xf32>
        %swap3A = arith.constant 0 : i32
        %swap3A_475 = arith.constant 0 : i32
        %swap3A_476 = tpu.memref_slice %arg9[%scan3A_352, %swap3A, %swap3A_475] : memref<2x80x128xf32, #tpu.memory_space<vmem>> -> memref<1x80x128xf32, #tpu.memory_space<vmem>>
        %swap3A_477 = tpu.memref_squeeze %swap3A_476 : memref<1x80x128xf32, #tpu.memory_space<vmem>> -> memref<80x128xf32, #tpu.memory_space<vmem>>
        %swap3A_478 = arith.index_cast %add3A_457 : i32 to index
        %swap3A_479 = arith.constant 0 : index
        %swap3A_480 = tpu.vector_load %swap3A_477[%swap3A_478, %swap3A_479] {strides = array<i32>} : memref<80x128xf32, #tpu.memory_space<vmem>>, vector<16xf32>,
        tpu.vector_store %swap3A_477[%swap3A_478, %swap3A_479], %max3A_474 {strides = array<i32>} : memref<80x128xf32, #tpu.memory_space<vmem>>, vector<16xf32>,
        %get3A_481 = arith.constant 0 : i32
        %get3A_482 = arith.constant 0 : i32
        %get3A_483 = tpu.memref_slice %arg9[%scan3A_352, %get3A_481, %get3A_482] : memref<2x80x128xf32, #tpu.memory_space<vmem>> -> memref<1x80x128xf32, #tpu.memory_space<vmem>>
        %get3A_484 = tpu.memref_squeeze %get3A_483 : memref<1x80x128xf32, #tpu.memory_space<vmem>> -> memref<80x128xf32, #tpu.memory_space<vmem>>
        %get3A_485 = arith.index_cast %add3A_457 : i32 to index
        %get3A_486 = arith.constant 16 : index
        %get3A_487 = tpu.vector_load %get3A_484[%get3A_485, %get3A_486] {strides = array<i32>} : memref<80x128xf32, #tpu.memory_space<vmem>>, vector<16xf32>,
        %add3A_488 = arith.addf %get3A_487, %unpack3A_464 : vector<16xf32>
        %max3A_489 = arith.constant 0.000000e+00 : f32
        %max3A_490 = vector.broadcast %max3A_489 : f32 to vector<16xf32>
        %max3A_491 = arith.maximumf %add3A_488, %max3A_490 : vector<16xf32>
        %swap3A_492 = arith.constant 0 : i32
        %swap3A_493 = arith.constant 0 : i32
        %swap3A_494 = tpu.memref_slice %arg9[%scan3A_352, %swap3A_492, %swap3A_493] : memref<2x80x128xf32, #tpu.memory_space<vmem>> -> memref<1x80x128xf32, #tpu.memory_space<vmem>>
        %swap3A_495 = tpu.memref_squeeze %swap3A_494 : memref<1x80x128xf32, #tpu.memory_space<vmem>> -> memref<80x128xf32, #tpu.memory_space<vmem>>
        %swap3A_496 = arith.index_cast %add3A_457 : i32 to index
        %swap3A_497 = arith.constant 16 : index
        %swap3A_498 = tpu.vector_load %swap3A_495[%swap3A_496, %swap3A_497] {strides = array<i32>} : memref<80x128xf32, #tpu.memory_space<vmem>>, vector<16xf32>,
        tpu.vector_store %swap3A_495[%swap3A_496, %swap3A_497], %max3A_491 {strides = array<i32>} : memref<80x128xf32, #tpu.memory_space<vmem>>, vector<16xf32>,
        %get3A_499 = arith.constant 0 : i32
        %get3A_500 = arith.constant 0 : i32
        %get3A_501 = tpu.memref_slice %arg10[%scan3A_351, %get3A_499, %get3A_500] : memref<2x80x64xi32, #tpu.memory_space<vmem>> -> memref<1x80x64xi32, #tpu.memory_space<vmem>>
        %get3A_502 = tpu.memref_squeeze %get3A_501 : memref<1x80x64xi32, #tpu.memory_space<vmem>> -> memref<80x64xi32, #tpu.memory_space<vmem>>
        %get3A_503 = arith.index_cast %add3A_457 : i32 to index
        %get3A_504 = arith.constant 16 : index
        %get3A_505 = tpu.vector_load %get3A_502[%get3A_503, %get3A_504] {strides = array<i32>} : memref<80x64xi32, #tpu.memory_space<vmem>>, vector<16xi32>,
        %bitcast3A_506 = vector.bitcast %get3A_505 : vector<16xi32> to vector<32xbf16>
        %unpack3A_507 = tpu.unpack_subelements %bitcast3A_506, 0 {pack_format = #tpu.pack_format<interleaved>} : vector<32xbf16> -> vector<16xf32>
        %unpack3A_508 = tpu.unpack_subelements %bitcast3A_506, 1 {pack_format = #tpu.pack_format<interleaved>} : vector<32xbf16> -> vector<16xf32>
        %get3A_509 = arith.constant 0 : i32
        %get3A_510 = arith.constant 0 : i32
        %get3A_511 = tpu.memref_slice %arg9[%scan3A_352, %get3A_509, %get3A_510] : memref<2x80x128xf32, #tpu.memory_space<vmem>> -> memref<1x80x128xf32, #tpu.memory_space<vmem>>
        %get3A_512 = tpu.memref_squeeze %get3A_511 : memref<1x80x128xf32, #tpu.memory_space<vmem>> -> memref<80x128xf32, #tpu.memory_space<vmem>>
        %get3A_513 = arith.index_cast %add3A_457 : i32 to index
        %get3A_514 = arith.constant 32 : index
        %get3A_515 = tpu.vector_load %get3A_512[%get3A_513, %get3A_514] {strides = array<i32>} : memref<80x128xf32, #tpu.memory_space<vmem>>, vector<16xf32>,
        %add3A_516 = arith.addf %get3A_515, %unpack3A_507 : vector<16xf32>
        %max3A_517 = arith.constant 0.000000e+00 : f32
        %max3A_518 = vector.broadcast %max3A_517 : f32 to vector<16xf32>
        %max3A_519 = arith.maximumf %add3A_516, %max3A_518 : vector<16xf32>
        %swap3A_520 = arith.constant 0 : i32
        %swap3A_521 = arith.constant 0 : i32
        %swap3A_522 = tpu.memref_slice %arg9[%scan3A_352, %swap3A_520, %swap3A_521] : memref<2x80x128xf32, #tpu.memory_space<vmem>> -> memref<1x80x128xf32, #tpu.memory_space<vmem>>
        %swap3A_523 = tpu.memref_squeeze %swap3A_522 : memref<1x80x128xf32, #tpu.memory_space<vmem>> -> memref<80x128xf32, #tpu.memory_space<vmem>>
        %swap3A_524 = arith.index_cast %add3A_457 : i32 to index
        %swap3A_525 = arith.constant 32 : index
        %swap3A_526 = tpu.vector_load %swap3A_523[%swap3A_524, %swap3A_525] {strides = array<i32>} : memref<80x128xf32, #tpu.memory_space<vmem>>, vector<16xf32>,
        tpu.vector_store %swap3A_523[%swap3A_524, %swap3A_525], %max3A_519 {strides = array<i32>} : memref<80x128xf32, #tpu.memory_space<vmem>>, vector<16xf32>,
        %get3A_527 = arith.constant 0 : i32
        %get3A_528 = arith.constant 0 : i32
        %get3A_529 = tpu.memref_slice %arg9[%scan3A_352, %get3A_527, %get3A_528] : memref<2x80x128xf32, #tpu.memory_space<vmem>> -> memref<1x80x128xf32, #tpu.memory_space<vmem>>
        %get3A_530 = tpu.memref_squeeze %get3A_529 : memref<1x80x128xf32, #tpu.memory_space<vmem>> -> memref<80x128xf32, #tpu.memory_space<vmem>>
        %get3A_531 = arith.index_cast %add3A_457 : i32 to index
        %get3A_532 = arith.constant 48 : index
        %get3A_533 = tpu.vector_load %get3A_530[%get3A_531, %get3A_532] {strides = array<i32>} : memref<80x128xf32, #tpu.memory_space<vmem>>, vector<16xf32>,
        %add3A_534 = arith.addf %get3A_533, %unpack3A_508 : vector<16xf32>
        %max3A_535 = arith.constant 0.000000e+00 : f32
        %max3A_536 = vector.broadcast %max3A_535 : f32 to vector<16xf32>
        %max3A_537 = arith.maximumf %add3A_534, %max3A_536 : vector<16xf32>
        %swap3A_538 = arith.constant 0 : i32
        %swap3A_539 = arith.constant 0 : i32
        %swap3A_540 = tpu.memref_slice %arg9[%scan3A_352, %swap3A_538, %swap3A_539] : memref<2x80x128xf32, #tpu.memory_space<vmem>> -> memref<1x80x128xf32, #tpu.memory_space<vmem>>
        %swap3A_541 = tpu.memref_squeeze %swap3A_540 : memref<1x80x128xf32, #tpu.memory_space<vmem>> -> memref<80x128xf32, #tpu.memory_space<vmem>>
        %swap3A_542 = arith.index_cast %add3A_457 : i32 to index
        %swap3A_543 = arith.constant 48 : index
        %swap3A_544 = tpu.vector_load %swap3A_541[%swap3A_542, %swap3A_543] {strides = array<i32>} : memref<80x128xf32, #tpu.memory_space<vmem>>, vector<16xf32>,
        tpu.vector_store %swap3A_541[%swap3A_542, %swap3A_543], %max3A_537 {strides = array<i32>} : memref<80x128xf32, #tpu.memory_space<vmem>>, vector<16xf32>,
        %get3A_545 = arith.constant 0 : i32
        %get3A_546 = arith.constant 0 : i32
        %get3A_547 = tpu.memref_slice %arg10[%scan3A_351, %get3A_545, %get3A_546] : memref<2x80x64xi32, #tpu.memory_space<vmem>> -> memref<1x80x64xi32, #tpu.memory_space<vmem>>
        %get3A_548 = tpu.memref_squeeze %get3A_547 : memref<1x80x64xi32, #tpu.memory_space<vmem>> -> memref<80x64xi32, #tpu.memory_space<vmem>>
        %get3A_549 = arith.index_cast %add3A_457 : i32 to index
        %get3A_550 = arith.constant 32 : index
        %get3A_551 = tpu.vector_load %get3A_548[%get3A_549, %get3A_550] {strides = array<i32>} : memref<80x64xi32, #tpu.memory_space<vmem>>, vector<16xi32>,
        %bitcast3A_552 = vector.bitcast %get3A_551 : vector<16xi32> to vector<32xbf16>
        %unpack3A_553 = tpu.unpack_subelements %bitcast3A_552, 0 {pack_format = #tpu.pack_format<interleaved>} : vector<32xbf16> -> vector<16xf32>
        %unpack3A_554 = tpu.unpack_subelements %bitcast3A_552, 1 {pack_format = #tpu.pack_format<interleaved>} : vector<32xbf16> -> vector<16xf32>
        %get3A_555 = arith.constant 0 : i32
        %get3A_556 = arith.constant 0 : i32
        %get3A_557 = tpu.memref_slice %arg9[%scan3A_352, %get3A_555, %get3A_556] : memref<2x80x128xf32, #tpu.memory_space<vmem>> -> memref<1x80x128xf32, #tpu.memory_space<vmem>>
        %get3A_558 = tpu.memref_squeeze %get3A_557 : memref<1x80x128xf32, #tpu.memory_space<vmem>> -> memref<80x128xf32, #tpu.memory_space<vmem>>
        %get3A_559 = arith.index_cast %add3A_457 : i32 to index
        %get3A_560 = arith.constant 64 : index
        %get3A_561 = tpu.vector_load %get3A_558[%get3A_559, %get3A_560] {strides = array<i32>} : memref<80x128xf32, #tpu.memory_space<vmem>>, vector<16xf32>,
        %add3A_562 = arith.addf %get3A_561, %unpack3A_553 : vector<16xf32>
        %max3A_563 = arith.constant 0.000000e+00 : f32
        %max3A_564 = vector.broadcast %max3A_563 : f32 to vector<16xf32>
        %max3A_565 = arith.maximumf %add3A_562, %max3A_564 : vector<16xf32>
        %swap3A_566 = arith.constant 0 : i32
        %swap3A_567 = arith.constant 0 : i32
        %swap3A_568 = tpu.memref_slice %arg9[%scan3A_352, %swap3A_566, %swap3A_567] : memref<2x80x128xf32, #tpu.memory_space<vmem>> -> memref<1x80x128xf32, #tpu.memory_space<vmem>>
        %swap3A_569 = tpu.memref_squeeze %swap3A_568 : memref<1x80x128xf32, #tpu.memory_space<vmem>> -> memref<80x128xf32, #tpu.memory_space<vmem>>
        %swap3A_570 = arith.index_cast %add3A_457 : i32 to index
        %swap3A_571 = arith.constant 64 : index
        %swap3A_572 = tpu.vector_load %swap3A_569[%swap3A_570, %swap3A_571] {strides = array<i32>} : memref<80x128xf32, #tpu.memory_space<vmem>>, vector<16xf32>,
        tpu.vector_store %swap3A_569[%swap3A_570, %swap3A_571], %max3A_565 {strides = array<i32>} : memref<80x128xf32, #tpu.memory_space<vmem>>, vector<16xf32>,
        %get3A_573 = arith.constant 0 : i32
        %get3A_574 = arith.constant 0 : i32
        %get3A_575 = tpu.memref_slice %arg9[%scan3A_352, %get3A_573, %get3A_574] : memref<2x80x128xf32, #tpu.memory_space<vmem>> -> memref<1x80x128xf32, #tpu.memory_space<vmem>>
        %get3A_576 = tpu.memref_squeeze %get3A_575 : memref<1x80x128xf32, #tpu.memory_space<vmem>> -> memref<80x128xf32, #tpu.memory_space<vmem>>
        %get3A_577 = arith.index_cast %add3A_457 : i32 to index
        %get3A_578 = arith.constant 80 : index
        %get3A_579 = tpu.vector_load %get3A_576[%get3A_577, %get3A_578] {strides = array<i32>} : memref<80x128xf32, #tpu.memory_space<vmem>>, vector<16xf32>,
        %add3A_580 = arith.addf %get3A_579, %unpack3A_554 : vector<16xf32>
        %max3A_581 = arith.constant 0.000000e+00 : f32
        %max3A_582 = vector.broadcast %max3A_581 : f32 to vector<16xf32>
        %max3A_583 = arith.maximumf %add3A_580, %max3A_582 : vector<16xf32>
        %swap3A_584 = arith.constant 0 : i32
        %swap3A_585 = arith.constant 0 : i32
        %swap3A_586 = tpu.memref_slice %arg9[%scan3A_352, %swap3A_584, %swap3A_585] : memref<2x80x128xf32, #tpu.memory_space<vmem>> -> memref<1x80x128xf32, #tpu.memory_space<vmem>>
        %swap3A_587 = tpu.memref_squeeze %swap3A_586 : memref<1x80x128xf32, #tpu.memory_space<vmem>> -> memref<80x128xf32, #tpu.memory_space<vmem>>
        %swap3A_588 = arith.index_cast %add3A_457 : i32 to index
        %swap3A_589 = arith.constant 80 : index
        %swap3A_590 = tpu.vector_load %swap3A_587[%swap3A_588, %swap3A_589] {strides = array<i32>} : memref<80x128xf32, #tpu.memory_space<vmem>>, vector<16xf32>,
        tpu.vector_store %swap3A_587[%swap3A_588, %swap3A_589], %max3A_583 {strides = array<i32>} : memref<80x128xf32, #tpu.memory_space<vmem>>, vector<16xf32>,
        %get3A_591 = arith.constant 0 : i32
        %get3A_592 = arith.constant 0 : i32
        %get3A_593 = tpu.memref_slice %arg10[%scan3A_351, %get3A_591, %get3A_592] : memref<2x80x64xi32, #tpu.memory_space<vmem>> -> memref<1x80x64xi32, #tpu.memory_space<vmem>>
        %get3A_594 = tpu.memref_squeeze %get3A_593 : memref<1x80x64xi32, #tpu.memory_space<vmem>> -> memref<80x64xi32, #tpu.memory_space<vmem>>
        %get3A_595 = arith.index_cast %add3A_457 : i32 to index
        %get3A_596 = arith.constant 48 : index
        %get3A_597 = tpu.vector_load %get3A_594[%get3A_595, %get3A_596] {strides = array<i32>} : memref<80x64xi32, #tpu.memory_space<vmem>>, vector<16xi32>,
        %bitcast3A_598 = vector.bitcast %get3A_597 : vector<16xi32> to vector<32xbf16>
        %unpack3A_599 = tpu.unpack_subelements %bitcast3A_598, 0 {pack_format = #tpu.pack_format<interleaved>} : vector<32xbf16> -> vector<16xf32>
        %unpack3A_600 = tpu.unpack_subelements %bitcast3A_598, 1 {pack_format = #tpu.pack_format<interleaved>} : vector<32xbf16> -> vector<16xf32>
        %get3A_601 = arith.constant 0 : i32
        %get3A_602 = arith.constant 0 : i32
        %get3A_603 = tpu.memref_slice %arg9[%scan3A_352, %get3A_601, %get3A_602] : memref<2x80x128xf32, #tpu.memory_space<vmem>> -> memref<1x80x128xf32, #tpu.memory_space<vmem>>
        %get3A_604 = tpu.memref_squeeze %get3A_603 : memref<1x80x128xf32, #tpu.memory_space<vmem>> -> memref<80x128xf32, #tpu.memory_space<vmem>>
        %get3A_605 = arith.index_cast %add3A_457 : i32 to index
        %get3A_606 = arith.constant 96 : index
        %get3A_607 = tpu.vector_load %get3A_604[%get3A_605, %get3A_606] {strides = array<i32>} : memref<80x128xf32, #tpu.memory_space<vmem>>, vector<16xf32>,
        %add3A_608 = arith.addf %get3A_607, %unpack3A_599 : vector<16xf32>
        %max3A_609 = arith.constant 0.000000e+00 : f32
        %max3A_610 = vector.broadcast %max3A_609 : f32 to vector<16xf32>
        %max3A_611 = arith.maximumf %add3A_608, %max3A_610 : vector<16xf32>
        %swap3A_612 = arith.constant 0 : i32
        %swap3A_613 = arith.constant 0 : i32
        %swap3A_614 = tpu.memref_slice %arg9[%scan3A_352, %swap3A_612, %swap3A_613] : memref<2x80x128xf32, #tpu.memory_space<vmem>> -> memref<1x80x128xf32, #tpu.memory_space<vmem>>
        %swap3A_615 = tpu.memref_squeeze %swap3A_614 : memref<1x80x128xf32, #tpu.memory_space<vmem>> -> memref<80x128xf32, #tpu.memory_space<vmem>>
        %swap3A_616 = arith.index_cast %add3A_457 : i32 to index
        %swap3A_617 = arith.constant 96 : index
        %swap3A_618 = tpu.vector_load %swap3A_615[%swap3A_616, %swap3A_617] {strides = array<i32>} : memref<80x128xf32, #tpu.memory_space<vmem>>, vector<16xf32>,
        tpu.vector_store %swap3A_615[%swap3A_616, %swap3A_617], %max3A_611 {strides = array<i32>} : memref<80x128xf32, #tpu.memory_space<vmem>>, vector<16xf32>,
        %get3A_619 = arith.constant 0 : i32
        %get3A_620 = arith.constant 0 : i32
        %get3A_621 = tpu.memref_slice %arg9[%scan3A_352, %get3A_619, %get3A_620] : memref<2x80x128xf32, #tpu.memory_space<vmem>> -> memref<1x80x128xf32, #tpu.memory_space<vmem>>
        %get3A_622 = tpu.memref_squeeze %get3A_621 : memref<1x80x128xf32, #tpu.memory_space<vmem>> -> memref<80x128xf32, #tpu.memory_space<vmem>>
        %get3A_623 = arith.index_cast %add3A_457 : i32 to index
        %get3A_624 = arith.constant 112 : index
        %get3A_625 = tpu.vector_load %get3A_622[%get3A_623, %get3A_624] {strides = array<i32>} : memref<80x128xf32, #tpu.memory_space<vmem>>, vector<16xf32>,
        %add3A_626 = arith.addf %get3A_625, %unpack3A_600 : vector<16xf32>
        %max3A_627 = arith.constant 0.000000e+00 : f32
        %max3A_628 = vector.broadcast %max3A_627 : f32 to vector<16xf32>
        %max3A_629 = arith.maximumf %add3A_626, %max3A_628 : vector<16xf32>
        %swap3A_630 = arith.constant 0 : i32
        %swap3A_631 = arith.constant 0 : i32
        %swap3A_632 = tpu.memref_slice %arg9[%scan3A_352, %swap3A_630, %swap3A_631] : memref<2x80x128xf32, #tpu.memory_space<vmem>> -> memref<1x80x128xf32, #tpu.memory_space<vmem>>
        %swap3A_633 = tpu.memref_squeeze %swap3A_632 : memref<1x80x128xf32, #tpu.memory_space<vmem>> -> memref<80x128xf32, #tpu.memory_space<vmem>>
        %swap3A_634 = arith.index_cast %add3A_457 : i32 to index
        %swap3A_635 = arith.constant 112 : index
        %swap3A_636 = tpu.vector_load %swap3A_633[%swap3A_634, %swap3A_635] {strides = array<i32>} : memref<80x128xf32, #tpu.memory_space<vmem>>, vector<16xf32>,
        tpu.vector_store %swap3A_633[%swap3A_634, %swap3A_635], %max3A_629 {strides = array<i32>} : memref<80x128xf32, #tpu.memory_space<vmem>>, vector<16xf32>,
        %add3A_637 = arith.constant 1 : i32
        %add3A_638 = arith.addi %mul3A_455, %add3A_637 : i32
        %get3A_639 = arith.constant 0 : i32
        %get3A_640 = arith.constant 0 : i32
        %get3A_641 = tpu.memref_slice %arg10[%scan3A_351, %get3A_639, %get3A_640] : memref<2x80x64xi32, #tpu.memory_space<vmem>> -> memref<1x80x64xi32, #tpu.memory_space<vmem>>
        %get3A_642 = tpu.memref_squeeze %get3A_641 : memref<1x80x64xi32, #tpu.memory_space<vmem>> -> memref<80x64xi32, #tpu.memory_space<vmem>>
        %get3A_643 = arith.index_cast %add3A_638 : i32 to index
        %get3A_644 = arith.constant 0 : index
        %get3A_645 = tpu.vector_load %get3A_642[%get3A_643, %get3A_644] {strides = array<i32>} : memref<80x64xi32, #tpu.memory_space<vmem>>, vector<16xi32>,
        %bitcast3A_646 = vector.bitcast %get3A_645 : vector<16xi32> to vector<32xbf16>
        %unpack3A_647 = tpu.unpack_subelements %bitcast3A_646, 0 {pack_format = #tpu.pack_format<interleaved>} : vector<32xbf16> -> vector<16xf32>
        %unpack3A_648 = tpu.unpack_subelements %bitcast3A_646, 1 {pack_format = #tpu.pack_format<interleaved>} : vector<32xbf16> -> vector<16xf32>
        %get3A_649 = arith.constant 0 : i32
        %get3A_650 = arith.constant 0 : i32
        %get3A_651 = tpu.memref_slice %arg9[%scan3A_352, %get3A_649, %get3A_650] : memref<2x80x128xf32, #tpu.memory_space<vmem>> -> memref<1x80x128xf32, #tpu.memory_space<vmem>>
        %get3A_652 = tpu.memref_squeeze %get3A_651 : memref<1x80x128xf32, #tpu.memory_space<vmem>> -> memref<80x128xf32, #tpu.memory_space<vmem>>
        %get3A_653 = arith.index_cast %add3A_638 : i32 to index
        %get3A_654 = arith.constant 0 : index
        %get3A_655 = tpu.vector_load %get3A_652[%get3A_653, %get3A_654] {strides = array<i32>} : memref<80x128xf32, #tpu.memory_space<vmem>>, vector<16xf32>,
        %add3A_656 = arith.addf %get3A_655, %unpack3A_647 : vector<16xf32>
        %max3A_657 = arith.constant 0.000000e+00 : f32
        %max3A_658 = vector.broadcast %max3A_657 : f32 to vector<16xf32>
        %max3A_659 = arith.maximumf %add3A_656, %max3A_658 : vector<16xf32>
        %swap3A_660 = arith.constant 0 : i32
        %swap3A_661 = arith.constant 0 : i32
        %swap3A_662 = tpu.memref_slice %arg9[%scan3A_352, %swap3A_660, %swap3A_661] : memref<2x80x128xf32, #tpu.memory_space<vmem>> -> memref<1x80x128xf32, #tpu.memory_space<vmem>>
        %swap3A_663 = tpu.memref_squeeze %swap3A_662 : memref<1x80x128xf32, #tpu.memory_space<vmem>> -> memref<80x128xf32, #tpu.memory_space<vmem>>
        %swap3A_664 = arith.index_cast %add3A_638 : i32 to index
        %swap3A_665 = arith.constant 0 : index
        %swap3A_666 = tpu.vector_load %swap3A_663[%swap3A_664, %swap3A_665] {strides = array<i32>} : memref<80x128xf32, #tpu.memory_space<vmem>>, vector<16xf32>,
        tpu.vector_store %swap3A_663[%swap3A_664, %swap3A_665], %max3A_659 {strides = array<i32>} : memref<80x128xf32, #tpu.memory_space<vmem>>, vector<16xf32>,
        %get3A_667 = arith.constant 0 : i32
        %get3A_668 = arith.constant 0 : i32
        %get3A_669 = tpu.memref_slice %arg9[%scan3A_352, %get3A_667, %get3A_668] : memref<2x80x128xf32, #tpu.memory_space<vmem>> -> memref<1x80x128xf32, #tpu.memory_space<vmem>>
        %get3A_670 = tpu.memref_squeeze %get3A_669 : memref<1x80x128xf32, #tpu.memory_space<vmem>> -> memref<80x128xf32, #tpu.memory_space<vmem>>
        %get3A_671 = arith.index_cast %add3A_638 : i32 to index
        %get3A_672 = arith.constant 16 : index
        %get3A_673 = tpu.vector_load %get3A_670[%get3A_671, %get3A_672] {strides = array<i32>} : memref<80x128xf32, #tpu.memory_space<vmem>>, vector<16xf32>,
        %add3A_674 = arith.addf %get3A_673, %unpack3A_648 : vector<16xf32>
        %max3A_675 = arith.constant 0.000000e+00 : f32
        %max3A_676 = vector.broadcast %max3A_675 : f32 to vector<16xf32>
        %max3A_677 = arith.maximumf %add3A_674, %max3A_676 : vector<16xf32>
        %swap3A_678 = arith.constant 0 : i32
        %swap3A_679 = arith.constant 0 : i32
        %swap3A_680 = tpu.memref_slice %arg9[%scan3A_352, %swap3A_678, %swap3A_679] : memref<2x80x128xf32, #tpu.memory_space<vmem>> -> memref<1x80x128xf32, #tpu.memory_space<vmem>>
        %swap3A_681 = tpu.memref_squeeze %swap3A_680 : memref<1x80x128xf32, #tpu.memory_space<vmem>> -> memref<80x128xf32, #tpu.memory_space<vmem>>
        %swap3A_682 = arith.index_cast %add3A_638 : i32 to index
        %swap3A_683 = arith.constant 16 : index
        %swap3A_684 = tpu.vector_load %swap3A_681[%swap3A_682, %swap3A_683] {strides = array<i32>} : memref<80x128xf32, #tpu.memory_space<vmem>>, vector<16xf32>,
        tpu.vector_store %swap3A_681[%swap3A_682, %swap3A_683], %max3A_677 {strides = array<i32>} : memref<80x128xf32, #tpu.memory_space<vmem>>, vector<16xf32>,
        %get3A_685 = arith.constant 0 : i32
        %get3A_686 = arith.constant 0 : i32
        %get3A_687 = tpu.memref_slice %arg10[%scan3A_351, %get3A_685, %get3A_686] : memref<2x80x64xi32, #tpu.memory_space<vmem>> -> memref<1x80x64xi32, #tpu.memory_space<vmem>>
        %get3A_688 = tpu.memref_squeeze %get3A_687 : memref<1x80x64xi32, #tpu.memory_space<vmem>> -> memref<80x64xi32, #tpu.memory_space<vmem>>
        %get3A_689 = arith.index_cast %add3A_638 : i32 to index
        %get3A_690 = arith.constant 16 : index
        %get3A_691 = tpu.vector_load %get3A_688[%get3A_689, %get3A_690] {strides = array<i32>} : memref<80x64xi32, #tpu.memory_space<vmem>>, vector<16xi32>,
        %bitcast3A_692 = vector.bitcast %get3A_691 : vector<16xi32> to vector<32xbf16>
        %unpack3A_693 = tpu.unpack_subelements %bitcast3A_692, 0 {pack_format = #tpu.pack_format<interleaved>} : vector<32xbf16> -> vector<16xf32>
        %unpack3A_694 = tpu.unpack_subelements %bitcast3A_692, 1 {pack_format = #tpu.pack_format<interleaved>} : vector<32xbf16> -> vector<16xf32>
        %get3A_695 = arith.constant 0 : i32
        %get3A_696 = arith.constant 0 : i32
        %get3A_697 = tpu.memref_slice %arg9[%scan3A_352, %get3A_695, %get3A_696] : memref<2x80x128xf32, #tpu.memory_space<vmem>> -> memref<1x80x128xf32, #tpu.memory_space<vmem>>
        %get3A_698 = tpu.memref_squeeze %get3A_697 : memref<1x80x128xf32, #tpu.memory_space<vmem>> -> memref<80x128xf32, #tpu.memory_space<vmem>>
        %get3A_699 = arith.index_cast %add3A_638 : i32 to index
        %get3A_700 = arith.constant 32 : index
        %get3A_701 = tpu.vector_load %get3A_698[%get3A_699, %get3A_700] {strides = array<i32>} : memref<80x128xf32, #tpu.memory_space<vmem>>, vector<16xf32>,
        %add3A_702 = arith.addf %get3A_701, %unpack3A_693 : vector<16xf32>
        %max3A_703 = arith.constant 0.000000e+00 : f32
        %max3A_704 = vector.broadcast %max3A_703 : f32 to vector<16xf32>
        %max3A_705 = arith.maximumf %add3A_702, %max3A_704 : vector<16xf32>
        %swap3A_706 = arith.constant 0 : i32
        %swap3A_707 = arith.constant 0 : i32
        %swap3A_708 = tpu.memref_slice %arg9[%scan3A_352, %swap3A_706, %swap3A_707] : memref<2x80x128xf32, #tpu.memory_space<vmem>> -> memref<1x80x128xf32, #tpu.memory_space<vmem>>
        %swap3A_709 = tpu.memref_squeeze %swap3A_708 : memref<1x80x128xf32, #tpu.memory_space<vmem>> -> memref<80x128xf32, #tpu.memory_space<vmem>>
        %swap3A_710 = arith.index_cast %add3A_638 : i32 to index
        %swap3A_711 = arith.constant 32 : index
        %swap3A_712 = tpu.vector_load %swap3A_709[%swap3A_710, %swap3A_711] {strides = array<i32>} : memref<80x128xf32, #tpu.memory_space<vmem>>, vector<16xf32>,
        tpu.vector_store %swap3A_709[%swap3A_710, %swap3A_711], %max3A_705 {strides = array<i32>} : memref<80x128xf32, #tpu.memory_space<vmem>>, vector<16xf32>,
        %get3A_713 = arith.constant 0 : i32
        %get3A_714 = arith.constant 0 : i32
        %get3A_715 = tpu.memref_slice %arg9[%scan3A_352, %get3A_713, %get3A_714] : memref<2x80x128xf32, #tpu.memory_space<vmem>> -> memref<1x80x128xf32, #tpu.memory_space<vmem>>
        %get3A_716 = tpu.memref_squeeze %get3A_715 : memref<1x80x128xf32, #tpu.memory_space<vmem>> -> memref<80x128xf32, #tpu.memory_space<vmem>>
        %get3A_717 = arith.index_cast %add3A_638 : i32 to index
        %get3A_718 = arith.constant 48 : index
        %get3A_719 = tpu.vector_load %get3A_716[%get3A_717, %get3A_718] {strides = array<i32>} : memref<80x128xf32, #tpu.memory_space<vmem>>, vector<16xf32>,
        %add3A_720 = arith.addf %get3A_719, %unpack3A_694 : vector<16xf32>
        %max3A_721 = arith.constant 0.000000e+00 : f32
        %max3A_722 = vector.broadcast %max3A_721 : f32 to vector<16xf32>
        %max3A_723 = arith.maximumf %add3A_720, %max3A_722 : vector<16xf32>
        %swap3A_724 = arith.constant 0 : i32
        %swap3A_725 = arith.constant 0 : i32
        %swap3A_726 = tpu.memref_slice %arg9[%scan3A_352, %swap3A_724, %swap3A_725] : memref<2x80x128xf32, #tpu.memory_space<vmem>> -> memref<1x80x128xf32, #tpu.memory_space<vmem>>
        %swap3A_727 = tpu.memref_squeeze %swap3A_726 : memref<1x80x128xf32, #tpu.memory_space<vmem>> -> memref<80x128xf32, #tpu.memory_space<vmem>>
        %swap3A_728 = arith.index_cast %add3A_638 : i32 to index
        %swap3A_729 = arith.constant 48 : index
        %swap3A_730 = tpu.vector_load %swap3A_727[%swap3A_728, %swap3A_729] {strides = array<i32>} : memref<80x128xf32, #tpu.memory_space<vmem>>, vector<16xf32>,
        tpu.vector_store %swap3A_727[%swap3A_728, %swap3A_729], %max3A_723 {strides = array<i32>} : memref<80x128xf32, #tpu.memory_space<vmem>>, vector<16xf32>,
        %get3A_731 = arith.constant 0 : i32
        %get3A_732 = arith.constant 0 : i32
        %get3A_733 = tpu.memref_slice %arg10[%scan3A_351, %get3A_731, %get3A_732] : memref<2x80x64xi32, #tpu.memory_space<vmem>> -> memref<1x80x64xi32, #tpu.memory_space<vmem>>
        %get3A_734 = tpu.memref_squeeze %get3A_733 : memref<1x80x64xi32, #tpu.memory_space<vmem>> -> memref<80x64xi32, #tpu.memory_space<vmem>>
        %get3A_735 = arith.index_cast %add3A_638 : i32 to index
        %get3A_736 = arith.constant 32 : index
        %get3A_737 = tpu.vector_load %get3A_734[%get3A_735, %get3A_736] {strides = array<i32>} : memref<80x64xi32, #tpu.memory_space<vmem>>, vector<16xi32>,
        %bitcast3A_738 = vector.bitcast %get3A_737 : vector<16xi32> to vector<32xbf16>
        %unpack3A_739 = tpu.unpack_subelements %bitcast3A_738, 0 {pack_format = #tpu.pack_format<interleaved>} : vector<32xbf16> -> vector<16xf32>
        %unpack3A_740 = tpu.unpack_subelements %bitcast3A_738, 1 {pack_format = #tpu.pack_format<interleaved>} : vector<32xbf16> -> vector<16xf32>
        %get3A_741 = arith.constant 0 : i32
        %get3A_742 = arith.constant 0 : i32
        %get3A_743 = tpu.memref_slice %arg9[%scan3A_352, %get3A_741, %get3A_742] : memref<2x80x128xf32, #tpu.memory_space<vmem>> -> memref<1x80x128xf32, #tpu.memory_space<vmem>>
        %get3A_744 = tpu.memref_squeeze %get3A_743 : memref<1x80x128xf32, #tpu.memory_space<vmem>> -> memref<80x128xf32, #tpu.memory_space<vmem>>
        %get3A_745 = arith.index_cast %add3A_638 : i32 to index
        %get3A_746 = arith.constant 64 : index
        %get3A_747 = tpu.vector_load %get3A_744[%get3A_745, %get3A_746] {strides = array<i32>} : memref<80x128xf32, #tpu.memory_space<vmem>>, vector<16xf32>,
        %add3A_748 = arith.addf %get3A_747, %unpack3A_739 : vector<16xf32>
        %max3A_749 = arith.constant 0.000000e+00 : f32
        %max3A_750 = vector.broadcast %max3A_749 : f32 to vector<16xf32>
        %max3A_751 = arith.maximumf %add3A_748, %max3A_750 : vector<16xf32>
        %swap3A_752 = arith.constant 0 : i32
        %swap3A_753 = arith.constant 0 : i32
        %swap3A_754 = tpu.memref_slice %arg9[%scan3A_352, %swap3A_752, %swap3A_753] : memref<2x80x128xf32, #tpu.memory_space<vmem>> -> memref<1x80x128xf32, #tpu.memory_space<vmem>>
        %swap3A_755 = tpu.memref_squeeze %swap3A_754 : memref<1x80x128xf32, #tpu.memory_space<vmem>> -> memref<80x128xf32, #tpu.memory_space<vmem>>
        %swap3A_756 = arith.index_cast %add3A_638 : i32 to index
        %swap3A_757 = arith.constant 64 : index
        %swap3A_758 = tpu.vector_load %swap3A_755[%swap3A_756, %swap3A_757] {strides = array<i32>} : memref<80x128xf32, #tpu.memory_space<vmem>>, vector<16xf32>,
        tpu.vector_store %swap3A_755[%swap3A_756, %swap3A_757], %max3A_751 {strides = array<i32>} : memref<80x128xf32, #tpu.memory_space<vmem>>, vector<16xf32>,
        %get3A_759 = arith.constant 0 : i32
        %get3A_760 = arith.constant 0 : i32
        %get3A_761 = tpu.memref_slice %arg9[%scan3A_352, %get3A_759, %get3A_760] : memref<2x80x128xf32, #tpu.memory_space<vmem>> -> memref<1x80x128xf32, #tpu.memory_space<vmem>>
        %get3A_762 = tpu.memref_squeeze %get3A_761 : memref<1x80x128xf32, #tpu.memory_space<vmem>> -> memref<80x128xf32, #tpu.memory_space<vmem>>
        %get3A_763 = arith.index_cast %add3A_638 : i32 to index
        %get3A_764 = arith.constant 80 : index
        %get3A_765 = tpu.vector_load %get3A_762[%get3A_763, %get3A_764] {strides = array<i32>} : memref<80x128xf32, #tpu.memory_space<vmem>>, vector<16xf32>,
        %add3A_766 = arith.addf %get3A_765, %unpack3A_740 : vector<16xf32>
        %max3A_767 = arith.constant 0.000000e+00 : f32
        %max3A_768 = vector.broadcast %max3A_767 : f32 to vector<16xf32>
        %max3A_769 = arith.maximumf %add3A_766, %max3A_768 : vector<16xf32>
        %swap3A_770 = arith.constant 0 : i32
        %swap3A_771 = arith.constant 0 : i32
        %swap3A_772 = tpu.memref_slice %arg9[%scan3A_352, %swap3A_770, %swap3A_771] : memref<2x80x128xf32, #tpu.memory_space<vmem>> -> memref<1x80x128xf32, #tpu.memory_space<vmem>>
        %swap3A_773 = tpu.memref_squeeze %swap3A_772 : memref<1x80x128xf32, #tpu.memory_space<vmem>> -> memref<80x128xf32, #tpu.memory_space<vmem>>
        %swap3A_774 = arith.index_cast %add3A_638 : i32 to index
        %swap3A_775 = arith.constant 80 : index
        %swap3A_776 = tpu.vector_load %swap3A_773[%swap3A_774, %swap3A_775] {strides = array<i32>} : memref<80x128xf32, #tpu.memory_space<vmem>>, vector<16xf32>,
        tpu.vector_store %swap3A_773[%swap3A_774, %swap3A_775], %max3A_769 {strides = array<i32>} : memref<80x128xf32, #tpu.memory_space<vmem>>, vector<16xf32>,
        %get3A_777 = arith.constant 0 : i32
        %get3A_778 = arith.constant 0 : i32
        %get3A_779 = tpu.memref_slice %arg10[%scan3A_351, %get3A_777, %get3A_778] : memref<2x80x64xi32, #tpu.memory_space<vmem>> -> memref<1x80x64xi32, #tpu.memory_space<vmem>>
        %get3A_780 = tpu.memref_squeeze %get3A_779 : memref<1x80x64xi32, #tpu.memory_space<vmem>> -> memref<80x64xi32, #tpu.memory_space<vmem>>
        %get3A_781 = arith.index_cast %add3A_638 : i32 to index
        %get3A_782 = arith.constant 48 : index
        %get3A_783 = tpu.vector_load %get3A_780[%get3A_781, %get3A_782] {strides = array<i32>} : memref<80x64xi32, #tpu.memory_space<vmem>>, vector<16xi32>,
        %bitcast3A_784 = vector.bitcast %get3A_783 : vector<16xi32> to vector<32xbf16>
        %unpack3A_785 = tpu.unpack_subelements %bitcast3A_784, 0 {pack_format = #tpu.pack_format<interleaved>} : vector<32xbf16> -> vector<16xf32>
        %unpack3A_786 = tpu.unpack_subelements %bitcast3A_784, 1 {pack_format = #tpu.pack_format<interleaved>} : vector<32xbf16> -> vector<16xf32>
        %get3A_787 = arith.constant 0 : i32
        %get3A_788 = arith.constant 0 : i32
        %get3A_789 = tpu.memref_slice %arg9[%scan3A_352, %get3A_787, %get3A_788] : memref<2x80x128xf32, #tpu.memory_space<vmem>> -> memref<1x80x128xf32, #tpu.memory_space<vmem>>
        %get3A_790 = tpu.memref_squeeze %get3A_789 : memref<1x80x128xf32, #tpu.memory_space<vmem>> -> memref<80x128xf32, #tpu.memory_space<vmem>>
        %get3A_791 = arith.index_cast %add3A_638 : i32 to index
        %get3A_792 = arith.constant 96 : index
        %get3A_793 = tpu.vector_load %get3A_790[%get3A_791, %get3A_792] {strides = array<i32>} : memref<80x128xf32, #tpu.memory_space<vmem>>, vector<16xf32>,
        %add3A_794 = arith.addf %get3A_793, %unpack3A_785 : vector<16xf32>
        %max3A_795 = arith.constant 0.000000e+00 : f32
        %max3A_796 = vector.broadcast %max3A_795 : f32 to vector<16xf32>
        %max3A_797 = arith.maximumf %add3A_794, %max3A_796 : vector<16xf32>
        %swap3A_798 = arith.constant 0 : i32
        %swap3A_799 = arith.constant 0 : i32
        %swap3A_800 = tpu.memref_slice %arg9[%scan3A_352, %swap3A_798, %swap3A_799] : memref<2x80x128xf32, #tpu.memory_space<vmem>> -> memref<1x80x128xf32, #tpu.memory_space<vmem>>
        %swap3A_801 = tpu.memref_squeeze %swap3A_800 : memref<1x80x128xf32, #tpu.memory_space<vmem>> -> memref<80x128xf32, #tpu.memory_space<vmem>>
        %swap3A_802 = arith.index_cast %add3A_638 : i32 to index
        %swap3A_803 = arith.constant 96 : index
        %swap3A_804 = tpu.vector_load %swap3A_801[%swap3A_802, %swap3A_803] {strides = array<i32>} : memref<80x128xf32, #tpu.memory_space<vmem>>, vector<16xf32>,
        tpu.vector_store %swap3A_801[%swap3A_802, %swap3A_803], %max3A_797 {strides = array<i32>} : memref<80x128xf32, #tpu.memory_space<vmem>>, vector<16xf32>,
        %get3A_805 = arith.constant 0 : i32
        %get3A_806 = arith.constant 0 : i32
        %get3A_807 = tpu.memref_slice %arg9[%scan3A_352, %get3A_805, %get3A_806] : memref<2x80x128xf32, #tpu.memory_space<vmem>> -> memref<1x80x128xf32, #tpu.memory_space<vmem>>
        %get3A_808 = tpu.memref_squeeze %get3A_807 : memref<1x80x128xf32, #tpu.memory_space<vmem>> -> memref<80x128xf32, #tpu.memory_space<vmem>>
        %get3A_809 = arith.index_cast %add3A_638 : i32 to index
        %get3A_810 = arith.constant 112 : index
        %get3A_811 = tpu.vector_load %get3A_808[%get3A_809, %get3A_810] {strides = array<i32>} : memref<80x128xf32, #tpu.memory_space<vmem>>, vector<16xf32>,
        %add3A_812 = arith.addf %get3A_811, %unpack3A_786 : vector<16xf32>
        %max3A_813 = arith.constant 0.000000e+00 : f32
        %max3A_814 = vector.broadcast %max3A_813 : f32 to vector<16xf32>
        %max3A_815 = arith.maximumf %add3A_812, %max3A_814 : vector<16xf32>
        %swap3A_816 = arith.constant 0 : i32
        %swap3A_817 = arith.constant 0 : i32
        %swap3A_818 = tpu.memref_slice %arg9[%scan3A_352, %swap3A_816, %swap3A_817] : memref<2x80x128xf32, #tpu.memory_space<vmem>> -> memref<1x80x128xf32, #tpu.memory_space<vmem>>
        %swap3A_819 = tpu.memref_squeeze %swap3A_818 : memref<1x80x128xf32, #tpu.memory_space<vmem>> -> memref<80x128xf32, #tpu.memory_space<vmem>>
        %swap3A_820 = arith.index_cast %add3A_638 : i32 to index
        %swap3A_821 = arith.constant 112 : index
        %swap3A_822 = tpu.vector_load %swap3A_819[%swap3A_820, %swap3A_821] {strides = array<i32>} : memref<80x128xf32, #tpu.memory_space<vmem>>, vector<16xf32>,
        tpu.vector_store %swap3A_819[%swap3A_820, %swap3A_821], %max3A_815 {strides = array<i32>} : memref<80x128xf32, #tpu.memory_space<vmem>>, vector<16xf32>,
      }
      %scan3A_357 = arith.constant 40 : i32
      %dma_start3A_358 = arith.constant 1 : i32
      %dma_start3A_359 = arith.constant 0 : i32
      %dma_start3A_360 = arith.constant 0 : i32
      %dma_start3A_361 = tpu.memref_slice %arg9[%dma_start3A_358, %dma_start3A_359, %dma_start3A_360] : memref<2x80x128xf32, #tpu.memory_space<vmem>> -> memref<1x80x128xf32, #tpu.memory_space<vmem>>
      %dma_start3A_362 = tpu.memref_squeeze %dma_start3A_361 : memref<1x80x128xf32, #tpu.memory_space<vmem>> -> memref<80x128xf32, #tpu.memory_space<vmem>>
      %dma_start3A_363 = arith.constant 0 : i32
      %dma_start3A_364 = tpu.memref_slice %arg8[%rem3A_243, %dma_start3A_363] : memref<4x80xi32, #tpu.memory_space<vmem>> -> memref<1x80xi32, #tpu.memory_space<vmem>>
      %dma_start3A_365 = tpu.memref_squeeze %dma_start3A_364 : memref<1x80xi32, #tpu.memory_space<vmem>> -> memref<80xi32, #tpu.memory_space<vmem>>
      %dma_start3A_366 = arith.constant 0 : i32
      %dma_start3A_367 = arith.constant 0 : i32
      %dma_start3A_368 = tpu.memref_slice %arg11[%dma_start3A_366, %dma_start3A_367] : memref<10000x128xf32, #tpu.memory_space<vmem_shared>> -> memref<10000x128xf32, #tpu.memory_space<vmem_shared>>
      tpu.enqueue_indirect_dma source(%dma_start3A_362 : memref<80x128xf32, #tpu.memory_space<vmem>>) target(%dma_start3A_368 : memref<10000x128xf32, #tpu.memory_space<vmem_shared>>) offsets(%dma_start3A_365 : memref<80xi32, #tpu.memory_space<vmem>>) semaphore(%arg14 : memref<!tpu.dma_semaphore, #tpu.memory_space<semaphore_mem>>) {add = true}
      %dma_wait3A_369 = arith.constant 0 : i32
      %dma_wait3A_370 = arith.constant 0 : i32
      %dma_wait3A_371 = arith.constant 0 : i32
      %dma_wait3A_372 = tpu.memref_slice %arg9[%dma_wait3A_369, %dma_wait3A_370, %dma_wait3A_371] : memref<2x80x128xf32, #tpu.memory_space<vmem>> -> memref<1x80x128xf32, #tpu.memory_space<vmem>>
      %dma_wait3A_373 = tpu.memref_squeeze %dma_wait3A_372 : memref<1x80x128xf32, #tpu.memory_space<vmem>> -> memref<80x128xf32, #tpu.memory_space<vmem>>
      %dma_wait3A_374 = arith.constant 0 : i32
      %dma_wait3A_375 = tpu.memref_slice %arg8[%rem3A_239, %dma_wait3A_374] : memref<4x80xi32, #tpu.memory_space<vmem>> -> memref<1x80xi32, #tpu.memory_space<vmem>>
      %dma_wait3A_376 = tpu.memref_squeeze %dma_wait3A_375 : memref<1x80xi32, #tpu.memory_space<vmem>> -> memref<80xi32, #tpu.memory_space<vmem>>
      %dma_wait3A_377 = arith.constant 0 : i32
      %dma_wait3A_378 = arith.constant 0 : i32
      %dma_wait3A_379 = tpu.memref_slice %arg11[%dma_wait3A_377, %dma_wait3A_378] : memref<10000x128xf32, #tpu.memory_space<vmem_shared>> -> memref<10000x128xf32, #tpu.memory_space<vmem_shared>>
      tpu.wait_indirect_dma semaphore(%arg14 : memref<!tpu.dma_semaphore, #tpu.memory_space<semaphore_mem>>) src(%dma_wait3A_373 : memref<80x128xf32, #tpu.memory_space<vmem>>) dst(%dma_wait3A_379 : memref<10000x128xf32, #tpu.memory_space<vmem_shared>>)
      %dma_wait3A_380 = arith.constant 0 : i32
      %dma_wait3A_381 = tpu.memref_slice %arg7[%rem3A_247, %dma_wait3A_380] : memref<4x80xi32, #tpu.memory_space<vmem>> -> memref<1x80xi32, #tpu.memory_space<vmem>>
      %dma_wait3A_382 = tpu.memref_squeeze %dma_wait3A_381 : memref<1x80xi32, #tpu.memory_space<vmem>> -> memref<80xi32, #tpu.memory_space<vmem>>
      %dma_wait3A_383 = arith.constant 0 : i32
      %dma_wait3A_384 = tpu.memref_slice %arg3[%dma_wait3A_383] : memref<320000xi32, #tpu.memory_space<hbm>> -> memref<80xi32, #tpu.memory_space<hbm>>
      %dma_wait3A_385 = arith.constant 0 : i32
      %dma_wait3A_386 = tpu.memref_slice %arg7[%rem3A_247, %dma_wait3A_385] : memref<4x80xi32, #tpu.memory_space<vmem>> -> memref<1x80xi32, #tpu.memory_space<vmem>>
      %dma_wait3A_387 = tpu.memref_squeeze %dma_wait3A_386 : memref<1x80xi32, #tpu.memory_space<vmem>> -> memref<80xi32, #tpu.memory_space<vmem>>
      %dma_wait3A_388 = arith.constant 0 : i32
      %dma_wait3A_389 = tpu.memref_slice %arg3[%dma_wait3A_388] : memref<320000xi32, #tpu.memory_space<hbm>> -> memref<80xi32, #tpu.memory_space<hbm>>
      tpu.wait_dma2 semaphore(%arg15 : memref<!tpu.dma_semaphore, #tpu.memory_space<semaphore_mem>>) src(%dma_wait3A_389 : memref<80xi32, #tpu.memory_space<hbm>>) dst(%dma_wait3A_387 : memref<80xi32, #tpu.memory_space<vmem>>)
      %dma_wait3A_390 = arith.constant 0 : i32
      %dma_wait3A_391 = tpu.memref_slice %arg8[%rem3A_247, %dma_wait3A_390] : memref<4x80xi32, #tpu.memory_space<vmem>> -> memref<1x80xi32, #tpu.memory_space<vmem>>
      %dma_wait3A_392 = tpu.memref_squeeze %dma_wait3A_391 : memref<1x80xi32, #tpu.memory_space<vmem>> -> memref<80xi32, #tpu.memory_space<vmem>>
      %dma_wait3A_393 = arith.constant 0 : i32
      %dma_wait3A_394 = tpu.memref_slice %arg4[%dma_wait3A_393] : memref<320000xi32, #tpu.memory_space<hbm>> -> memref<80xi32, #tpu.memory_space<hbm>>
      %dma_wait3A_395 = arith.constant 0 : i32
      %dma_wait3A_396 = tpu.memref_slice %arg8[%rem3A_247, %dma_wait3A_395] : memref<4x80xi32, #tpu.memory_space<vmem>> -> memref<1x80xi32, #tpu.memory_space<vmem>>
      %dma_wait3A_397 = tpu.memref_squeeze %dma_wait3A_396 : memref<1x80xi32, #tpu.memory_space<vmem>> -> memref<80xi32, #tpu.memory_space<vmem>>
      %dma_wait3A_398 = arith.constant 0 : i32
      %dma_wait3A_399 = tpu.memref_slice %arg4[%dma_wait3A_398] : memref<320000xi32, #tpu.memory_space<hbm>> -> memref<80xi32, #tpu.memory_space<hbm>>
      tpu.wait_dma2 semaphore(%arg15 : memref<!tpu.dma_semaphore, #tpu.memory_space<semaphore_mem>>) src(%dma_wait3A_399 : memref<80xi32, #tpu.memory_space<hbm>>) dst(%dma_wait3A_397 : memref<80xi32, #tpu.memory_space<vmem>>)
      %add3A_400 = arith.constant 2 : i32
      %add3A_401 = arith.addi %mul3A_238, %add3A_400 : i32
      %mul3A_402 = arith.constant 10000 : i32
      %mul3A_403 = arith.muli %add3A, %mul3A_402 : i32
      %mul3A_404 = arith.constant 80 : i32
      %mul3A_405 = arith.muli %add3A_401, %mul3A_404 : i32
      %add3A_406 = arith.addi %mul3A_403, %mul3A_405 : i32
      %dma_start3A_407 = arith.constant 0 : i32
      %dma_start3A_408 = arith.constant 0 : i32
      %dma_start3A_409 = arith.constant 0 : i32
      %dma_start3A_410 = tpu.memref_slice %arg10[%dma_start3A_407, %dma_start3A_408, %dma_start3A_409] : memref<2x80x64xi32, #tpu.memory_space<vmem>> -> memref<1x80x64xi32, #tpu.memory_space<vmem>>
      %dma_start3A_411 = tpu.memref_squeeze %dma_start3A_410 : memref<1x80x64xi32, #tpu.memory_space<vmem>> -> memref<80x64xi32, #tpu.memory_space<vmem>>
      %dma_start3A_412 = arith.constant 0 : i32
      %dma_start3A_413 = tpu.memref_slice %arg5[%add3A_406, %dma_start3A_412] : memref<320000x64xi32, #tpu.memory_space<hbm>> -> memref<80x64xi32, #tpu.memory_space<hbm>>
      %dma_start3A_414 = arith.constant 0 : i32
      %dma_start3A_415 = arith.constant 0 : i32
      %dma_start3A_416 = tpu.memref_slice %arg10[%dma_start3A_407, %dma_start3A_414, %dma_start3A_415] : memref<2x80x64xi32, #tpu.memory_space<vmem>> -> memref<1x80x64xi32, #tpu.memory_space<vmem>>
      %dma_start3A_417 = tpu.memref_squeeze %dma_start3A_416 : memref<1x80x64xi32, #tpu.memory_space<vmem>> -> memref<80x64xi32, #tpu.memory_space<vmem>>
      %dma_start3A_418 = arith.constant 0 : i32
      %dma_start3A_419 = tpu.memref_slice %arg5[%add3A_406, %dma_start3A_418] : memref<320000x64xi32, #tpu.memory_space<hbm>> -> memref<80x64xi32, #tpu.memory_space<hbm>>
      tpu.enqueue_dma source(%dma_start3A_419 : memref<80x64xi32, #tpu.memory_space<hbm>>) target(%dma_start3A_417 : memref<80x64xi32, #tpu.memory_space<vmem>>) target_semaphore(%arg13 : memref<!tpu.dma_semaphore, #tpu.memory_space<semaphore_mem>>)
      %dma_start3A_420 = arith.constant 0 : i32
      %dma_start3A_421 = arith.constant 0 : i32
      %dma_start3A_422 = arith.constant 0 : i32
      %dma_start3A_423 = tpu.memref_slice %arg9[%dma_start3A_420, %dma_start3A_421, %dma_start3A_422] : memref<2x80x128xf32, #tpu.memory_space<vmem>> -> memref<1x80x128xf32, #tpu.memory_space<vmem>>
      %dma_start3A_424 = tpu.memref_squeeze %dma_start3A_423 : memref<1x80x128xf32, #tpu.memory_space<vmem>> -> memref<80x128xf32, #tpu.memory_space<vmem>>
      %dma_start3A_425 = arith.constant 0 : i32
      %dma_start3A_426 = tpu.memref_slice %arg7[%rem3A_247, %dma_start3A_425] : memref<4x80xi32, #tpu.memory_space<vmem>> -> memref<1x80xi32, #tpu.memory_space<vmem>>
      %dma_start3A_427 = tpu.memref_squeeze %dma_start3A_426 : memref<1x80xi32, #tpu.memory_space<vmem>> -> memref<80xi32, #tpu.memory_space<vmem>>
      %dma_start3A_428 = arith.constant 0 : i32
      %dma_start3A_429 = arith.constant 0 : i32
      %dma_start3A_430 = tpu.memref_slice %arg2[%dma_start3A_428, %dma_start3A_429] : memref<10000x128xf32, #tpu.memory_space<hbm>> -> memref<10000x128xf32, #tpu.memory_space<hbm>>
      tpu.enqueue_indirect_dma source(%dma_start3A_430 : memref<10000x128xf32, #tpu.memory_space<hbm>>) target(%dma_start3A_424 : memref<80x128xf32, #tpu.memory_space<vmem>>) offsets(%dma_start3A_427 : memref<80xi32, #tpu.memory_space<vmem>>) semaphore(%arg12 : memref<!tpu.dma_semaphore, #tpu.memory_space<semaphore_mem>>)
      %dma_wait3A_431 = arith.constant 1 : i32
      %dma_wait3A_432 = arith.constant 0 : i32
      %dma_wait3A_433 = arith.constant 0 : i32
      %dma_wait3A_434 = tpu.memref_slice %arg9[%dma_wait3A_431, %dma_wait3A_432, %dma_wait3A_433] : memref<2x80x128xf32, #tpu.memory_space<vmem>> -> memref<1x80x128xf32, #tpu.memory_space<vmem>>
      %dma_wait3A_435 = tpu.memref_squeeze %dma_wait3A_434 : memref<1x80x128xf32, #tpu.memory_space<vmem>> -> memref<80x128xf32, #tpu.memory_space<vmem>>
      %dma_wait3A_436 = arith.constant 0 : i32
      %dma_wait3A_437 = tpu.memref_slice %arg8[%rem3A_243, %dma_wait3A_436] : memref<4x80xi32, #tpu.memory_space<vmem>> -> memref<1x80xi32, #tpu.memory_space<vmem>>
      %dma_wait3A_438 = tpu.memref_squeeze %dma_wait3A_437 : memref<1x80xi32, #tpu.memory_space<vmem>> -> memref<80xi32, #tpu.memory_space<vmem>>
      %dma_wait3A_439 = arith.constant 0 : i32
      %dma_wait3A_440 = arith.constant 0 : i32
      %dma_wait3A_441 = tpu.memref_slice %arg11[%dma_wait3A_439, %dma_wait3A_440] : memref<10000x128xf32, #tpu.memory_space<vmem_shared>> -> memref<10000x128xf32, #tpu.memory_space<vmem_shared>>
      tpu.wait_indirect_dma semaphore(%arg14 : memref<!tpu.dma_semaphore, #tpu.memory_space<semaphore_mem>>) src(%dma_wait3A_435 : memref<80x128xf32, #tpu.memory_space<vmem>>) dst(%dma_wait3A_441 : memref<10000x128xf32, #tpu.memory_space<vmem_shared>>)
      %add3A_442 = arith.constant 3 : i32
      %add3A_443 = arith.addi %mul3A_238, %add3A_442 : i32
      %lt3A_444 = arith.constant 125 : i32
      %lt3A_445 = arith.cmpi slt, %add3A_443, %lt3A_444 : i32
      %convert_element_type3A_446 = arith.extui %lt3A_445 : i1 to i32
      %cond3A_447 = arith.constant 0 : i32
      %cond3A_448 = arith.cmpi ne, %convert_element_type3A_446, %cond3A_447 : i32
      scf.if %cond3A_448 {
        %dma_wait3A_449 = arith.constant 0 : i32
        %dma_wait3A_450 = tpu.memref_slice %arg7[%rem3A_251, %dma_wait3A_449] : memref<4x80xi32, #tpu.memory_space<vmem>> -> memref<1x80xi32, #tpu.memory_space<vmem>>
        %dma_wait3A_451 = tpu.memref_squeeze %dma_wait3A_450 : memref<1x80xi32, #tpu.memory_space<vmem>> -> memref<80xi32, #tpu.memory_space<vmem>>
        %dma_wait3A_452 = arith.constant 0 : i32
        %dma_wait3A_453 = tpu.memref_slice %arg3[%dma_wait3A_452] : memref<320000xi32, #tpu.memory_space<hbm>> -> memref<80xi32, #tpu.memory_space<hbm>>
        %dma_wait3A_454 = arith.constant 0 : i32
        %dma_wait3A_455 = tpu.memref_slice %arg7[%rem3A_251, %dma_wait3A_454] : memref<4x80xi32, #tpu.memory_space<vmem>> -> memref<1x80xi32, #tpu.memory_space<vmem>>
        %dma_wait3A_456 = tpu.memref_squeeze %dma_wait3A_455 : memref<1x80xi32, #tpu.memory_space<vmem>> -> memref<80xi32, #tpu.memory_space<vmem>>
        %dma_wait3A_457 = arith.constant 0 : i32
        %dma_wait3A_458 = tpu.memref_slice %arg3[%dma_wait3A_457] : memref<320000xi32, #tpu.memory_space<hbm>> -> memref<80xi32, #tpu.memory_space<hbm>>
        tpu.wait_dma2 semaphore(%arg15 : memref<!tpu.dma_semaphore, #tpu.memory_space<semaphore_mem>>) src(%dma_wait3A_458 : memref<80xi32, #tpu.memory_space<hbm>>) dst(%dma_wait3A_456 : memref<80xi32, #tpu.memory_space<vmem>>)
        %dma_wait3A_459 = arith.constant 0 : i32
        %dma_wait3A_460 = tpu.memref_slice %arg8[%rem3A_251, %dma_wait3A_459] : memref<4x80xi32, #tpu.memory_space<vmem>> -> memref<1x80xi32, #tpu.memory_space<vmem>>
        %dma_wait3A_461 = tpu.memref_squeeze %dma_wait3A_460 : memref<1x80xi32, #tpu.memory_space<vmem>> -> memref<80xi32, #tpu.memory_space<vmem>>
        %dma_wait3A_462 = arith.constant 0 : i32
        %dma_wait3A_463 = tpu.memref_slice %arg4[%dma_wait3A_462] : memref<320000xi32, #tpu.memory_space<hbm>> -> memref<80xi32, #tpu.memory_space<hbm>>
        %dma_wait3A_464 = arith.constant 0 : i32
        %dma_wait3A_465 = tpu.memref_slice %arg8[%rem3A_251, %dma_wait3A_464] : memref<4x80xi32, #tpu.memory_space<vmem>> -> memref<1x80xi32, #tpu.memory_space<vmem>>
        %dma_wait3A_466 = tpu.memref_squeeze %dma_wait3A_465 : memref<1x80xi32, #tpu.memory_space<vmem>> -> memref<80xi32, #tpu.memory_space<vmem>>
        %dma_wait3A_467 = arith.constant 0 : i32
        %dma_wait3A_468 = tpu.memref_slice %arg4[%dma_wait3A_467] : memref<320000xi32, #tpu.memory_space<hbm>> -> memref<80xi32, #tpu.memory_space<hbm>>
        tpu.wait_dma2 semaphore(%arg15 : memref<!tpu.dma_semaphore, #tpu.memory_space<semaphore_mem>>) src(%dma_wait3A_468 : memref<80xi32, #tpu.memory_space<hbm>>) dst(%dma_wait3A_466 : memref<80xi32, #tpu.memory_space<vmem>>)
        %add3A_469 = arith.constant 3 : i32
        %add3A_470 = arith.addi %mul3A_238, %add3A_469 : i32
        %mul3A_471 = arith.constant 10000 : i32
        %mul3A_472 = arith.muli %add3A, %mul3A_471 : i32
        %mul3A_473 = arith.constant 80 : i32
        %mul3A_474 = arith.muli %add3A_470, %mul3A_473 : i32
        %add3A_475 = arith.addi %mul3A_472, %mul3A_474 : i32
        %dma_start3A_476 = arith.constant 1 : i32
        %dma_start3A_477 = arith.constant 0 : i32
        %dma_start3A_478 = arith.constant 0 : i32
        %dma_start3A_479 = tpu.memref_slice %arg10[%dma_start3A_476, %dma_start3A_477, %dma_start3A_478] : memref<2x80x64xi32, #tpu.memory_space<vmem>> -> memref<1x80x64xi32, #tpu.memory_space<vmem>>
        %dma_start3A_480 = tpu.memref_squeeze %dma_start3A_479 : memref<1x80x64xi32, #tpu.memory_space<vmem>> -> memref<80x64xi32, #tpu.memory_space<vmem>>
        %dma_start3A_481 = arith.constant 0 : i32
        %dma_start3A_482 = tpu.memref_slice %arg5[%add3A_475, %dma_start3A_481] : memref<320000x64xi32, #tpu.memory_space<hbm>> -> memref<80x64xi32, #tpu.memory_space<hbm>>
        %dma_start3A_483 = arith.constant 0 : i32
        %dma_start3A_484 = arith.constant 0 : i32
        %dma_start3A_485 = tpu.memref_slice %arg10[%dma_start3A_476, %dma_start3A_483, %dma_start3A_484] : memref<2x80x64xi32, #tpu.memory_space<vmem>> -> memref<1x80x64xi32, #tpu.memory_space<vmem>>
        %dma_start3A_486 = tpu.memref_squeeze %dma_start3A_485 : memref<1x80x64xi32, #tpu.memory_space<vmem>> -> memref<80x64xi32, #tpu.memory_space<vmem>>
        %dma_start3A_487 = arith.constant 0 : i32
        %dma_start3A_488 = tpu.memref_slice %arg5[%add3A_475, %dma_start3A_487] : memref<320000x64xi32, #tpu.memory_space<hbm>> -> memref<80x64xi32, #tpu.memory_space<hbm>>
        tpu.enqueue_dma source(%dma_start3A_488 : memref<80x64xi32, #tpu.memory_space<hbm>>) target(%dma_start3A_486 : memref<80x64xi32, #tpu.memory_space<vmem>>) target_semaphore(%arg13 : memref<!tpu.dma_semaphore, #tpu.memory_space<semaphore_mem>>)
        %dma_start3A_489 = arith.constant 1 : i32
        %dma_start3A_490 = arith.constant 0 : i32
        %dma_start3A_491 = arith.constant 0 : i32
        %dma_start3A_492 = tpu.memref_slice %arg9[%dma_start3A_489, %dma_start3A_490, %dma_start3A_491] : memref<2x80x128xf32, #tpu.memory_space<vmem>> -> memref<1x80x128xf32, #tpu.memory_space<vmem>>
        %dma_start3A_493 = tpu.memref_squeeze %dma_start3A_492 : memref<1x80x128xf32, #tpu.memory_space<vmem>> -> memref<80x128xf32, #tpu.memory_space<vmem>>
        %dma_start3A_494 = arith.constant 0 : i32
        %dma_start3A_495 = tpu.memref_slice %arg7[%rem3A_251, %dma_start3A_494] : memref<4x80xi32, #tpu.memory_space<vmem>> -> memref<1x80xi32, #tpu.memory_space<vmem>>
        %dma_start3A_496 = tpu.memref_squeeze %dma_start3A_495 : memref<1x80xi32, #tpu.memory_space<vmem>> -> memref<80xi32, #tpu.memory_space<vmem>>
        %dma_start3A_497 = arith.constant 0 : i32
        %dma_start3A_498 = arith.constant 0 : i32
        %dma_start3A_499 = tpu.memref_slice %arg2[%dma_start3A_497, %dma_start3A_498] : memref<10000x128xf32, #tpu.memory_space<hbm>> -> memref<10000x128xf32, #tpu.memory_space<hbm>>
        tpu.enqueue_indirect_dma source(%dma_start3A_499 : memref<10000x128xf32, #tpu.memory_space<hbm>>) target(%dma_start3A_493 : memref<80x128xf32, #tpu.memory_space<vmem>>) offsets(%dma_start3A_496 : memref<80xi32, #tpu.memory_space<vmem>>) semaphore(%arg12 : memref<!tpu.dma_semaphore, #tpu.memory_space<semaphore_mem>>)
      } else {
      }
    }
    %scan3A_182 = arith.constant 62 : i32
    %dma_wait3A_183 = arith.constant 0 : i32
    %dma_wait3A_184 = arith.constant 0 : i32
    %dma_wait3A_185 = arith.constant 0 : i32
    %dma_wait3A_186 = tpu.memref_slice %arg10[%dma_wait3A_183, %dma_wait3A_184, %dma_wait3A_185] : memref<2x80x64xi32, #tpu.memory_space<vmem>> -> memref<1x80x64xi32, #tpu.memory_space<vmem>>
    %dma_wait3A_187 = tpu.memref_squeeze %dma_wait3A_186 : memref<1x80x64xi32, #tpu.memory_space<vmem>> -> memref<80x64xi32, #tpu.memory_space<vmem>>
    %dma_wait3A_188 = arith.constant 0 : i32
    %dma_wait3A_189 = arith.constant 0 : i32
    %dma_wait3A_190 = tpu.memref_slice %arg5[%dma_wait3A_188, %dma_wait3A_189] : memref<320000x64xi32, #tpu.memory_space<hbm>> -> memref<80x64xi32, #tpu.memory_space<hbm>>
    %dma_wait3A_191 = arith.constant 0 : i32
    %dma_wait3A_192 = arith.constant 0 : i32
    %dma_wait3A_193 = tpu.memref_slice %arg10[%dma_wait3A_183, %dma_wait3A_191, %dma_wait3A_192] : memref<2x80x64xi32, #tpu.memory_space<vmem>> -> memref<1x80x64xi32, #tpu.memory_space<vmem>>
    %dma_wait3A_194 = tpu.memref_squeeze %dma_wait3A_193 : memref<1x80x64xi32, #tpu.memory_space<vmem>> -> memref<80x64xi32, #tpu.memory_space<vmem>>
    %dma_wait3A_195 = arith.constant 0 : i32
    %dma_wait3A_196 = arith.constant 0 : i32
    %dma_wait3A_197 = tpu.memref_slice %arg5[%dma_wait3A_195, %dma_wait3A_196] : memref<320000x64xi32, #tpu.memory_space<hbm>> -> memref<80x64xi32, #tpu.memory_space<hbm>>
    tpu.wait_dma2 semaphore(%arg13 : memref<!tpu.dma_semaphore, #tpu.memory_space<semaphore_mem>>) src(%dma_wait3A_197 : memref<80x64xi32, #tpu.memory_space<hbm>>) dst(%dma_wait3A_194 : memref<80x64xi32, #tpu.memory_space<vmem>>)
    %dma_wait3A_198 = arith.constant 0 : i32
    %dma_wait3A_199 = arith.constant 0 : i32
    %dma_wait3A_200 = arith.constant 0 : i32
    %dma_wait3A_201 = arith.constant 0 : i32
    %dma_wait3A_202 = tpu.memref_slice %arg9[%dma_wait3A_199, %dma_wait3A_200, %dma_wait3A_201] : memref<2x80x128xf32, #tpu.memory_space<vmem>> -> memref<1x80x128xf32, #tpu.memory_space<vmem>>
    %dma_wait3A_203 = tpu.memref_squeeze %dma_wait3A_202 : memref<1x80x128xf32, #tpu.memory_space<vmem>> -> memref<80x128xf32, #tpu.memory_space<vmem>>
    %dma_wait3A_204 = arith.constant 0 : i32
    %dma_wait3A_205 = tpu.memref_slice %arg7[%dma_wait3A_198, %dma_wait3A_204] : memref<4x80xi32, #tpu.memory_space<vmem>> -> memref<1x80xi32, #tpu.memory_space<vmem>>
    %dma_wait3A_206 = tpu.memref_squeeze %dma_wait3A_205 : memref<1x80xi32, #tpu.memory_space<vmem>> -> memref<80xi32, #tpu.memory_space<vmem>>
    %dma_wait3A_207 = arith.constant 0 : i32
    %dma_wait3A_208 = arith.constant 0 : i32
    %dma_wait3A_209 = tpu.memref_slice %arg2[%dma_wait3A_207, %dma_wait3A_208] : memref<10000x128xf32, #tpu.memory_space<hbm>> -> memref<10000x128xf32, #tpu.memory_space<hbm>>
    tpu.wait_indirect_dma semaphore(%arg12 : memref<!tpu.dma_semaphore, #tpu.memory_space<semaphore_mem>>) src(%dma_wait3A_209 : memref<10000x128xf32, #tpu.memory_space<hbm>>) dst(%dma_wait3A_203 : memref<80x128xf32, #tpu.memory_space<vmem>>)
    %scan3A_210 = arith.constant 0 : i32
    %scan3A_211 = arith.constant 0 : i32
    %scan3A_212 = arith.constant 0 : i32
    %scan3A_213 = arith.constant 40 : i32
    %scan3A_214 = arith.addi %scan3A_212, %scan3A_213 : i32
    %scan3A_215 = arith.constant 1 : i32
    scf.for %scan3A_232 = %scan3A_212 to %scan3A_214 step %scan3A_215  : i32 {
      %mul3A_233 = arith.constant 1 : i32
      %mul3A_234 = arith.muli %scan3A_232, %mul3A_233 : i32
      %add3A_235 = arith.constant 0 : i32
      %add3A_236 = arith.addi %add3A_235, %mul3A_234 : i32
      %mul3A_237 = arith.constant 2 : i32
      %mul3A_238 = arith.muli %add3A_236, %mul3A_237 : i32
      %add3A_239 = arith.constant 0 : i32
      %add3A_240 = arith.addi %mul3A_238, %add3A_239 : i32
      %get3A = arith.constant 0 : i32
      %get3A_241 = arith.constant 0 : i32
      %get3A_242 = tpu.memref_slice %arg10[%scan3A_210, %get3A, %get3A_241] : memref<2x80x64xi32, #tpu.memory_space<vmem>> -> memref<1x80x64xi32, #tpu.memory_space<vmem>>
      %get3A_243 = tpu.memref_squeeze %get3A_242 : memref<1x80x64xi32, #tpu.memory_space<vmem>> -> memref<80x64xi32, #tpu.memory_space<vmem>>
      %get3A_244 = arith.index_cast %add3A_240 : i32 to index
      %get3A_245 = arith.constant 0 : index
      %get3A_246 = tpu.vector_load %get3A_243[%get3A_244, %get3A_245] {strides = array<i32>} : memref<80x64xi32, #tpu.memory_space<vmem>>, vector<16xi32>,
      %bitcast3A = vector.bitcast %get3A_246 : vector<16xi32> to vector<32xbf16>
      %unpack3A = tpu.unpack_subelements %bitcast3A, 0 {pack_format = #tpu.pack_format<interleaved>} : vector<32xbf16> -> vector<16xf32>
      %unpack3A_247 = tpu.unpack_subelements %bitcast3A, 1 {pack_format = #tpu.pack_format<interleaved>} : vector<32xbf16> -> vector<16xf32>
      %get3A_248 = arith.constant 0 : i32
      %get3A_249 = arith.constant 0 : i32
      %get3A_250 = tpu.memref_slice %arg9[%scan3A_211, %get3A_248, %get3A_249] : memref<2x80x128xf32, #tpu.memory_space<vmem>> -> memref<1x80x128xf32, #tpu.memory_space<vmem>>
      %get3A_251 = tpu.memref_squeeze %get3A_250 : memref<1x80x128xf32, #tpu.memory_space<vmem>> -> memref<80x128xf32, #tpu.memory_space<vmem>>
      %get3A_252 = arith.index_cast %add3A_240 : i32 to index
      %get3A_253 = arith.constant 0 : index
      %get3A_254 = tpu.vector_load %get3A_251[%get3A_252, %get3A_253] {strides = array<i32>} : memref<80x128xf32, #tpu.memory_space<vmem>>, vector<16xf32>,
      %add3A_255 = arith.addf %get3A_254, %unpack3A : vector<16xf32>
      %max3A = arith.constant 0.000000e+00 : f32
      %max3A_256 = vector.broadcast %max3A : f32 to vector<16xf32>
      %max3A_257 = arith.maximumf %add3A_255, %max3A_256 : vector<16xf32>
      %swap3A = arith.constant 0 : i32
      %swap3A_258 = arith.constant 0 : i32
      %swap3A_259 = tpu.memref_slice %arg9[%scan3A_211, %swap3A, %swap3A_258] : memref<2x80x128xf32, #tpu.memory_space<vmem>> -> memref<1x80x128xf32, #tpu.memory_space<vmem>>
      %swap3A_260 = tpu.memref_squeeze %swap3A_259 : memref<1x80x128xf32, #tpu.memory_space<vmem>> -> memref<80x128xf32, #tpu.memory_space<vmem>>
      %swap3A_261 = arith.index_cast %add3A_240 : i32 to index
      %swap3A_262 = arith.constant 0 : index
      %swap3A_263 = tpu.vector_load %swap3A_260[%swap3A_261, %swap3A_262] {strides = array<i32>} : memref<80x128xf32, #tpu.memory_space<vmem>>, vector<16xf32>,
      tpu.vector_store %swap3A_260[%swap3A_261, %swap3A_262], %max3A_257 {strides = array<i32>} : memref<80x128xf32, #tpu.memory_space<vmem>>, vector<16xf32>,
      %get3A_264 = arith.constant 0 : i32
      %get3A_265 = arith.constant 0 : i32
      %get3A_266 = tpu.memref_slice %arg9[%scan3A_211, %get3A_264, %get3A_265] : memref<2x80x128xf32, #tpu.memory_space<vmem>> -> memref<1x80x128xf32, #tpu.memory_space<vmem>>
      %get3A_267 = tpu.memref_squeeze %get3A_266 : memref<1x80x128xf32, #tpu.memory_space<vmem>> -> memref<80x128xf32, #tpu.memory_space<vmem>>
      %get3A_268 = arith.index_cast %add3A_240 : i32 to index
      %get3A_269 = arith.constant 16 : index
      %get3A_270 = tpu.vector_load %get3A_267[%get3A_268, %get3A_269] {strides = array<i32>} : memref<80x128xf32, #tpu.memory_space<vmem>>, vector<16xf32>,
      %add3A_271 = arith.addf %get3A_270, %unpack3A_247 : vector<16xf32>
      %max3A_272 = arith.constant 0.000000e+00 : f32
      %max3A_273 = vector.broadcast %max3A_272 : f32 to vector<16xf32>
      %max3A_274 = arith.maximumf %add3A_271, %max3A_273 : vector<16xf32>
      %swap3A_275 = arith.constant 0 : i32
      %swap3A_276 = arith.constant 0 : i32
      %swap3A_277 = tpu.memref_slice %arg9[%scan3A_211, %swap3A_275, %swap3A_276] : memref<2x80x128xf32, #tpu.memory_space<vmem>> -> memref<1x80x128xf32, #tpu.memory_space<vmem>>
      %swap3A_278 = tpu.memref_squeeze %swap3A_277 : memref<1x80x128xf32, #tpu.memory_space<vmem>> -> memref<80x128xf32, #tpu.memory_space<vmem>>
      %swap3A_279 = arith.index_cast %add3A_240 : i32 to index
      %swap3A_280 = arith.constant 16 : index
      %swap3A_281 = tpu.vector_load %swap3A_278[%swap3A_279, %swap3A_280] {strides = array<i32>} : memref<80x128xf32, #tpu.memory_space<vmem>>, vector<16xf32>,
      tpu.vector_store %swap3A_278[%swap3A_279, %swap3A_280], %max3A_274 {strides = array<i32>} : memref<80x128xf32, #tpu.memory_space<vmem>>, vector<16xf32>,
      %get3A_282 = arith.constant 0 : i32
      %get3A_283 = arith.constant 0 : i32
      %get3A_284 = tpu.memref_slice %arg10[%scan3A_210, %get3A_282, %get3A_283] : memref<2x80x64xi32, #tpu.memory_space<vmem>> -> memref<1x80x64xi32, #tpu.memory_space<vmem>>
      %get3A_285 = tpu.memref_squeeze %get3A_284 : memref<1x80x64xi32, #tpu.memory_space<vmem>> -> memref<80x64xi32, #tpu.memory_space<vmem>>
      %get3A_286 = arith.index_cast %add3A_240 : i32 to index
      %get3A_287 = arith.constant 16 : index
      %get3A_288 = tpu.vector_load %get3A_285[%get3A_286, %get3A_287] {strides = array<i32>} : memref<80x64xi32, #tpu.memory_space<vmem>>, vector<16xi32>,
      %bitcast3A_289 = vector.bitcast %get3A_288 : vector<16xi32> to vector<32xbf16>
      %unpack3A_290 = tpu.unpack_subelements %bitcast3A_289, 0 {pack_format = #tpu.pack_format<interleaved>} : vector<32xbf16> -> vector<16xf32>
      %unpack3A_291 = tpu.unpack_subelements %bitcast3A_289, 1 {pack_format = #tpu.pack_format<interleaved>} : vector<32xbf16> -> vector<16xf32>
      %get3A_292 = arith.constant 0 : i32
      %get3A_293 = arith.constant 0 : i32
      %get3A_294 = tpu.memref_slice %arg9[%scan3A_211, %get3A_292, %get3A_293] : memref<2x80x128xf32, #tpu.memory_space<vmem>> -> memref<1x80x128xf32, #tpu.memory_space<vmem>>
      %get3A_295 = tpu.memref_squeeze %get3A_294 : memref<1x80x128xf32, #tpu.memory_space<vmem>> -> memref<80x128xf32, #tpu.memory_space<vmem>>
      %get3A_296 = arith.index_cast %add3A_240 : i32 to index
      %get3A_297 = arith.constant 32 : index
      %get3A_298 = tpu.vector_load %get3A_295[%get3A_296, %get3A_297] {strides = array<i32>} : memref<80x128xf32, #tpu.memory_space<vmem>>, vector<16xf32>,
      %add3A_299 = arith.addf %get3A_298, %unpack3A_290 : vector<16xf32>
      %max3A_300 = arith.constant 0.000000e+00 : f32
      %max3A_301 = vector.broadcast %max3A_300 : f32 to vector<16xf32>
      %max3A_302 = arith.maximumf %add3A_299, %max3A_301 : vector<16xf32>
      %swap3A_303 = arith.constant 0 : i32
      %swap3A_304 = arith.constant 0 : i32
      %swap3A_305 = tpu.memref_slice %arg9[%scan3A_211, %swap3A_303, %swap3A_304] : memref<2x80x128xf32, #tpu.memory_space<vmem>> -> memref<1x80x128xf32, #tpu.memory_space<vmem>>
      %swap3A_306 = tpu.memref_squeeze %swap3A_305 : memref<1x80x128xf32, #tpu.memory_space<vmem>> -> memref<80x128xf32, #tpu.memory_space<vmem>>
      %swap3A_307 = arith.index_cast %add3A_240 : i32 to index
      %swap3A_308 = arith.constant 32 : index
      %swap3A_309 = tpu.vector_load %swap3A_306[%swap3A_307, %swap3A_308] {strides = array<i32>} : memref<80x128xf32, #tpu.memory_space<vmem>>, vector<16xf32>,
      tpu.vector_store %swap3A_306[%swap3A_307, %swap3A_308], %max3A_302 {strides = array<i32>} : memref<80x128xf32, #tpu.memory_space<vmem>>, vector<16xf32>,
      %get3A_310 = arith.constant 0 : i32
      %get3A_311 = arith.constant 0 : i32
      %get3A_312 = tpu.memref_slice %arg9[%scan3A_211, %get3A_310, %get3A_311] : memref<2x80x128xf32, #tpu.memory_space<vmem>> -> memref<1x80x128xf32, #tpu.memory_space<vmem>>
      %get3A_313 = tpu.memref_squeeze %get3A_312 : memref<1x80x128xf32, #tpu.memory_space<vmem>> -> memref<80x128xf32, #tpu.memory_space<vmem>>
      %get3A_314 = arith.index_cast %add3A_240 : i32 to index
      %get3A_315 = arith.constant 48 : index
      %get3A_316 = tpu.vector_load %get3A_313[%get3A_314, %get3A_315] {strides = array<i32>} : memref<80x128xf32, #tpu.memory_space<vmem>>, vector<16xf32>,
      %add3A_317 = arith.addf %get3A_316, %unpack3A_291 : vector<16xf32>
      %max3A_318 = arith.constant 0.000000e+00 : f32
      %max3A_319 = vector.broadcast %max3A_318 : f32 to vector<16xf32>
      %max3A_320 = arith.maximumf %add3A_317, %max3A_319 : vector<16xf32>
      %swap3A_321 = arith.constant 0 : i32
      %swap3A_322 = arith.constant 0 : i32
      %swap3A_323 = tpu.memref_slice %arg9[%scan3A_211, %swap3A_321, %swap3A_322] : memref<2x80x128xf32, #tpu.memory_space<vmem>> -> memref<1x80x128xf32, #tpu.memory_space<vmem>>
      %swap3A_324 = tpu.memref_squeeze %swap3A_323 : memref<1x80x128xf32, #tpu.memory_space<vmem>> -> memref<80x128xf32, #tpu.memory_space<vmem>>
      %swap3A_325 = arith.index_cast %add3A_240 : i32 to index
      %swap3A_326 = arith.constant 48 : index
      %swap3A_327 = tpu.vector_load %swap3A_324[%swap3A_325, %swap3A_326] {strides = array<i32>} : memref<80x128xf32, #tpu.memory_space<vmem>>, vector<16xf32>,
      tpu.vector_store %swap3A_324[%swap3A_325, %swap3A_326], %max3A_320 {strides = array<i32>} : memref<80x128xf32, #tpu.memory_space<vmem>>, vector<16xf32>,
      %get3A_328 = arith.constant 0 : i32
      %get3A_329 = arith.constant 0 : i32
      %get3A_330 = tpu.memref_slice %arg10[%scan3A_210, %get3A_328, %get3A_329] : memref<2x80x64xi32, #tpu.memory_space<vmem>> -> memref<1x80x64xi32, #tpu.memory_space<vmem>>
      %get3A_331 = tpu.memref_squeeze %get3A_330 : memref<1x80x64xi32, #tpu.memory_space<vmem>> -> memref<80x64xi32, #tpu.memory_space<vmem>>
      %get3A_332 = arith.index_cast %add3A_240 : i32 to index
      %get3A_333 = arith.constant 32 : index
      %get3A_334 = tpu.vector_load %get3A_331[%get3A_332, %get3A_333] {strides = array<i32>} : memref<80x64xi32, #tpu.memory_space<vmem>>, vector<16xi32>,
      %bitcast3A_335 = vector.bitcast %get3A_334 : vector<16xi32> to vector<32xbf16>
      %unpack3A_336 = tpu.unpack_subelements %bitcast3A_335, 0 {pack_format = #tpu.pack_format<interleaved>} : vector<32xbf16> -> vector<16xf32>
      %unpack3A_337 = tpu.unpack_subelements %bitcast3A_335, 1 {pack_format = #tpu.pack_format<interleaved>} : vector<32xbf16> -> vector<16xf32>
      %get3A_338 = arith.constant 0 : i32
      %get3A_339 = arith.constant 0 : i32
      %get3A_340 = tpu.memref_slice %arg9[%scan3A_211, %get3A_338, %get3A_339] : memref<2x80x128xf32, #tpu.memory_space<vmem>> -> memref<1x80x128xf32, #tpu.memory_space<vmem>>
      %get3A_341 = tpu.memref_squeeze %get3A_340 : memref<1x80x128xf32, #tpu.memory_space<vmem>> -> memref<80x128xf32, #tpu.memory_space<vmem>>
      %get3A_342 = arith.index_cast %add3A_240 : i32 to index
      %get3A_343 = arith.constant 64 : index
      %get3A_344 = tpu.vector_load %get3A_341[%get3A_342, %get3A_343] {strides = array<i32>} : memref<80x128xf32, #tpu.memory_space<vmem>>, vector<16xf32>,
      %add3A_345 = arith.addf %get3A_344, %unpack3A_336 : vector<16xf32>
      %max3A_346 = arith.constant 0.000000e+00 : f32
      %max3A_347 = vector.broadcast %max3A_346 : f32 to vector<16xf32>
      %max3A_348 = arith.maximumf %add3A_345, %max3A_347 : vector<16xf32>
      %swap3A_349 = arith.constant 0 : i32
      %swap3A_350 = arith.constant 0 : i32
      %swap3A_351 = tpu.memref_slice %arg9[%scan3A_211, %swap3A_349, %swap3A_350] : memref<2x80x128xf32, #tpu.memory_space<vmem>> -> memref<1x80x128xf32, #tpu.memory_space<vmem>>
      %swap3A_352 = tpu.memref_squeeze %swap3A_351 : memref<1x80x128xf32, #tpu.memory_space<vmem>> -> memref<80x128xf32, #tpu.memory_space<vmem>>
      %swap3A_353 = arith.index_cast %add3A_240 : i32 to index
      %swap3A_354 = arith.constant 64 : index
      %swap3A_355 = tpu.vector_load %swap3A_352[%swap3A_353, %swap3A_354] {strides = array<i32>} : memref<80x128xf32, #tpu.memory_space<vmem>>, vector<16xf32>,
      tpu.vector_store %swap3A_352[%swap3A_353, %swap3A_354], %max3A_348 {strides = array<i32>} : memref<80x128xf32, #tpu.memory_space<vmem>>, vector<16xf32>,
      %get3A_356 = arith.constant 0 : i32
      %get3A_357 = arith.constant 0 : i32
      %get3A_358 = tpu.memref_slice %arg9[%scan3A_211, %get3A_356, %get3A_357] : memref<2x80x128xf32, #tpu.memory_space<vmem>> -> memref<1x80x128xf32, #tpu.memory_space<vmem>>
      %get3A_359 = tpu.memref_squeeze %get3A_358 : memref<1x80x128xf32, #tpu.memory_space<vmem>> -> memref<80x128xf32, #tpu.memory_space<vmem>>
      %get3A_360 = arith.index_cast %add3A_240 : i32 to index
      %get3A_361 = arith.constant 80 : index
      %get3A_362 = tpu.vector_load %get3A_359[%get3A_360, %get3A_361] {strides = array<i32>} : memref<80x128xf32, #tpu.memory_space<vmem>>, vector<16xf32>,
      %add3A_363 = arith.addf %get3A_362, %unpack3A_337 : vector<16xf32>
      %max3A_364 = arith.constant 0.000000e+00 : f32
      %max3A_365 = vector.broadcast %max3A_364 : f32 to vector<16xf32>
      %max3A_366 = arith.maximumf %add3A_363, %max3A_365 : vector<16xf32>
      %swap3A_367 = arith.constant 0 : i32
      %swap3A_368 = arith.constant 0 : i32
      %swap3A_369 = tpu.memref_slice %arg9[%scan3A_211, %swap3A_367, %swap3A_368] : memref<2x80x128xf32, #tpu.memory_space<vmem>> -> memref<1x80x128xf32, #tpu.memory_space<vmem>>
      %swap3A_370 = tpu.memref_squeeze %swap3A_369 : memref<1x80x128xf32, #tpu.memory_space<vmem>> -> memref<80x128xf32, #tpu.memory_space<vmem>>
      %swap3A_371 = arith.index_cast %add3A_240 : i32 to index
      %swap3A_372 = arith.constant 80 : index
      %swap3A_373 = tpu.vector_load %swap3A_370[%swap3A_371, %swap3A_372] {strides = array<i32>} : memref<80x128xf32, #tpu.memory_space<vmem>>, vector<16xf32>,
      tpu.vector_store %swap3A_370[%swap3A_371, %swap3A_372], %max3A_366 {strides = array<i32>} : memref<80x128xf32, #tpu.memory_space<vmem>>, vector<16xf32>,
      %get3A_374 = arith.constant 0 : i32
      %get3A_375 = arith.constant 0 : i32
      %get3A_376 = tpu.memref_slice %arg10[%scan3A_210, %get3A_374, %get3A_375] : memref<2x80x64xi32, #tpu.memory_space<vmem>> -> memref<1x80x64xi32, #tpu.memory_space<vmem>>
      %get3A_377 = tpu.memref_squeeze %get3A_376 : memref<1x80x64xi32, #tpu.memory_space<vmem>> -> memref<80x64xi32, #tpu.memory_space<vmem>>
      %get3A_378 = arith.index_cast %add3A_240 : i32 to index
      %get3A_379 = arith.constant 48 : index
      %get3A_380 = tpu.vector_load %get3A_377[%get3A_378, %get3A_379] {strides = array<i32>} : memref<80x64xi32, #tpu.memory_space<vmem>>, vector<16xi32>,
      %bitcast3A_381 = vector.bitcast %get3A_380 : vector<16xi32> to vector<32xbf16>
      %unpack3A_382 = tpu.unpack_subelements %bitcast3A_381, 0 {pack_format = #tpu.pack_format<interleaved>} : vector<32xbf16> -> vector<16xf32>
      %unpack3A_383 = tpu.unpack_subelements %bitcast3A_381, 1 {pack_format = #tpu.pack_format<interleaved>} : vector<32xbf16> -> vector<16xf32>
      %get3A_384 = arith.constant 0 : i32
      %get3A_385 = arith.constant 0 : i32
      %get3A_386 = tpu.memref_slice %arg9[%scan3A_211, %get3A_384, %get3A_385] : memref<2x80x128xf32, #tpu.memory_space<vmem>> -> memref<1x80x128xf32, #tpu.memory_space<vmem>>
      %get3A_387 = tpu.memref_squeeze %get3A_386 : memref<1x80x128xf32, #tpu.memory_space<vmem>> -> memref<80x128xf32, #tpu.memory_space<vmem>>
      %get3A_388 = arith.index_cast %add3A_240 : i32 to index
      %get3A_389 = arith.constant 96 : index
      %get3A_390 = tpu.vector_load %get3A_387[%get3A_388, %get3A_389] {strides = array<i32>} : memref<80x128xf32, #tpu.memory_space<vmem>>, vector<16xf32>,
      %add3A_391 = arith.addf %get3A_390, %unpack3A_382 : vector<16xf32>
      %max3A_392 = arith.constant 0.000000e+00 : f32
      %max3A_393 = vector.broadcast %max3A_392 : f32 to vector<16xf32>
      %max3A_394 = arith.maximumf %add3A_391, %max3A_393 : vector<16xf32>
      %swap3A_395 = arith.constant 0 : i32
      %swap3A_396 = arith.constant 0 : i32
      %swap3A_397 = tpu.memref_slice %arg9[%scan3A_211, %swap3A_395, %swap3A_396] : memref<2x80x128xf32, #tpu.memory_space<vmem>> -> memref<1x80x128xf32, #tpu.memory_space<vmem>>
      %swap3A_398 = tpu.memref_squeeze %swap3A_397 : memref<1x80x128xf32, #tpu.memory_space<vmem>> -> memref<80x128xf32, #tpu.memory_space<vmem>>
      %swap3A_399 = arith.index_cast %add3A_240 : i32 to index
      %swap3A_400 = arith.constant 96 : index
      %swap3A_401 = tpu.vector_load %swap3A_398[%swap3A_399, %swap3A_400] {strides = array<i32>} : memref<80x128xf32, #tpu.memory_space<vmem>>, vector<16xf32>,
      tpu.vector_store %swap3A_398[%swap3A_399, %swap3A_400], %max3A_394 {strides = array<i32>} : memref<80x128xf32, #tpu.memory_space<vmem>>, vector<16xf32>,
      %get3A_402 = arith.constant 0 : i32
      %get3A_403 = arith.constant 0 : i32
      %get3A_404 = tpu.memref_slice %arg9[%scan3A_211, %get3A_402, %get3A_403] : memref<2x80x128xf32, #tpu.memory_space<vmem>> -> memref<1x80x128xf32, #tpu.memory_space<vmem>>
      %get3A_405 = tpu.memref_squeeze %get3A_404 : memref<1x80x128xf32, #tpu.memory_space<vmem>> -> memref<80x128xf32, #tpu.memory_space<vmem>>
      %get3A_406 = arith.index_cast %add3A_240 : i32 to index
      %get3A_407 = arith.constant 112 : index
      %get3A_408 = tpu.vector_load %get3A_405[%get3A_406, %get3A_407] {strides = array<i32>} : memref<80x128xf32, #tpu.memory_space<vmem>>, vector<16xf32>,
      %add3A_409 = arith.addf %get3A_408, %unpack3A_383 : vector<16xf32>
      %max3A_410 = arith.constant 0.000000e+00 : f32
      %max3A_411 = vector.broadcast %max3A_410 : f32 to vector<16xf32>
      %max3A_412 = arith.maximumf %add3A_409, %max3A_411 : vector<16xf32>
      %swap3A_413 = arith.constant 0 : i32
      %swap3A_414 = arith.constant 0 : i32
      %swap3A_415 = tpu.memref_slice %arg9[%scan3A_211, %swap3A_413, %swap3A_414] : memref<2x80x128xf32, #tpu.memory_space<vmem>> -> memref<1x80x128xf32, #tpu.memory_space<vmem>>
      %swap3A_416 = tpu.memref_squeeze %swap3A_415 : memref<1x80x128xf32, #tpu.memory_space<vmem>> -> memref<80x128xf32, #tpu.memory_space<vmem>>
      %swap3A_417 = arith.index_cast %add3A_240 : i32 to index
      %swap3A_418 = arith.constant 112 : index
      %swap3A_419 = tpu.vector_load %swap3A_416[%swap3A_417, %swap3A_418] {strides = array<i32>} : memref<80x128xf32, #tpu.memory_space<vmem>>, vector<16xf32>,
      tpu.vector_store %swap3A_416[%swap3A_417, %swap3A_418], %max3A_412 {strides = array<i32>} : memref<80x128xf32, #tpu.memory_space<vmem>>, vector<16xf32>,
      %add3A_420 = arith.constant 1 : i32
      %add3A_421 = arith.addi %mul3A_238, %add3A_420 : i32
      %get3A_422 = arith.constant 0 : i32
      %get3A_423 = arith.constant 0 : i32
      %get3A_424 = tpu.memref_slice %arg10[%scan3A_210, %get3A_422, %get3A_423] : memref<2x80x64xi32, #tpu.memory_space<vmem>> -> memref<1x80x64xi32, #tpu.memory_space<vmem>>
      %get3A_425 = tpu.memref_squeeze %get3A_424 : memref<1x80x64xi32, #tpu.memory_space<vmem>> -> memref<80x64xi32, #tpu.memory_space<vmem>>
      %get3A_426 = arith.index_cast %add3A_421 : i32 to index
      %get3A_427 = arith.constant 0 : index
      %get3A_428 = tpu.vector_load %get3A_425[%get3A_426, %get3A_427] {strides = array<i32>} : memref<80x64xi32, #tpu.memory_space<vmem>>, vector<16xi32>,
      %bitcast3A_429 = vector.bitcast %get3A_428 : vector<16xi32> to vector<32xbf16>
      %unpack3A_430 = tpu.unpack_subelements %bitcast3A_429, 0 {pack_format = #tpu.pack_format<interleaved>} : vector<32xbf16> -> vector<16xf32>
      %unpack3A_431 = tpu.unpack_subelements %bitcast3A_429, 1 {pack_format = #tpu.pack_format<interleaved>} : vector<32xbf16> -> vector<16xf32>
      %get3A_432 = arith.constant 0 : i32
      %get3A_433 = arith.constant 0 : i32
      %get3A_434 = tpu.memref_slice %arg9[%scan3A_211, %get3A_432, %get3A_433] : memref<2x80x128xf32, #tpu.memory_space<vmem>> -> memref<1x80x128xf32, #tpu.memory_space<vmem>>
      %get3A_435 = tpu.memref_squeeze %get3A_434 : memref<1x80x128xf32, #tpu.memory_space<vmem>> -> memref<80x128xf32, #tpu.memory_space<vmem>>
      %get3A_436 = arith.index_cast %add3A_421 : i32 to index
      %get3A_437 = arith.constant 0 : index
      %get3A_438 = tpu.vector_load %get3A_435[%get3A_436, %get3A_437] {strides = array<i32>} : memref<80x128xf32, #tpu.memory_space<vmem>>, vector<16xf32>,
      %add3A_439 = arith.addf %get3A_438, %unpack3A_430 : vector<16xf32>
      %max3A_440 = arith.constant 0.000000e+00 : f32
      %max3A_441 = vector.broadcast %max3A_440 : f32 to vector<16xf32>
      %max3A_442 = arith.maximumf %add3A_439, %max3A_441 : vector<16xf32>
      %swap3A_443 = arith.constant 0 : i32
      %swap3A_444 = arith.constant 0 : i32
      %swap3A_445 = tpu.memref_slice %arg9[%scan3A_211, %swap3A_443, %swap3A_444] : memref<2x80x128xf32, #tpu.memory_space<vmem>> -> memref<1x80x128xf32, #tpu.memory_space<vmem>>
      %swap3A_446 = tpu.memref_squeeze %swap3A_445 : memref<1x80x128xf32, #tpu.memory_space<vmem>> -> memref<80x128xf32, #tpu.memory_space<vmem>>
      %swap3A_447 = arith.index_cast %add3A_421 : i32 to index
      %swap3A_448 = arith.constant 0 : index
      %swap3A_449 = tpu.vector_load %swap3A_446[%swap3A_447, %swap3A_448] {strides = array<i32>} : memref<80x128xf32, #tpu.memory_space<vmem>>, vector<16xf32>,
      tpu.vector_store %swap3A_446[%swap3A_447, %swap3A_448], %max3A_442 {strides = array<i32>} : memref<80x128xf32, #tpu.memory_space<vmem>>, vector<16xf32>,
      %get3A_450 = arith.constant 0 : i32
      %get3A_451 = arith.constant 0 : i32
      %get3A_452 = tpu.memref_slice %arg9[%scan3A_211, %get3A_450, %get3A_451] : memref<2x80x128xf32, #tpu.memory_space<vmem>> -> memref<1x80x128xf32, #tpu.memory_space<vmem>>
      %get3A_453 = tpu.memref_squeeze %get3A_452 : memref<1x80x128xf32, #tpu.memory_space<vmem>> -> memref<80x128xf32, #tpu.memory_space<vmem>>
      %get3A_454 = arith.index_cast %add3A_421 : i32 to index
      %get3A_455 = arith.constant 16 : index
      %get3A_456 = tpu.vector_load %get3A_453[%get3A_454, %get3A_455] {strides = array<i32>} : memref<80x128xf32, #tpu.memory_space<vmem>>, vector<16xf32>,
      %add3A_457 = arith.addf %get3A_456, %unpack3A_431 : vector<16xf32>
      %max3A_458 = arith.constant 0.000000e+00 : f32
      %max3A_459 = vector.broadcast %max3A_458 : f32 to vector<16xf32>
      %max3A_460 = arith.maximumf %add3A_457, %max3A_459 : vector<16xf32>
      %swap3A_461 = arith.constant 0 : i32
      %swap3A_462 = arith.constant 0 : i32
      %swap3A_463 = tpu.memref_slice %arg9[%scan3A_211, %swap3A_461, %swap3A_462] : memref<2x80x128xf32, #tpu.memory_space<vmem>> -> memref<1x80x128xf32, #tpu.memory_space<vmem>>
      %swap3A_464 = tpu.memref_squeeze %swap3A_463 : memref<1x80x128xf32, #tpu.memory_space<vmem>> -> memref<80x128xf32, #tpu.memory_space<vmem>>
      %swap3A_465 = arith.index_cast %add3A_421 : i32 to index
      %swap3A_466 = arith.constant 16 : index
      %swap3A_467 = tpu.vector_load %swap3A_464[%swap3A_465, %swap3A_466] {strides = array<i32>} : memref<80x128xf32, #tpu.memory_space<vmem>>, vector<16xf32>,
      tpu.vector_store %swap3A_464[%swap3A_465, %swap3A_466], %max3A_460 {strides = array<i32>} : memref<80x128xf32, #tpu.memory_space<vmem>>, vector<16xf32>,
      %get3A_468 = arith.constant 0 : i32
      %get3A_469 = arith.constant 0 : i32
      %get3A_470 = tpu.memref_slice %arg10[%scan3A_210, %get3A_468, %get3A_469] : memref<2x80x64xi32, #tpu.memory_space<vmem>> -> memref<1x80x64xi32, #tpu.memory_space<vmem>>
      %get3A_471 = tpu.memref_squeeze %get3A_470 : memref<1x80x64xi32, #tpu.memory_space<vmem>> -> memref<80x64xi32, #tpu.memory_space<vmem>>
      %get3A_472 = arith.index_cast %add3A_421 : i32 to index
      %get3A_473 = arith.constant 16 : index
      %get3A_474 = tpu.vector_load %get3A_471[%get3A_472, %get3A_473] {strides = array<i32>} : memref<80x64xi32, #tpu.memory_space<vmem>>, vector<16xi32>,
      %bitcast3A_475 = vector.bitcast %get3A_474 : vector<16xi32> to vector<32xbf16>
      %unpack3A_476 = tpu.unpack_subelements %bitcast3A_475, 0 {pack_format = #tpu.pack_format<interleaved>} : vector<32xbf16> -> vector<16xf32>
      %unpack3A_477 = tpu.unpack_subelements %bitcast3A_475, 1 {pack_format = #tpu.pack_format<interleaved>} : vector<32xbf16> -> vector<16xf32>
      %get3A_478 = arith.constant 0 : i32
      %get3A_479 = arith.constant 0 : i32
      %get3A_480 = tpu.memref_slice %arg9[%scan3A_211, %get3A_478, %get3A_479] : memref<2x80x128xf32, #tpu.memory_space<vmem>> -> memref<1x80x128xf32, #tpu.memory_space<vmem>>
      %get3A_481 = tpu.memref_squeeze %get3A_480 : memref<1x80x128xf32, #tpu.memory_space<vmem>> -> memref<80x128xf32, #tpu.memory_space<vmem>>
      %get3A_482 = arith.index_cast %add3A_421 : i32 to index
      %get3A_483 = arith.constant 32 : index
      %get3A_484 = tpu.vector_load %get3A_481[%get3A_482, %get3A_483] {strides = array<i32>} : memref<80x128xf32, #tpu.memory_space<vmem>>, vector<16xf32>,
      %add3A_485 = arith.addf %get3A_484, %unpack3A_476 : vector<16xf32>
      %max3A_486 = arith.constant 0.000000e+00 : f32
      %max3A_487 = vector.broadcast %max3A_486 : f32 to vector<16xf32>
      %max3A_488 = arith.maximumf %add3A_485, %max3A_487 : vector<16xf32>
      %swap3A_489 = arith.constant 0 : i32
      %swap3A_490 = arith.constant 0 : i32
      %swap3A_491 = tpu.memref_slice %arg9[%scan3A_211, %swap3A_489, %swap3A_490] : memref<2x80x128xf32, #tpu.memory_space<vmem>> -> memref<1x80x128xf32, #tpu.memory_space<vmem>>
      %swap3A_492 = tpu.memref_squeeze %swap3A_491 : memref<1x80x128xf32, #tpu.memory_space<vmem>> -> memref<80x128xf32, #tpu.memory_space<vmem>>
      %swap3A_493 = arith.index_cast %add3A_421 : i32 to index
      %swap3A_494 = arith.constant 32 : index
      %swap3A_495 = tpu.vector_load %swap3A_492[%swap3A_493, %swap3A_494] {strides = array<i32>} : memref<80x128xf32, #tpu.memory_space<vmem>>, vector<16xf32>,
      tpu.vector_store %swap3A_492[%swap3A_493, %swap3A_494], %max3A_488 {strides = array<i32>} : memref<80x128xf32, #tpu.memory_space<vmem>>, vector<16xf32>,
      %get3A_496 = arith.constant 0 : i32
      %get3A_497 = arith.constant 0 : i32
      %get3A_498 = tpu.memref_slice %arg9[%scan3A_211, %get3A_496, %get3A_497] : memref<2x80x128xf32, #tpu.memory_space<vmem>> -> memref<1x80x128xf32, #tpu.memory_space<vmem>>
      %get3A_499 = tpu.memref_squeeze %get3A_498 : memref<1x80x128xf32, #tpu.memory_space<vmem>> -> memref<80x128xf32, #tpu.memory_space<vmem>>
      %get3A_500 = arith.index_cast %add3A_421 : i32 to index
      %get3A_501 = arith.constant 48 : index
      %get3A_502 = tpu.vector_load %get3A_499[%get3A_500, %get3A_501] {strides = array<i32>} : memref<80x128xf32, #tpu.memory_space<vmem>>, vector<16xf32>,
      %add3A_503 = arith.addf %get3A_502, %unpack3A_477 : vector<16xf32>
      %max3A_504 = arith.constant 0.000000e+00 : f32
      %max3A_505 = vector.broadcast %max3A_504 : f32 to vector<16xf32>
      %max3A_506 = arith.maximumf %add3A_503, %max3A_505 : vector<16xf32>
      %swap3A_507 = arith.constant 0 : i32
      %swap3A_508 = arith.constant 0 : i32
      %swap3A_509 = tpu.memref_slice %arg9[%scan3A_211, %swap3A_507, %swap3A_508] : memref<2x80x128xf32, #tpu.memory_space<vmem>> -> memref<1x80x128xf32, #tpu.memory_space<vmem>>
      %swap3A_510 = tpu.memref_squeeze %swap3A_509 : memref<1x80x128xf32, #tpu.memory_space<vmem>> -> memref<80x128xf32, #tpu.memory_space<vmem>>
      %swap3A_511 = arith.index_cast %add3A_421 : i32 to index
      %swap3A_512 = arith.constant 48 : index
      %swap3A_513 = tpu.vector_load %swap3A_510[%swap3A_511, %swap3A_512] {strides = array<i32>} : memref<80x128xf32, #tpu.memory_space<vmem>>, vector<16xf32>,
      tpu.vector_store %swap3A_510[%swap3A_511, %swap3A_512], %max3A_506 {strides = array<i32>} : memref<80x128xf32, #tpu.memory_space<vmem>>, vector<16xf32>,
      %get3A_514 = arith.constant 0 : i32
      %get3A_515 = arith.constant 0 : i32
      %get3A_516 = tpu.memref_slice %arg10[%scan3A_210, %get3A_514, %get3A_515] : memref<2x80x64xi32, #tpu.memory_space<vmem>> -> memref<1x80x64xi32, #tpu.memory_space<vmem>>
      %get3A_517 = tpu.memref_squeeze %get3A_516 : memref<1x80x64xi32, #tpu.memory_space<vmem>> -> memref<80x64xi32, #tpu.memory_space<vmem>>
      %get3A_518 = arith.index_cast %add3A_421 : i32 to index
      %get3A_519 = arith.constant 32 : index
      %get3A_520 = tpu.vector_load %get3A_517[%get3A_518, %get3A_519] {strides = array<i32>} : memref<80x64xi32, #tpu.memory_space<vmem>>, vector<16xi32>,
      %bitcast3A_521 = vector.bitcast %get3A_520 : vector<16xi32> to vector<32xbf16>
      %unpack3A_522 = tpu.unpack_subelements %bitcast3A_521, 0 {pack_format = #tpu.pack_format<interleaved>} : vector<32xbf16> -> vector<16xf32>
      %unpack3A_523 = tpu.unpack_subelements %bitcast3A_521, 1 {pack_format = #tpu.pack_format<interleaved>} : vector<32xbf16> -> vector<16xf32>
      %get3A_524 = arith.constant 0 : i32
      %get3A_525 = arith.constant 0 : i32
      %get3A_526 = tpu.memref_slice %arg9[%scan3A_211, %get3A_524, %get3A_525] : memref<2x80x128xf32, #tpu.memory_space<vmem>> -> memref<1x80x128xf32, #tpu.memory_space<vmem>>
      %get3A_527 = tpu.memref_squeeze %get3A_526 : memref<1x80x128xf32, #tpu.memory_space<vmem>> -> memref<80x128xf32, #tpu.memory_space<vmem>>
      %get3A_528 = arith.index_cast %add3A_421 : i32 to index
      %get3A_529 = arith.constant 64 : index
      %get3A_530 = tpu.vector_load %get3A_527[%get3A_528, %get3A_529] {strides = array<i32>} : memref<80x128xf32, #tpu.memory_space<vmem>>, vector<16xf32>,
      %add3A_531 = arith.addf %get3A_530, %unpack3A_522 : vector<16xf32>
      %max3A_532 = arith.constant 0.000000e+00 : f32
      %max3A_533 = vector.broadcast %max3A_532 : f32 to vector<16xf32>
      %max3A_534 = arith.maximumf %add3A_531, %max3A_533 : vector<16xf32>
      %swap3A_535 = arith.constant 0 : i32
      %swap3A_536 = arith.constant 0 : i32
      %swap3A_537 = tpu.memref_slice %arg9[%scan3A_211, %swap3A_535, %swap3A_536] : memref<2x80x128xf32, #tpu.memory_space<vmem>> -> memref<1x80x128xf32, #tpu.memory_space<vmem>>
      %swap3A_538 = tpu.memref_squeeze %swap3A_537 : memref<1x80x128xf32, #tpu.memory_space<vmem>> -> memref<80x128xf32, #tpu.memory_space<vmem>>
      %swap3A_539 = arith.index_cast %add3A_421 : i32 to index
      %swap3A_540 = arith.constant 64 : index
      %swap3A_541 = tpu.vector_load %swap3A_538[%swap3A_539, %swap3A_540] {strides = array<i32>} : memref<80x128xf32, #tpu.memory_space<vmem>>, vector<16xf32>,
      tpu.vector_store %swap3A_538[%swap3A_539, %swap3A_540], %max3A_534 {strides = array<i32>} : memref<80x128xf32, #tpu.memory_space<vmem>>, vector<16xf32>,
      %get3A_542 = arith.constant 0 : i32
      %get3A_543 = arith.constant 0 : i32
      %get3A_544 = tpu.memref_slice %arg9[%scan3A_211, %get3A_542, %get3A_543] : memref<2x80x128xf32, #tpu.memory_space<vmem>> -> memref<1x80x128xf32, #tpu.memory_space<vmem>>
      %get3A_545 = tpu.memref_squeeze %get3A_544 : memref<1x80x128xf32, #tpu.memory_space<vmem>> -> memref<80x128xf32, #tpu.memory_space<vmem>>
      %get3A_546 = arith.index_cast %add3A_421 : i32 to index
      %get3A_547 = arith.constant 80 : index
      %get3A_548 = tpu.vector_load %get3A_545[%get3A_546, %get3A_547] {strides = array<i32>} : memref<80x128xf32, #tpu.memory_space<vmem>>, vector<16xf32>,
      %add3A_549 = arith.addf %get3A_548, %unpack3A_523 : vector<16xf32>
      %max3A_550 = arith.constant 0.000000e+00 : f32
      %max3A_551 = vector.broadcast %max3A_550 : f32 to vector<16xf32>
      %max3A_552 = arith.maximumf %add3A_549, %max3A_551 : vector<16xf32>
      %swap3A_553 = arith.constant 0 : i32
      %swap3A_554 = arith.constant 0 : i32
      %swap3A_555 = tpu.memref_slice %arg9[%scan3A_211, %swap3A_553, %swap3A_554] : memref<2x80x128xf32, #tpu.memory_space<vmem>> -> memref<1x80x128xf32, #tpu.memory_space<vmem>>
      %swap3A_556 = tpu.memref_squeeze %swap3A_555 : memref<1x80x128xf32, #tpu.memory_space<vmem>> -> memref<80x128xf32, #tpu.memory_space<vmem>>
      %swap3A_557 = arith.index_cast %add3A_421 : i32 to index
      %swap3A_558 = arith.constant 80 : index
      %swap3A_559 = tpu.vector_load %swap3A_556[%swap3A_557, %swap3A_558] {strides = array<i32>} : memref<80x128xf32, #tpu.memory_space<vmem>>, vector<16xf32>,
      tpu.vector_store %swap3A_556[%swap3A_557, %swap3A_558], %max3A_552 {strides = array<i32>} : memref<80x128xf32, #tpu.memory_space<vmem>>, vector<16xf32>,
      %get3A_560 = arith.constant 0 : i32
      %get3A_561 = arith.constant 0 : i32
      %get3A_562 = tpu.memref_slice %arg10[%scan3A_210, %get3A_560, %get3A_561] : memref<2x80x64xi32, #tpu.memory_space<vmem>> -> memref<1x80x64xi32, #tpu.memory_space<vmem>>
      %get3A_563 = tpu.memref_squeeze %get3A_562 : memref<1x80x64xi32, #tpu.memory_space<vmem>> -> memref<80x64xi32, #tpu.memory_space<vmem>>
      %get3A_564 = arith.index_cast %add3A_421 : i32 to index
      %get3A_565 = arith.constant 48 : index
      %get3A_566 = tpu.vector_load %get3A_563[%get3A_564, %get3A_565] {strides = array<i32>} : memref<80x64xi32, #tpu.memory_space<vmem>>, vector<16xi32>,
      %bitcast3A_567 = vector.bitcast %get3A_566 : vector<16xi32> to vector<32xbf16>
      %unpack3A_568 = tpu.unpack_subelements %bitcast3A_567, 0 {pack_format = #tpu.pack_format<interleaved>} : vector<32xbf16> -> vector<16xf32>
      %unpack3A_569 = tpu.unpack_subelements %bitcast3A_567, 1 {pack_format = #tpu.pack_format<interleaved>} : vector<32xbf16> -> vector<16xf32>
      %get3A_570 = arith.constant 0 : i32
      %get3A_571 = arith.constant 0 : i32
      %get3A_572 = tpu.memref_slice %arg9[%scan3A_211, %get3A_570, %get3A_571] : memref<2x80x128xf32, #tpu.memory_space<vmem>> -> memref<1x80x128xf32, #tpu.memory_space<vmem>>
      %get3A_573 = tpu.memref_squeeze %get3A_572 : memref<1x80x128xf32, #tpu.memory_space<vmem>> -> memref<80x128xf32, #tpu.memory_space<vmem>>
      %get3A_574 = arith.index_cast %add3A_421 : i32 to index
      %get3A_575 = arith.constant 96 : index
      %get3A_576 = tpu.vector_load %get3A_573[%get3A_574, %get3A_575] {strides = array<i32>} : memref<80x128xf32, #tpu.memory_space<vmem>>, vector<16xf32>,
      %add3A_577 = arith.addf %get3A_576, %unpack3A_568 : vector<16xf32>
      %max3A_578 = arith.constant 0.000000e+00 : f32
      %max3A_579 = vector.broadcast %max3A_578 : f32 to vector<16xf32>
      %max3A_580 = arith.maximumf %add3A_577, %max3A_579 : vector<16xf32>
      %swap3A_581 = arith.constant 0 : i32
      %swap3A_582 = arith.constant 0 : i32
      %swap3A_583 = tpu.memref_slice %arg9[%scan3A_211, %swap3A_581, %swap3A_582] : memref<2x80x128xf32, #tpu.memory_space<vmem>> -> memref<1x80x128xf32, #tpu.memory_space<vmem>>
      %swap3A_584 = tpu.memref_squeeze %swap3A_583 : memref<1x80x128xf32, #tpu.memory_space<vmem>> -> memref<80x128xf32, #tpu.memory_space<vmem>>
      %swap3A_585 = arith.index_cast %add3A_421 : i32 to index
      %swap3A_586 = arith.constant 96 : index
      %swap3A_587 = tpu.vector_load %swap3A_584[%swap3A_585, %swap3A_586] {strides = array<i32>} : memref<80x128xf32, #tpu.memory_space<vmem>>, vector<16xf32>,
      tpu.vector_store %swap3A_584[%swap3A_585, %swap3A_586], %max3A_580 {strides = array<i32>} : memref<80x128xf32, #tpu.memory_space<vmem>>, vector<16xf32>,
      %get3A_588 = arith.constant 0 : i32
      %get3A_589 = arith.constant 0 : i32
      %get3A_590 = tpu.memref_slice %arg9[%scan3A_211, %get3A_588, %get3A_589] : memref<2x80x128xf32, #tpu.memory_space<vmem>> -> memref<1x80x128xf32, #tpu.memory_space<vmem>>
      %get3A_591 = tpu.memref_squeeze %get3A_590 : memref<1x80x128xf32, #tpu.memory_space<vmem>> -> memref<80x128xf32, #tpu.memory_space<vmem>>
      %get3A_592 = arith.index_cast %add3A_421 : i32 to index
      %get3A_593 = arith.constant 112 : index
      %get3A_594 = tpu.vector_load %get3A_591[%get3A_592, %get3A_593] {strides = array<i32>} : memref<80x128xf32, #tpu.memory_space<vmem>>, vector<16xf32>,
      %add3A_595 = arith.addf %get3A_594, %unpack3A_569 : vector<16xf32>
      %max3A_596 = arith.constant 0.000000e+00 : f32
      %max3A_597 = vector.broadcast %max3A_596 : f32 to vector<16xf32>
      %max3A_598 = arith.maximumf %add3A_595, %max3A_597 : vector<16xf32>
      %swap3A_599 = arith.constant 0 : i32
      %swap3A_600 = arith.constant 0 : i32
      %swap3A_601 = tpu.memref_slice %arg9[%scan3A_211, %swap3A_599, %swap3A_600] : memref<2x80x128xf32, #tpu.memory_space<vmem>> -> memref<1x80x128xf32, #tpu.memory_space<vmem>>
      %swap3A_602 = tpu.memref_squeeze %swap3A_601 : memref<1x80x128xf32, #tpu.memory_space<vmem>> -> memref<80x128xf32, #tpu.memory_space<vmem>>
      %swap3A_603 = arith.index_cast %add3A_421 : i32 to index
      %swap3A_604 = arith.constant 112 : index
      %swap3A_605 = tpu.vector_load %swap3A_602[%swap3A_603, %swap3A_604] {strides = array<i32>} : memref<80x128xf32, #tpu.memory_space<vmem>>, vector<16xf32>,
      tpu.vector_store %swap3A_602[%swap3A_603, %swap3A_604], %max3A_598 {strides = array<i32>} : memref<80x128xf32, #tpu.memory_space<vmem>>, vector<16xf32>,
    }
    %scan3A_216 = arith.constant 40 : i32
    %run_scoped3A_217 = arith.constant 0 : i32
    %run_scoped3A_218 = arith.constant 0 : i32
    "tpu.region"() ({
      %run_scoped3A_232 = tpu.sem_alloc : memref<!tpu.dma_semaphore, #tpu.memory_space<semaphore_mem>>
      %dma_start3A_233 = arith.constant 0 : i32
      %dma_start3A_234 = arith.constant 0 : i32
      %dma_start3A_235 = tpu.memref_slice %arg9[%run_scoped3A_217, %dma_start3A_233, %dma_start3A_234] : memref<2x80x128xf32, #tpu.memory_space<vmem>> -> memref<1x80x128xf32, #tpu.memory_space<vmem>>
      %dma_start3A_236 = tpu.memref_squeeze %dma_start3A_235 : memref<1x80x128xf32, #tpu.memory_space<vmem>> -> memref<80x128xf32, #tpu.memory_space<vmem>>
      %dma_start3A_237 = arith.constant 0 : i32
      %dma_start3A_238 = tpu.memref_slice %arg8[%run_scoped3A_218, %dma_start3A_237] : memref<4x80xi32, #tpu.memory_space<vmem>> -> memref<1x80xi32, #tpu.memory_space<vmem>>
      %dma_start3A_239 = tpu.memref_squeeze %dma_start3A_238 : memref<1x80xi32, #tpu.memory_space<vmem>> -> memref<80xi32, #tpu.memory_space<vmem>>
      %dma_start3A_240 = arith.constant 0 : i32
      %dma_start3A_241 = arith.constant 0 : i32
      %dma_start3A_242 = tpu.memref_slice %arg11[%dma_start3A_240, %dma_start3A_241] : memref<10000x128xf32, #tpu.memory_space<vmem_shared>> -> memref<10000x128xf32, #tpu.memory_space<vmem_shared>>
      tpu.enqueue_indirect_dma source(%dma_start3A_236 : memref<80x128xf32, #tpu.memory_space<vmem>>) target(%dma_start3A_242 : memref<10000x128xf32, #tpu.memory_space<vmem_shared>>) offsets(%dma_start3A_239 : memref<80xi32, #tpu.memory_space<vmem>>) semaphore(%run_scoped3A_232 : memref<!tpu.dma_semaphore, #tpu.memory_space<semaphore_mem>>) {add = true}
      %dma_wait3A_243 = arith.constant 0 : i32
      %dma_wait3A_244 = arith.constant 0 : i32
      %dma_wait3A_245 = tpu.memref_slice %arg9[%run_scoped3A_217, %dma_wait3A_243, %dma_wait3A_244] : memref<2x80x128xf32, #tpu.memory_space<vmem>> -> memref<1x80x128xf32, #tpu.memory_space<vmem>>
      %dma_wait3A_246 = tpu.memref_squeeze %dma_wait3A_245 : memref<1x80x128xf32, #tpu.memory_space<vmem>> -> memref<80x128xf32, #tpu.memory_space<vmem>>
      %dma_wait3A_247 = arith.constant 0 : i32
      %dma_wait3A_248 = tpu.memref_slice %arg8[%run_scoped3A_218, %dma_wait3A_247] : memref<4x80xi32, #tpu.memory_space<vmem>> -> memref<1x80xi32, #tpu.memory_space<vmem>>
      %dma_wait3A_249 = tpu.memref_squeeze %dma_wait3A_248 : memref<1x80xi32, #tpu.memory_space<vmem>> -> memref<80xi32, #tpu.memory_space<vmem>>
      %dma_wait3A_250 = arith.constant 0 : i32
      %dma_wait3A_251 = arith.constant 0 : i32
      %dma_wait3A_252 = tpu.memref_slice %arg11[%dma_wait3A_250, %dma_wait3A_251] : memref<10000x128xf32, #tpu.memory_space<vmem_shared>> -> memref<10000x128xf32, #tpu.memory_space<vmem_shared>>
      tpu.wait_indirect_dma semaphore(%run_scoped3A_232 : memref<!tpu.dma_semaphore, #tpu.memory_space<semaphore_mem>>) src(%dma_wait3A_246 : memref<80x128xf32, #tpu.memory_space<vmem>>) dst(%dma_wait3A_252 : memref<10000x128xf32, #tpu.memory_space<vmem_shared>>)
      tpu.yield
    }) : () -> ()
    %barrier3A_219 = arith.constant 0 : index
    tpu.barrier barrier_id(%barrier3A_219)
    %mul3A_220 = arith.constant 10000 : i32
    %mul3A_221 = arith.muli %arg0, %mul3A_220 : i32
    %mul3A_222 = arith.constant 624 : i32
    %mul3A_223 = arith.muli %arg1, %mul3A_222 : i32
    %add3A_224 = arith.addi %mul3A_221, %mul3A_223 : i32
    %mul3A_225 = arith.constant 624 : i32
    %mul3A_226 = arith.muli %arg1, %mul3A_225 : i32
    "tpu.region"() ({
      %run_scoped3A_232 = tpu.sem_alloc : memref<!tpu.dma_semaphore, #tpu.memory_space<semaphore_mem>>
      %dma_start3A_233 = arith.constant 0 : i32
      %dma_start3A_234 = tpu.memref_slice %arg6[%add3A_224, %dma_start3A_233] : memref<20000x128xf32, #tpu.memory_space<hbm>> -> memref<624x128xf32, #tpu.memory_space<hbm>>
      %dma_start3A_235 = arith.constant 0 : i32
      %dma_start3A_236 = tpu.memref_slice %arg11[%mul3A_226, %dma_start3A_235] : memref<10000x128xf32, #tpu.memory_space<vmem_shared>> -> memref<624x128xf32, #tpu.memory_space<vmem_shared>>
      tpu.enqueue_dma source(%dma_start3A_236 : memref<624x128xf32, #tpu.memory_space<vmem_shared>>) target(%dma_start3A_234 : memref<624x128xf32, #tpu.memory_space<hbm>>) target_semaphore(%run_scoped3A_232 : memref<!tpu.dma_semaphore, #tpu.memory_space<semaphore_mem>>)
      %dma_wait3A_237 = arith.constant 0 : i32
      %dma_wait3A_238 = tpu.memref_slice %arg6[%add3A_224, %dma_wait3A_237] : memref<20000x128xf32, #tpu.memory_space<hbm>> -> memref<624x128xf32, #tpu.memory_space<hbm>>
      %dma_wait3A_239 = arith.constant 0 : i32
      %dma_wait3A_240 = tpu.memref_slice %arg11[%mul3A_226, %dma_wait3A_239] : memref<10000x128xf32, #tpu.memory_space<vmem_shared>> -> memref<624x128xf32, #tpu.memory_space<vmem_shared>>
      tpu.wait_dma2 semaphore(%run_scoped3A_232 : memref<!tpu.dma_semaphore, #tpu.memory_space<semaphore_mem>>) src(%dma_wait3A_240 : memref<624x128xf32, #tpu.memory_space<vmem_shared>>) dst(%dma_wait3A_238 : memref<624x128xf32, #tpu.memory_space<hbm>>)
      tpu.yield
    }) : () -> ()
    %eq3A_227 = arith.constant 15 : i32
    %eq3A_228 = arith.cmpi eq, %arg1, %eq3A_227 : i32
    %convert_element_type3A_229 = arith.extui %eq3A_228 : i1 to i32
    %cond3A_230 = arith.constant 0 : i32
    %cond3A_231 = arith.cmpi ne, %convert_element_type3A_229, %cond3A_230 : i32
    scf.if %cond3A_231 {
      %mul3A_232 = arith.constant 10000 : i32
      %mul3A_233 = arith.muli %arg0, %mul3A_232 : i32
      %add3A_234 = arith.constant 9984 : i32
      %add3A_235 = arith.addi %mul3A_233, %add3A_234 : i32
      "tpu.region"() ({
        %run_scoped3A_236 = tpu.sem_alloc : memref<!tpu.dma_semaphore, #tpu.memory_space<semaphore_mem>>
        %dma_start3A_237 = arith.constant 0 : i32
        %dma_start3A_238 = tpu.memref_slice %arg6[%add3A_235, %dma_start3A_237] : memref<20000x128xf32, #tpu.memory_space<hbm>> -> memref<16x128xf32, #tpu.memory_space<hbm>>
        %dma_start3A_239 = arith.constant 9984 : i32
        %dma_start3A_240 = arith.constant 0 : i32
        %dma_start3A_241 = tpu.memref_slice %arg11[%dma_start3A_239, %dma_start3A_240] : memref<10000x128xf32, #tpu.memory_space<vmem_shared>> -> memref<16x128xf32, #tpu.memory_space<vmem_shared>>
        tpu.enqueue_dma source(%dma_start3A_241 : memref<16x128xf32, #tpu.memory_space<vmem_shared>>) target(%dma_start3A_238 : memref<16x128xf32, #tpu.memory_space<hbm>>) target_semaphore(%run_scoped3A_236 : memref<!tpu.dma_semaphore, #tpu.memory_space<semaphore_mem>>)
        %dma_wait3A_242 = arith.constant 0 : i32
        %dma_wait3A_243 = tpu.memref_slice %arg6[%add3A_235, %dma_wait3A_242] : memref<20000x128xf32, #tpu.memory_space<hbm>> -> memref<16x128xf32, #tpu.memory_space<hbm>>
        %dma_wait3A_244 = arith.constant 9984 : i32
        %dma_wait3A_245 = arith.constant 0 : i32
        %dma_wait3A_246 = tpu.memref_slice %arg11[%dma_wait3A_244, %dma_wait3A_245] : memref<10000x128xf32, #tpu.memory_space<vmem_shared>> -> memref<16x128xf32, #tpu.memory_space<vmem_shared>>
        tpu.wait_dma2 semaphore(%run_scoped3A_236 : memref<!tpu.dma_semaphore, #tpu.memory_space<semaphore_mem>>) src(%dma_wait3A_246 : memref<16x128xf32, #tpu.memory_space<vmem_shared>>) dst(%dma_wait3A_243 : memref<16x128xf32, #tpu.memory_space<hbm>>)
        tpu.yield
      }) : () -> ()
    } else {
    }
    return
  }
}

module attributes {stable_mosaic.version = 14 : i64} {
  func.func @_edge_mm_body(%arg0: i32, %arg1: memref<16000x16xbf16, #tpu.memory_space<vmem>>, %arg2: memref<16x128xf32, #tpu.memory_space<vmem>>, %arg3: memref<16000x64xi32, #tpu.memory_space<vmem>>) attributes {dimension_semantics = [#tpu.dimension_semantics<arbitrary>], iteration_bounds = array<i64: 20>, scalar_prefetch = 0 : i64, scratch_operands = 0 : i64, tpu.core_type = #tpu.core_type<tc>, window_params = [{transform_indices = @transform_0, window_bounds = array<i64: 16000, 16>}, {pipeline_mode = #tpu.pipeline_mode<synchronous>, transform_indices = @transform_1, window_bounds = array<i64: 16, 128>}, {transform_indices = @transform_2, window_bounds = array<i64: 16000, 64>}]} {
    %get3A = arith.constant 0 : index
    %get3A_0 = arith.constant 0 : index
    %get3A_1 = vector.load %arg2[%get3A, %get3A_0] : memref<16x128xf32, #tpu.memory_space<vmem>>, vector<16x128xf32>
    %convert_element_type3A = arith.truncf %get3A_1 : vector<16x128xf32> to vector<16x128xbf16>
    %get3A_2 = arith.constant 0 : index
    %get3A_3 = arith.constant 0 : index
    %get3A_4 = vector.load %arg1[%get3A_2, %get3A_3] : memref<16000x16xbf16, #tpu.memory_space<vmem>>, vector<16000x16xbf16>
    %dot_general3A = arith.constant dense<0.000000e+00> : vector<16000x128xf32>
    %dot_general3A_5 = tpu.matmul %get3A_4, %convert_element_type3A, %dot_general3A {dimension_numbers = #tpu.dot_dimension_numbers<[1], [0], [0], [1], [0, 0, 1, 1], [], []>, transpose_lhs_hint = false} : vector<16000x16xbf16>, vector<16x128xbf16>, vector<16000x128xf32> -> vector<16000x128xf32>
    %convert_element_type3A_6 = arith.truncf %dot_general3A_5 : vector<16000x128xf32> to vector<16000x128xbf16>
    %slice3A = vector.extract_strided_slice %convert_element_type3A_6 {offsets = [0, 0], sizes = [16000, 64], strides = [1, 1]} : vector<16000x128xbf16> to vector<16000x64xbf16>
    %bitcast_convert_type3A = tpu.bitcast %slice3A : vector<16000x64xbf16> -> vector<16000x64xi16>
    %convert_element_type3A_7 = arith.extui %bitcast_convert_type3A : vector<16000x64xi16> to vector<16000x64xi32>
    %slice3A_8 = vector.extract_strided_slice %convert_element_type3A_6 {offsets = [0, 64], sizes = [16000, 64], strides = [1, 1]} : vector<16000x128xbf16> to vector<16000x64xbf16>
    %bitcast_convert_type3A_9 = tpu.bitcast %slice3A_8 : vector<16000x64xbf16> -> vector<16000x64xi16>
    %convert_element_type3A_10 = arith.extui %bitcast_convert_type3A_9 : vector<16000x64xi16> to vector<16000x64xi32>
    %shift_left3A = arith.constant 16 : i32
    %shift_left3A_11 = vector.broadcast %shift_left3A : i32 to vector<16000x64xi32>
    %shift_left3A_12 = arith.shli %convert_element_type3A_10, %shift_left3A_11 : vector<16000x64xi32>
    %or3A = arith.ori %convert_element_type3A_7, %shift_left3A_12 : vector<16000x64xi32>
    %bitcast_convert_type3A_13 = tpu.bitcast %or3A : vector<16000x64xi32> -> vector<16000x64xi32>
    %swap3A = arith.constant 0 : index
    %swap3A_14 = arith.constant 0 : index
    %swap3A_15 = vector.load %arg3[%swap3A, %swap3A_14] : memref<16000x64xi32, #tpu.memory_space<vmem>>, vector<16000x64xi32>
    tpu.vector_store %arg3[%swap3A, %swap3A_14], %bitcast_convert_type3A_13 {strides = array<i32>} : memref<16000x64xi32, #tpu.memory_space<vmem>>, vector<16000x64xi32>,
    return
  }
  func.func @transform_0(%arg0: i32) -> (i32, i32) {
    %c0_i32 = arith.constant 0 : i32
    %c0_i32_0 = arith.constant 0 : i32
    return %arg0, %c0_i32 : i32, i32
  }
  func.func @transform_1(%arg0: i32) -> (i32, i32) {
    %c0_i32 = arith.constant 0 : i32
    %c0_i32_0 = arith.constant 0 : i32
    %c0_i32_1 = arith.constant 0 : i32
    return %c0_i32, %c0_i32_0 : i32, i32
  }
  func.func @transform_2(%arg0: i32) -> (i32, i32) {
    %c0_i32 = arith.constant 0 : i32
    %c0_i32_0 = arith.constant 0 : i32
    return %arg0, %c0_i32 : i32, i32
  }
}

module attributes {stable_mosaic.version = 14 : i64} {
  func.func @_final_body(%arg0: i32, %arg1: memref<2000x128xf32, #tpu.memory_space<vmem>>, %arg2: memref<2000x128xf32, #tpu.memory_space<vmem>>, %arg3: memref<2000x128xf32, #tpu.memory_space<vmem>>, %arg4: memref<128x128xf32, #tpu.memory_space<vmem>>, %arg5: memref<1x128xf32, #tpu.memory_space<vmem>>, %arg6: memref<2000x128xf32, #tpu.memory_space<vmem>>) attributes {dimension_semantics = [#tpu.dimension_semantics<arbitrary>], iteration_bounds = array<i64: 5>, scalar_prefetch = 0 : i64, scratch_operands = 0 : i64, tpu.core_type = #tpu.core_type<tc>, window_params = [{transform_indices = @transform_0, window_bounds = array<i64: 2000, 128>}, {transform_indices = @transform_1, window_bounds = array<i64: 2000, 128>}, {transform_indices = @transform_2, window_bounds = array<i64: 2000, 128>}, {pipeline_mode = #tpu.pipeline_mode<synchronous>, transform_indices = @transform_3, window_bounds = array<i64: 128, 128>}, {pipeline_mode = #tpu.pipeline_mode<synchronous>, transform_indices = @transform_4, window_bounds = array<i64: 1, 128>}, {transform_indices = @transform_5, window_bounds = array<i64: 2000, 128>}]} {
    %get3A = arith.constant 0 : index
    %get3A_0 = arith.constant 0 : index
    %get3A_1 = vector.load %arg1[%get3A, %get3A_0] : memref<2000x128xf32, #tpu.memory_space<vmem>>, vector<2000x128xf32>
    %mul3A = arith.constant 1.000010e+00 : f32
    %mul3A_2 = vector.broadcast %mul3A : f32 to vector<2000x128xf32>
    %mul3A_3 = arith.mulf %get3A_1, %mul3A_2 : vector<2000x128xf32>
    %get3A_4 = arith.constant 0 : index
    %get3A_5 = arith.constant 0 : index
    %get3A_6 = vector.load %arg2[%get3A_4, %get3A_5] : memref<2000x128xf32, #tpu.memory_space<vmem>>, vector<2000x128xf32>
    %add3A = arith.addf %mul3A_3, %get3A_6 : vector<2000x128xf32>
    %get3A_7 = arith.constant 0 : index
    %get3A_8 = arith.constant 0 : index
    %get3A_9 = vector.load %arg3[%get3A_7, %get3A_8] : memref<2000x128xf32, #tpu.memory_space<vmem>>, vector<2000x128xf32>
    %add3A_10 = arith.addf %add3A, %get3A_9 : vector<2000x128xf32>
    %get3A_11 = arith.constant 0 : index
    %get3A_12 = arith.constant 0 : index
    %get3A_13 = vector.load %arg4[%get3A_11, %get3A_12] : memref<128x128xf32, #tpu.memory_space<vmem>>, vector<128x128xf32>
    %dot_general3A = arith.constant dense<0.000000e+00> : vector<2000x128xf32>
    %dot_general3A_14 = tpu.matmul %add3A_10, %get3A_13, %dot_general3A {dimension_numbers = #tpu.dot_dimension_numbers<[1], [1], [0], [0], [0, 0, 1, 0], [], []>, transpose_lhs_hint = false} : vector<2000x128xf32>, vector<128x128xf32>, vector<2000x128xf32> -> vector<2000x128xf32>
    %get3A_15 = arith.constant 0 : index
    %get3A_16 = arith.constant 0 : index
    %get3A_17 = vector.load %arg5[%get3A_15, %get3A_16] : memref<1x128xf32, #tpu.memory_space<vmem>>, vector<1x128xf32>
    %add3A_18 = vector.broadcast %get3A_17 : vector<1x128xf32> to vector<2000x128xf32>
    %add3A_19 = arith.addf %dot_general3A_14, %add3A_18 : vector<2000x128xf32>
    %max3A = arith.constant 0.000000e+00 : f32
    %max3A_20 = vector.broadcast %max3A : f32 to vector<2000x128xf32>
    %max3A_21 = arith.maximumf %add3A_19, %max3A_20 : vector<2000x128xf32>
    %swap3A = arith.constant 0 : index
    %swap3A_22 = arith.constant 0 : index
    %swap3A_23 = vector.load %arg6[%swap3A, %swap3A_22] : memref<2000x128xf32, #tpu.memory_space<vmem>>, vector<2000x128xf32>
    tpu.vector_store %arg6[%swap3A, %swap3A_22], %max3A_21 {strides = array<i32>} : memref<2000x128xf32, #tpu.memory_space<vmem>>, vector<2000x128xf32>,
    return
  }
  func.func @transform_0(%arg0: i32) -> (i32, i32) {
    %c0_i32 = arith.constant 0 : i32
    %c0_i32_0 = arith.constant 0 : i32
    return %arg0, %c0_i32 : i32, i32
  }
  func.func @transform_1(%arg0: i32) -> (i32, i32) {
    %c0_i32 = arith.constant 0 : i32
    %c0_i32_0 = arith.constant 0 : i32
    return %arg0, %c0_i32 : i32, i32
  }
  func.func @transform_2(%arg0: i32) -> (i32, i32) {
    %c0_i32 = arith.constant 0 : i32
    %c0_i32_0 = arith.constant 0 : i32
    return %arg0, %c0_i32 : i32, i32
  }
  func.func @transform_3(%arg0: i32) -> (i32, i32) {
    %c0_i32 = arith.constant 0 : i32
    %c0_i32_0 = arith.constant 0 : i32
    %c0_i32_1 = arith.constant 0 : i32
    return %c0_i32, %c0_i32_0 : i32, i32
  }
  func.func @transform_4(%arg0: i32) -> (i32, i32) {
    %c0_i32 = arith.constant 0 : i32
    %c0_i32_0 = arith.constant 0 : i32
    %c0_i32_1 = arith.constant 0 : i32
    return %c0_i32, %c0_i32_0 : i32, i32
  }
  func.func @transform_5(%arg0: i32) -> (i32, i32) {
    %c0_i32 = arith.constant 0 : i32
    %c0_i32_0 = arith.constant 0 : i32
    return %arg0, %c0_i32 : i32, i32
  }
}

</mosaic_0001>

<sc_bundles>
// kernel: kernel.5.cloned.1.call-start
scs
__scs_entry_jumppad:
0x0: {  	(pc) =	sbr.rel $0x88, $3  }
0x1: {  	(tag) =	ssettag $0x0;
	lr =	simm.s32 $0x1  }
0x2: {  	[smem:$0x3F9B] =	sst lr;
	_ =	strace $0xD0000000  }
0x3: {  	_ = 	snop  }
0x4: {  	_ = 	snop  }
0x5: {  	_ = 	snop  }
0x6: {  	_ = 	snop  }
0x7: {  	_ = 	snop  }
__scs_overlays_trampoline_lowered:
0x8: {  	[smem:$0x3FAA] =	sst s0  }
0x9: {  	[smem:$0x3FAB] =	sst s1  }
0xa: {  	[smem:$0x3FAC] =	sst s2  }
0xb: {  	[smem:$0x3FAD] =	sst s3  }
0xc: {  	[smem:$0x3FAE] =	sst s4  }
0xd: {  	[smem:$0x3FAF] =	sst s5  }
0xe: {  	[smem:$0x3FB0] =	sst s6  }
0xf: {  	[smem:$0x3FB1] =	sst s7  }
0x10: {  	[smem:$0x3FB2] =	sst s8  }
0x11: {  	[smem:$0x3FB3] =	sst s9;
	s0 =	simm.s32 @!p0 $0x0  }
0x12: {  	s1 =	sld [smem:$0x3F99];
	s0 =	simm.s32 @p0 $0x1  }
0x13: {  	[smem:$0x3FB4] =	sst s0;
	s0 =	simm.s32 @!p1 $0x0  }
0x14: {  	s2 =	sld [smem:$0x3F98];
	s0 =	simm.s32 @p1 $0x1  }
0x15: {  	[smem:$0x3FB5] =	sst s0;
	s0 =	simm.s32 @!p2 $0x0  }
0x16: {  	s3 =	sld [smem:$0x3FDB];
	s0 =	simm.s32 @p2 $0x1  }
0x17: {  	s4 =	simm.s32 $0x1BF5;
	[smem:$0x3FB7] =	sst s0  }
0x18: {  	s0 =	sld [smem:$0x3F9A];
	_ =	swait.ge [sflag:s4], $0x0  }
0x19: {  	s7 =	sld [smem:$0x3F9B]  }
0x1a: {  	s8 =	sadd.s32 $0xFFFFE003, lr  }
0x1b: {  	s9 =	sadd.s32 $0xFFFFFEF7, lr;
	s5 =	simm.s32 $0xFFFFFFFF;
	p2 =	slt.u32 s8, $0xFFFFF086  }
0x1c: {  	p1 =	slt.u32 s9, $0xF7A;
	s5 =	simm.s32 @!p2 $0x0  }
0x1d: {  	s5 =	simm.s32 @p1 $0x1;
	p0 =	seq.s32 s7, s2  }
0x1e: {  	s7 =	smul.u32 @!p0 $0xF7A, s2;
	p2 =	seq.s32 @!p0 s5, $0x0  }
0x1f: {  	s9 =	smul.u32 $0xF7A, s1;
	s8 =	simm.s32 @!p0 $0x1BF5;
	p2 =	por !p2, p0  }
0x20: {  	[sflag:s8] =	ssyncset.s32 @!p0 $0xFFFFF086;
	s6 =	sadd.s32 @!p0 s3, s7;
	s7 =	simm.s32 @!p0 $0x108  }
0x21: {  	s3 =	sadd.s32 s3, s9;
	s6 =	sadd.s32 @!p0 $0x88, s6;
	s7 =	simm.s32 @p2 $0x1082  }
0x22: {  	[simem:s7], [sflag:s8] =	dma.local @!p0 [hbm:s6], $0xF7A  }
0x23: {  	s9 =	sor.u32 $0xD0000000, s2;
	s6 =	simm.s32 $0x108;
	_ =	swait.ge @!p0 [sflag:s8], $0x0  }
0x24: {  	s3 =	sadd.s32 $0x88, s3;
	s6 =	simm.s32 @!p1 $0x1082;
	[sflag:s4] =	ssyncset.s32 $0xFFFFF086  }
0x25: {  	[simem:s6], [sflag:s4] =	dma.local [hbm:s3], $0xF7A  }
0x26: {  	[smem:$0x3F9B] =	sst s1;
	(tag) =	ssettag s2;
	_ =	strace s9  }
0x27: {  	s1 =	sld [smem:$0x3FAB]  }
0x28: {  	s2 =	sld [smem:$0x3FAC]  }
0x29: {  	s4 =	sld [smem:$0x3FAE]  }
0x2a: {  	p0 =	seq.s32 s5, $0x0;
	s5 =	sld [smem:$0x3FAF]  }
0x2b: {  	s6 =	sld [smem:$0x3FB0]  }
0x2c: {  	s7 =	sld [smem:$0x3FB1]  }
0x2d: {  	s3 =	simm.s32 $0x108;
	s8 =	sld [smem:$0x3FB2]  }
0x2e: {  	s3 =	simm.s32 @!p0 $0x1082;
	s9 =	sld [smem:$0x3FB3]  }
0x2f: {  	lr =	sadd.s32 s0, s3;
	s0 =	sld [smem:$0x3FAA]  }
0x30: {  	s3 =	sld [smem:$0x3FAD]  }
0x31: {  	[smem:$0x3FB6] =	sst s10  }
0x32: {  	s10 =	sld [smem:$0x3FB4];
	_ =	sdelay $0x3  }
0x33: {  	p0 =	seq.s32 s10, $0x1;
	s10 =	sld [smem:$0x3FB6];
	_ =	sdelay $0x3  }
0x34: {  	[smem:$0x3FB6] =	sst s10  }
0x35: {  	s10 =	sld [smem:$0x3FB5];
	_ =	sdelay $0x3  }
0x36: {  	p1 =	seq.s32 s10, $0x1;
	s10 =	sld [smem:$0x3FB6];
	_ =	sdelay $0x3  }
0x37: {  	[smem:$0x3FB6] =	sst s10  }
0x38: {  	s10 =	sld [smem:$0x3FB7]  }
0x39: {  	_ = 	snop;
	(pc) =	sbr.ind lr, $3  }
0x3a: {  	_ = 	snop  }
0x3b: {  	_ = 	snop  }
0x3c: {  	p2 =	seq.s32 s10, $0x1;
	s10 =	sld [smem:$0x3FB6]  }
0x3d: {  	_ =	shalt  }
0x3e: {  	_ =	shalt  }
0x3f: {  	_ =	shalt  }
0x40: {  	_ =	shalt  }
0x41: {  	_ =	shalt  }
0x42: {  	_ =	shalt  }
0x43: {  	_ =	shalt  }
0x44: {  	_ =	shalt  }
0x45: {  	_ =	shalt  }
0x46: {  	_ =	shalt  }
0x47: {  	_ =	shalt  }
0x48: {  	_ =	shalt  }
0x49: {  	_ =	shalt  }
0x4a: {  	_ =	shalt  }
0x4b: {  	_ =	shalt  }
0x4c: {  	_ =	shalt  }
0x4d: {  	_ =	shalt  }
0x4e: {  	_ =	shalt  }
0x4f: {  	_ =	shalt  }
0x50: {  	_ =	shalt  }
0x51: {  	_ =	shalt  }
0x52: {  	_ =	shalt  }
0x53: {  	_ =	shalt  }
0x54: {  	_ =	shalt  }
0x55: {  	_ =	shalt  }
0x56: {  	_ =	shalt  }
0x57: {  	_ =	shalt  }
0x58: {  	_ =	shalt  }
0x59: {  	_ =	shalt  }
0x5a: {  	_ =	shalt  }
0x5b: {  	_ =	shalt  }
0x5c: {  	_ =	shalt  }
0x5d: {  	_ =	shalt  }
0x5e: {  	_ =	shalt  }
0x5f: {  	_ =	shalt  }
0x60: {  	_ =	shalt  }
0x61: {  	_ =	shalt  }
0x62: {  	_ =	shalt  }
0x63: {  	_ =	shalt  }
0x64: {  	_ =	shalt  }
0x65: {  	_ =	shalt  }
0x66: {  	_ =	shalt  }
0x67: {  	_ =	shalt  }
0x68: {  	_ =	shalt  }
0x69: {  	_ =	shalt  }
0x6a: {  	_ =	shalt  }
0x6b: {  	_ =	shalt  }
0x6c: {  	_ =	shalt  }
0x6d: {  	_ =	shalt  }
0x6e: {  	_ =	shalt  }
0x6f: {  	_ =	shalt  }
0x70: {  	_ =	shalt  }
0x71: {  	_ =	shalt  }
0x72: {  	_ =	shalt  }
0x73: {  	_ =	shalt  }
0x74: {  	_ =	shalt  }
0x75: {  	_ =	shalt  }
0x76: {  	_ =	shalt  }
0x77: {  	_ =	shalt  }
0x78: {  	_ =	shalt  }
0x79: {  	_ =	shalt  }
0x7a: {  	_ =	shalt  }
0x7b: {  	_ =	shalt  }
0x7c: {  	_ =	shalt  }
0x7d: {  	_ =	shalt  }
0x7e: {  	_ =	shalt  }
0x7f: {  	_ =	shalt  }
0x80: {  	_ =	shalt  }
0x81: {  	_ =	shalt  }
0x82: {  	_ =	shalt  }
0x83: {  	_ =	shalt  }
0x84: {  	_ =	shalt  }
0x85: {  	_ =	shalt  }
0x86: {  	_ =	shalt  }
0x87: {  	_ =	shalt  }
.Lfunc_end0:
.L_simem_size_0:
called_computation_lowered:
.L_overlay_start_0:
0x88: {  	s2 =	sld [smem:$0x3FD9]  }
0x89: {  	s3 =	sld [smem:$0x3FFE];
	_ =	sdelay $0x1  }
0x8a: {  	s1 =	srdreg.scid  }
0x8b: {  	s0 =	sand.u32 $0x1, s1  }
0x8c: {  	s17 =	sshll.u32 s0, $0xA;
	s2 =	sadd.s32 s3, s2  }
0x8d: {  	s2 =	sadd.s32 s2, s17  }
0x8e: {  	[smem:$0x3FC2] =	sst s2  }
0x8f: {  	_ = 	snop  }
0x90: {  	s2 =	sld [smem:$0x3FC9]  }
0x91: {  	s18 =	sld [smem:$0x3FD0];
	(tm) =	ssettm $0x1  }
0x92: {  	s4 =	sld [smem:$0x3FFB];
	_ =	sdelay $0x3  }
0x93: {  	_ =	strace s4  }
0x94: {  	s4 =	sld [smem:$0x3FFC];
	_ =	sdelay $0x3  }
0x95: {  	_ =	strace s4  }
0x96: {  	s4 =	sld [smem:$0x3FFD];
	_ =	sdelay $0x3  }
0x97: {  	_ =	strace s4  }
0x98: {  	_ =	strace $0x8FFFFFFF  }
0x99: {  	s19 =	sld [smem:$0x3FDB];
	_ =	sdelay $0x1  }
0x9a: {  	s5 =	simm.s32 $_scs_section_size  }
0x9b: {  	s6 =	simm.s32 $_size__tile_overlayer_lowered;
	s7 =	simm.s32 $_tile_overlayer_lowered  }
0x9c: {  	s22 =	simm.s32 $0x1BFF;
	s21 =	sshll.u32 s7, $0x1;
	s4 =	sadd.s32 s5, s19  }
0x9d: {  	s8 =	simm.s32 $0x0;
	s20 =	sshll.u32 s6, $0x1;
	s6 =	sadd.s32 s21, s4  }
0x9e: {  	[timem:s8], [sflag:s22] =	dma.local [hbm:s6], s20  }
0x9f: {  	_ =	swait.ge [sflag:s22], s20  }
0xa0: {  	s5 =	ssub.s32 $0x0, s20;
	[sflag:s22] =	ssyncset.done $0x0  }
0xa1: {  	[sflag:s22] =	ssyncadd.s32 s5;
	_ =	sdelay $0x1  }
0xa2: {  	s23 =	simm.s32 $0x1B8B  }
0xa3: {  	_ =	swait.ge [sflag:s23], $0x1  }
0xa4: {  	[sflag:s23] =	ssyncset.done $0x0  }
0xa5: {  	s25 =	simm.s32 $0x1B8E;
	s24 =	sld [smem:$0x3FFE];
	[sflag:s23] =	ssyncadd.s32 $0xFFFFFFFF  }
0xa6: {  	s26 =	simm.s32 $execute0_lowered;
	[smem:$0x3FD2] =	sst s25  }
0xa7: {  	s6 =	sshll.u32 s26, $0x1;
	_ =	strace $0x80000046;
	[dreg:$0x1] =	wrdreg $0xFFFFFFFF  }
0xa8: {  	s28 =	simm.s32 $_size_execute0_lowered;
	s4 =	sadd.s32 s4, s6;
	[dreg:$0x0] =	wrdreg $0x0  }
0xa9: {  	s6 =	sshll.u32 s28, $0x1;
	[dreg:$0x2] =	wrdreg s4  }
0xaa: {  	[dreg:$0x3] =	wrdreg s6  }
0xab: {  	[dreg:$0x4] =	wrdreg $0xC0  }
0xac: {  	_ =	task [dreg:s8], $0x5FFFF  }
0xad: {  	[dreg:$0x1] =	wrdreg $0xFFFFFFFF  }
0xae: {  	[dreg:$0x0] =	wrdreg $0x60  }
0xaf: {  	[dreg:$0x2] =	wrdreg s2  }
0xb0: {  	[dreg:$0x3] =	wrdreg s24  }
0xb1: {  	[dreg:$0x4] =	wrdreg s18  }
0xb2: {  	[dreg:$0x5] =	wrdreg $0xA4000  }
0xb3: {  	[dreg:$0x6] =	wrdreg $0x9  }
0xb4: {  	_ =	task.clear_ibuf [dreg:s8], $0x7FFFF;
	_ =	strace $0x90000046  }
0xb5: {  	s29 =	simm.s32 $0x9;
	_ =	strace $0x80000048  }
0xb6: {  	_ =	swait.ge [sflag:s29], $0x1  }
0xb7: {  	[sflag:s29] =	ssyncadd.s32 $0xFFFFFFFF  }
0xb8: {  	_ =	strace $0x90000048  }
0xb9: {  	_ =	sfence  }
0xba: {  	s30 =	sld [smem:$0x0];
	_ =	sdelay $0x2  }
0xbb: {  	s31 =	sshll.u32 s1, $0xD;
	s1 =	sshrl.u32 s1, $0x2  }
0xbc: {  	s3 =	sand.u32 $0x4000, s31;
	s1 =	sadd.s32 s1, s30  }
0xbd: {  	s0 =	sor.u32 s3, s0;
	s1 =	sshll.u32 s1, $0x11  }
0xbe: {  	s0 =	sor.u32 s1, s0  }
0xbf: {  	s0 =	sadd.s32 $0x8F2B, s0  }
0xc0: {  	[sflag:s0] =	ssyncadd.remote.s32 $0x1  }
0xc1: {  	_ =	sfence.sel $0xFFFF  }
0xc2: {  	[dreg:$0x0] =	wrdreg $0xFFFFFFFF;
	(pc) =	sbr.abs _section_cstart, $3  }
0xc3: {  	[dreg:$0x1] =	wrdreg $0xFFFFFFFF  }
0xc4: {  	_ =	task.clear_ibuf [dreg:s8], $0x2FFFF;
	_ =	strace $0x9FFFFFFF  }
0xc5: {  	(tm) =	ssettm $0x7FFFFFFF  }
tec
execute0_lowered:
.L_overlay_start_1:
0x0: {  	(tag) =	ssettag $0x1  }
0x1: {  	s1 =	rddreg [dreg:$0x0]  }
0x2: {  	s0 =	rddreg [dreg:$0x1]  }
0x3: {  	s2 =	rddreg [dreg:$0x2]  }
0x4: {  	s3 =	rddreg [dreg:$0x3];
	s5 =	simm.s32 $0x0  }
0x5: {  	s4 =	srdreg.scid;
	s16 =	stileid.u32;
	s28 =	simm.s32 $0x400  }
0x6: {  	s29 =	simm.s32 $0x5;
	[smem:$0x7FF] =	sst s5;
	s4 =	sand.u32 $0x1, s4  }
0x7: {  	s8 =	smul.u32 $0x4E000, s16;
	s6 =	sadd.s32 $0x400, s0;
	s7 =	sadd.s32 $0x27B200, s0  }
0x8: {  	s0 =	sadd.s32 $0xA200, s0;
	s17 =	sshll.u32 s16, $0x1;
	s11 =	smul.u32 $0x2700, s16  }
0x9: {  	p0 =	sne.s32 s16, $0xF;
	s16 =	simm.s32 $0x0;
	s8 =	sshrl.u32 s8, $0x2  }
0xa: {  	_ =	strace $0x80000047;
	s9 =	ssub.s32 $0x2, s4;
	s8 =	sadd.s32 s8, s3  }
0xb: {  	s14 =	smul.u32 $0x27100, s4;
	s10 =	sshrl.u32 s9, $0x1;
	s12 =	sadd.s32 $0x2800, s8  }
0xc: {  	s9 =	ssub.s32 s9, s10;
	s18 =	sadd.s32 $0x5000, s8;
	[dreg:$0x5] =	wrdreg s12  }
0xd: {  	s10 =	sor.u32 s4, s17;
	s19 =	sadd.s32 $0x7800, s8;
	[dreg:$0x6] =	wrdreg s18  }
0xe: {  	s4 =	smul.u32 $0x138800, s4;
	s13 =	sadd.s32 $0xA000, s8;
	[dreg:$0x7] =	wrdreg s19  }
0xf: {  	s11 =	sadd.s32 s11, s14;
	s20 =	sadd.s32 $0xC800, s8;
	[dreg:$0x8] =	wrdreg s13  }
0x10: {  	s14 =	simm.s32 $0x1;
	s21 =	sadd.s32 $0xF000, s8;
	[dreg:$0x9] =	wrdreg s20  }
0x11: {  	s22 =	sadd.s32 $0x11800, s8;
	s12 =	smul.u32 $0x2710, s10;
	[dreg:$0xa] =	wrdreg s21  }
0x12: {  	s11 =	sadd.s32 s0, s11;
	[dreg:$0xb] =	wrdreg s22;
	s10 =	smul.u32 $0x27100, s10  }
0x13: {  	[dreg:$0xe] =	wrdreg s11;
	s4 =	sshrl.u32 s4, $0x3;
	s20 =	simm.s32 $0x200  }
0x14: {  	s11 =	simm.s32 $0x2C00;
	s0 =	sadd.s32 s0, s4;
	s23 =	sshrl.u32 s12, $0x3  }
0x15: {  	s24 =	sadd.s32 $0x50, s12;
	s10 =	sadd.s32 s7, s10;
	s15 =	sadd.s32 s6, s23  }
0x16: {  	s13 =	sadd.s32 s2, s23;
	s25 =	sshrl.u32 s24, $0x3;
	[dreg:$0x11] =	wrdreg s10  }
0x17: {  	s30 =	sshll.u32 s24, $0x4;
	s24 =	sadd.s32 $0x27000, s0;
	[dreg:$0xc] =	wrdreg s15  }
0x18: {  	s0 =	simm.s32 $0x4;
	s10 =	simm.s32 $0x7C00;
	[dreg:$0xd] =	wrdreg s13  }
0x19: {  	s26 =	sadd.s32 s6, s25;
	s31 =	sadd.s32 s2, s25;
	s4 =	sadd.s32 s7, s30  }
0x1a: {  	s25 =	smax.u32 s9, $0x1;
	s9 =	simm.s32 $0x50;
	[dreg:$0xf] =	wrdreg s26  }
0x1b: {  	s13 =	simm.s32 $0x2;
	s15 =	simm.s32 $0x3;
	[dreg:$0x10] =	wrdreg s31  }
0x1c: {  	v0 =	vimm.f32 $0.0e+00;
	[dreg:$0x12] =	wrdreg s4;
	s26 =	sadd.s32 $0x138000, s3;
	s4 =	simm.s32 $0x5400  }
.LBB2_1:
0x1d: {  	s17 =	simm.s32 $0x0;
	s18 =	simm.s32 $0x200  }
.LBB2_2:
0x1e: {  	p1 =	sne.s32 s18, $0x9E00;
	[tilespmem:s17+$0x470] =	vst v0  }
0x1f: {  	[tilespmem:s17+$0x400] =	vst v0  }
0x20: {  	[tilespmem:s17+$0x410] =	vst v0  }
.Ltmp0:
0x21: {  	[tilespmem:s17+$0x420] =	vst v0;
	(pc) =	sbr.rel @p1 .LBB2_2-.Ltmp0, $4  }
0x22: {  	[tilespmem:s17+$0x430] =	vst v0  }
0x23: {  	[tilespmem:s17+$0x440] =	vst v0  }
0x24: {  	[tilespmem:s17+$0x450] =	vst v0  }
0x25: {  	[tilespmem:s17+$0x460] =	vst v0;
	s17 =	sshra.s32 s18, $0x2;
	s18 =	sadd.s32 $0x200, s18  }
0x26: {  	[tilespmem:s17+$0x470] =	vst v0  }
0x27: {  	[tilespmem:s17+$0x400] =	vst v0  }
0x28: {  	[tilespmem:s17+$0x410] =	vst v0  }
0x29: {  	[tilespmem:s17+$0x420] =	vst v0  }
0x2a: {  	[tilespmem:s17+$0x430] =	vst v0  }
0x2b: {  	[tilespmem:s17+$0x440] =	vst v0  }
0x2c: {  	[tilespmem:s17+$0x450] =	vst v0  }
0x2d: {  	[tilespmem:s17+$0x460] =	vst v0  }
0x2e: {  	[spmem:s8] =	stream.linear.scatter [tilespmem:s28], [sflag:$0x5], $0x2800, $0x38;
	[tilespmem:$0x1DC80] =	vst v63  }
0x2f: {  	_ =	swait.ge [sflag:s29], $0x2800  }
0x30: {  	[sflag:s29] =	ssyncset.done $0x0  }
0x31: {  	s19 =	rddreg [dreg:$0x5];
	[sflag:s29] =	ssyncadd.s32 $0xFFFFD800  }
0x32: {  	[spmem:s19] =	stream.linear.scatter [tilespmem:s28], [sflag:$0x5], $0x2800, $0x38;
	[tilespmem:$0x1DC80] =	vst v63  }
0x33: {  	_ =	swait.ge [sflag:s29], $0x2800  }
0x34: {  	[sflag:s29] =	ssyncset.done $0x0  }
0x35: {  	s21 =	rddreg [dreg:$0x6];
	[sflag:s29] =	ssyncadd.s32 $0xFFFFD800  }
0x36: {  	[spmem:s21] =	stream.linear.scatter [tilespmem:s28], [sflag:$0x5], $0x2800, $0x38;
	[tilespmem:$0x1DC80] =	vst v63  }
0x37: {  	_ =	swait.ge [sflag:s29], $0x2800  }
0x38: {  	[sflag:s29] =	ssyncset.done $0x0  }
0x39: {  	s22 =	rddreg [dreg:$0x7];
	[sflag:s29] =	ssyncadd.s32 $0xFFFFD800  }
0x3a: {  	[spmem:s22] =	stream.linear.scatter [tilespmem:s28], [sflag:$0x5], $0x2800, $0x38;
	[tilespmem:$0x1DC80] =	vst v63  }
0x3b: {  	_ =	swait.ge [sflag:s29], $0x2800  }
0x3c: {  	[sflag:s29] =	ssyncset.done $0x0  }
0x3d: {  	s23 =	rddreg [dreg:$0x8];
	[sflag:s29] =	ssyncadd.s32 $0xFFFFD800  }
0x3e: {  	[spmem:s23] =	stream.linear.scatter [tilespmem:s28], [sflag:$0x5], $0x2800, $0x38;
	[tilespmem:$0x1DC80] =	vst v63  }
0x3f: {  	_ =	swait.ge [sflag:s29], $0x2800  }
0x40: {  	[sflag:s29] =	ssyncset.done $0x0  }
0x41: {  	s30 =	rddreg [dreg:$0x9];
	[sflag:s29] =	ssyncadd.s32 $0xFFFFD800  }
0x42: {  	[spmem:s30] =	stream.linear.scatter [tilespmem:s28], [sflag:$0x5], $0x2800, $0x38;
	[tilespmem:$0x1DC80] =	vst v63  }
0x43: {  	_ =	swait.ge [sflag:s29], $0x2800  }
0x44: {  	[sflag:s29] =	ssyncset.done $0x0  }
0x45: {  	s31 =	rddreg [dreg:$0xa];
	[sflag:s29] =	ssyncadd.s32 $0xFFFFD800  }
0x46: {  	[spmem:s31] =	stream.linear.scatter [tilespmem:s28], [sflag:$0x5], $0x2800, $0x38;
	[tilespmem:$0x1DC80] =	vst v63  }
0x47: {  	_ =	swait.ge [sflag:s29], $0x2800  }
0x48: {  	[sflag:s29] =	ssyncset.done $0x0  }
0x49: {  	s18 =	rddreg [dreg:$0xb];
	[sflag:s29] =	ssyncadd.s32 $0xFFFFD800  }
0x4a: {  	[spmem:s18] =	stream.linear.scatter [tilespmem:s28], [sflag:$0x5], $0x2000, $0x38;
	[tilespmem:$0x1DC80] =	vst v63  }
0x4b: {  	_ =	swait.ge [sflag:s29], $0x2000  }
0x4c: {  	[sflag:s29] =	ssyncset.done $0x0  }
0x4d: {  	s17 =	simm.s32 @!p0 $0x400;
	[sflag:s29] =	ssyncadd.s32 $0xFFFFE000  }
0x4e: {  	[spmem:s26] =	stream.linear.scatter @!p0 [tilespmem:s17], [sflag:$0x5], $0x800, $0x38;
	[tilespmem:$0x1DC80] =	vst v63  }
0x4f: {  	s17 =	simm.s32 @!p0 $0x5  }
0x50: {  	_ =	swait.ge @!p0 [sflag:s17], $0x800  }
0x51: {  	[sflag:s17] =	ssyncset.done @!p0 $0x0  }
0x52: {  	[sflag:s17] =	ssyncadd.s32 @!p0 $0xFFFFF800  }
0x53: {  	[bflag:$0x0] =	sbarrier.arrive $0xFFFF  }
0x54: {  	s17 =	simm.s32 $0x0;
	s18 =	rddreg [dreg:$0xc]  }
0x55: {  	[tilespmem:s17], [sflag:$0x4] =	stream.linear.gather [hbm4b:s18+s17], $0x50, $0x38;
	[tilespmem:$0x1DC80] =	vst v63  }
0x56: {  	s19 =	rddreg [dreg:$0xd]  }
0x57: {  	[tilespmem:s20], [sflag:$0x4] =	stream.linear.gather [hbm4b:s19+s17], $0x50, $0x38;
	[tilespmem:$0x1DC80] =	vst v63  }
0x58: {  	s21 =	rddreg [dreg:$0xf];
	s19 =	simm.s32 $0x80  }
0x59: {  	[tilespmem:s19], [sflag:$0x4] =	stream.linear.gather [hbm4b:s21+s17], $0x50, $0x38;
	[tilespmem:$0x1DC80] =	vst v63  }
0x5a: {  	s23 =	simm.s32 $0x280;
	s22 =	rddreg [dreg:$0x10]  }
0x5b: {  	[tilespmem:s23], [sflag:$0x4] =	stream.linear.gather [hbm4b:s22+s17], $0x50, $0x38;
	[tilespmem:$0x1DC80] =	vst v63  }
0x5c: {  	_ =	swait.ge [sflag:s0], $0x50  }
0x5d: {  	[sflag:s0] =	ssyncset.done $0x0  }
0x5e: {  	[sflag:s0] =	ssyncadd.s32 $0xFFFFFFB0  }
0x5f: {  	_ =	swait.ge [sflag:s0], $0x50  }
0x60: {  	[sflag:s0] =	ssyncset.done $0x0  }
0x61: {  	[sflag:s0] =	ssyncadd.s32 $0xFFFFFFB0  }
0x62: {  	_ =	swait.ge [sflag:s0], $0x50  }
0x63: {  	[sflag:s0] =	ssyncset.done $0x0  }
0x64: {  	[sflag:s0] =	ssyncadd.s32 $0xFFFFFFB0  }
0x65: {  	_ =	swait.ge [sflag:s0], $0x50  }
0x66: {  	[sflag:s0] =	ssyncset.done $0x0  }
0x67: {  	s30 =	rddreg [dreg:$0x11];
	[sflag:s0] =	ssyncadd.s32 $0xFFFFFFB0  }
0x68: {  	[tilespmem:s4], [sflag:$0x2] =	stream.linear.gather [hbm4b:s30+s17], $0x2800, $0x38;
	[tilespmem:$0x1DC80] =	vst v63  }
0x69: {  	_ = 	snop  }
0x6a: {  	[tilespmem:s28], [sflag:$0x1] =	stream.indirect.gather [hbm4b:s1+s9], $0x80, s17, s9, $0xb8;
	[tilespmem:$0x1DC80] =	vst v63  }
0x6b: {  	s31 =	rddreg [dreg:$0x12]  }
0x6c: {  	[tilespmem:s10], [sflag:$0x2] =	stream.linear.gather [hbm4b:s31+s17], $0x2800, $0x38;
	[tilespmem:$0x1DC80] =	vst v63  }
0x6d: {  	_ = 	snop  }
0x6e: {  	[tilespmem:s11], [sflag:$0x1] =	stream.indirect.gather [hbm4b:s1+s9], $0x80, s19, s9, $0xb8;
	[tilespmem:$0x1DC80] =	vst v63  }
.LBB2_4:
0x6f: {  	s18 =	sshll.u32 s17, $0x1  }
0x70: {  	s19 =	sadd.s32 $0x2, s18  }
0x71: {  	s20 =	smul.u32 $0x50, s19;
	_ =	sdelay $0x1  }
0x72: {  	s31 =	sadd.s32 s12, s20  }
0x73: {  	p1 =	seq.s32 s17, $0x3D;
	s19 =	sshll.u32 s19, $0x7;
	s20 =	sshrl.u32 s31, $0x3  }
0x74: {  	s30 =	sand.u32 $0x100, s19;
	s19 =	sadd.s32 $0x3, s18;
	s22 =	sadd.s32 s6, s20  }
0x75: {  	[tilespmem:s30], [sflag:$0x4] =	stream.linear.gather [hbm4b:s22+s5], $0x50, $0x38;
	[tilespmem:$0x1DC80] =	vst v63  }
0x76: {  	s23 =	sor.u32 $0x200, s30;
	s21 =	smul.u32 @!p1 $0x50, s19;
	s20 =	sadd.s32 s2, s20  }
0x77: {  	[tilespmem:s23], [sflag:$0x4] =	stream.linear.gather [hbm4b:s20+s5], $0x50, $0x38;
	[tilespmem:$0x1DC80] =	vst v63  }
0x78: {  	s20 =	sadd.s32 @!p1 s12, s21  }
0x79: {  	s18 =	sand.u32 $0x3, s19;
	s20 =	sshrl.u32 @!p1 s20, $0x3  }
0x7a: {  	s21 =	sshll.u32 @!p1 s18, $0x7;
	s23 =	simm.s32 @!p1 $0x0;
	s22 =	sadd.s32 @!p1 s6, s20  }
0x7b: {  	[tilespmem:s21], [sflag:$0x4] =	stream.linear.gather @!p1 [hbm4b:s22+s23], $0x50, $0x38;
	[tilespmem:$0x1DC80] =	vst v63  }
0x7c: {  	s20 =	sadd.s32 @!p1 s2, s20;
	s21 =	sor.u32 @!p1 $0x200, s21  }
0x7d: {  	[tilespmem:s21], [sflag:$0x4] =	stream.linear.gather @!p1 [hbm4b:s20+s23], $0x50, $0x38;
	[tilespmem:$0x1DC80] =	vst v63  }
0x7e: {  	_ =	swait.ge [sflag:s13], $0x2800  }
0x7f: {  	[sflag:s13] =	ssyncset.done $0x0  }
0x80: {  	[sflag:s13] =	ssyncadd.s32 $0xFFFFD800  }
0x81: {  	_ =	swait.ge [sflag:s14], $0x2800  }
0x82: {  	[sflag:s14] =	ssyncset.done $0x0  }
0x83: {  	s21 =	simm.s32 $0x0;
	[sflag:s14] =	ssyncadd.s32 $0xFFFFD800  }
0x84: {  	v4 =	vld [tilespmem:s21+$0x5400]  }
0x85: {  	v5 =	vld [tilespmem:s21+$0x5410]  }
0x86: {  	v6 =	vld [tilespmem:s21+$0x5420]  }
0x87: {  	v8 =	vld [tilespmem:s21+$0x5430]  }
0x88: {  	v7 =	vld [tilespmem:s21+$0x400]  }
0x89: {  	v10 =	vld [tilespmem:s21+$0x5480]  }
0x8a: {  	v3 =	vld [tilespmem:s21+$0x5490]  }
0x8b: {  	v9 =	vld [tilespmem:s21+$0x410]  }
0x8c: {  	v11 =	vld [tilespmem:s21+$0x420];
	v13 =	vunpack.i.l.bf16.f32 v4  }
0x8d: {  	v2 =	vld [tilespmem:s21+$0x54A0];
	v7 =	vadd.f32 v7, v13  }
0x8e: {  	v12 =	vld [tilespmem:s21+$0x430]  }
0x8f: {  	v14 =	vld [tilespmem:s21+$0x440];
	v4 =	vunpack.i.u.bf16.f32 v4;
	v7 =	vmax.f32 v7, $0.0e+00  }
0x90: {  	v1 =	vld [tilespmem:s21+$0x54B0];
	v4 =	vadd.f32 v9, v4;
	[tilespmem:s21+$0x400] =	vst v7;
	v7 =	vunpack.i.l.bf16.f32 v5  }
0x91: {  	v13 =	vld [tilespmem:s21+$0x450];
	v7 =	vadd.f32 v11, v7  }
0x92: {  	v15 =	vld [tilespmem:s21+$0x460];
	v4 =	vmax.f32 v4, $0.0e+00;
	v5 =	vunpack.i.u.bf16.f32 v5  }
0x93: {  	v9 =	vld [tilespmem:s21+$0x470];
	[tilespmem:s21+$0x410] =	vst v4;
	v4 =	vadd.f32 v12, v5;
	v11 =	vunpack.i.l.bf16.f32 v6;
	v5 =	vmax.f32 v7, $0.0e+00  }
0x94: {  	v16 =	vld [tilespmem:s21+$0x480];
	[tilespmem:s21+$0x420] =	vst v5;
	v5 =	vadd.f32 v14, v11  }
0x95: {  	v6 =	vunpack.i.u.bf16.f32 v6;
	v7 =	vld [tilespmem:s21+$0x490];
	v11 =	vmax.f32 v4, $0.0e+00  }
0x96: {  	v12 =	vunpack.i.l.bf16.f32 v8;
	v6 =	vadd.f32 v13, v6;
	v4 =	vld [tilespmem:s21+$0x4A0];
	[tilespmem:s21+$0x430] =	vst v11;
	v11 =	vmax.f32 v5, $0.0e+00  }
0x97: {  	v8 =	vunpack.i.u.bf16.f32 v8;
	v5 =	vld [tilespmem:s21+$0x4B0];
	[tilespmem:s21+$0x440] =	vst v11;
	v11 =	vadd.f32 v15, v12  }
0x98: {  	v9 =	vadd.f32 v9, v8;
	v8 =	vunpack.i.l.bf16.f32 v10;
	v12 =	vmax.f32 v6, $0.0e+00;
	v6 =	vld [tilespmem:s21+$0x4C0]  }
0x99: {  	s20 =	simm.s32 $0x400;
	[tilespmem:s21+$0x450] =	vst v12;
	v12 =	vmax.f32 v11, $0.0e+00;
	v11 =	vunpack.i.u.bf16.f32 v10;
	v10 =	vadd.f32 v16, v8;
	v8 =	vld [tilespmem:s21+$0x4D0]  }
.LBB2_5:
0x9a: {  	p2 =	sne.s32 s20, $0x9C00;
	[tilespmem:s21+$0x460] =	vst v12;
	v9 =	vmax.f32 v9, $0.0e+00;
	v7 =	vadd.f32 v7, v11;
	v11 =	vunpack.i.l.bf16.f32 v3;
	v12 =	vld [tilespmem:s21+$0x4E0]  }
0x9b: {  	s22 =	sshra.s32 s20, $0x2;
	v3 =	vunpack.i.u.bf16.f32 v3;
	[tilespmem:s21+$0x470] =	vst v9;
	v9 =	vmax.f32 v10, $0.0e+00;
	v4 =	vadd.f32 v4, v11;
	v10 =	vld [tilespmem:s21+$0x4F0]  }
0x9c: {  	v11 =	vld [tilespmem:s22+$0x5400];
	[tilespmem:s21+$0x480] =	vst v9;
	v7 =	vmax.f32 v7, $0.0e+00;
	v3 =	vadd.f32 v5, v3;
	v5 =	vunpack.i.l.bf16.f32 v2  }
0x9d: {  	v2 =	vunpack.i.u.bf16.f32 v2;
	v9 =	vld [tilespmem:s22+$0x5410];
	[tilespmem:s21+$0x490] =	vst v7;
	v4 =	vmax.f32 v4, $0.0e+00;
	v5 =	vadd.f32 v6, v5  }
0x9e: {  	v6 =	vld [tilespmem:s22+$0x5420];
	[tilespmem:s21+$0x4A0] =	vst v4;
	v3 =	vmax.f32 v3, $0.0e+00;
	v2 =	vadd.f32 v8, v2;
	v4 =	vunpack.i.l.bf16.f32 v1  }
0x9f: {  	v1 =	vunpack.i.u.bf16.f32 v1;
	v8 =	vld [tilespmem:s22+$0x5430];
	[tilespmem:s21+$0x4B0] =	vst v3;
	v3 =	vmax.f32 v5, $0.0e+00;
	v4 =	vadd.f32 v12, v4  }
0xa0: {  	v13 =	vld [tilespmem:s22+$0x5480];
	[tilespmem:s21+$0x4C0] =	vst v3;
	v2 =	vmax.f32 v2, $0.0e+00;
	v1 =	vadd.f32 v10, v1  }
0xa1: {  	v3 =	vld [tilespmem:s22+$0x5490];
	[tilespmem:s21+$0x4D0] =	vst v2;
	v4 =	vmax.f32 v4, $0.0e+00  }
0xa2: {  	v2 =	vld [tilespmem:s22+$0x54A0];
	[tilespmem:s21+$0x4E0] =	vst v4;
	v4 =	vmax.f32 v1, $0.0e+00  }
0xa3: {  	v1 =	vld [tilespmem:s22+$0x54B0];
	[tilespmem:s21+$0x4F0] =	vst v4;
	s21 =	smov.u32 s22  }
0xa4: {  	v4 =	vld [tilespmem:s21+$0x400]  }
0xa5: {  	v5 =	vld [tilespmem:s21+$0x410]  }
0xa6: {  	v7 =	vld [tilespmem:s21+$0x420]  }
0xa7: {  	v10 =	vld [tilespmem:s21+$0x430]  }
0xa8: {  	v12 =	vunpack.i.l.bf16.f32 v11;
	v14 =	vld [tilespmem:s21+$0x440]  }
0xa9: {  	v11 =	vunpack.i.u.bf16.f32 v11;
	v4 =	vadd.f32 v4, v12;
	v12 =	vld [tilespmem:s21+$0x450]  }
0xaa: {  	v5 =	vadd.f32 v5, v11;
	v11 =	vunpack.i.l.bf16.f32 v9;
	v15 =	vld [tilespmem:s21+$0x460]  }
0xab: {  	v9 =	vunpack.i.u.bf16.f32 v9;
	v4 =	vmax.f32 v4, $0.0e+00;
	v7 =	vadd.f32 v7, v11;
	v11 =	vld [tilespmem:s21+$0x470]  }
0xac: {  	[tilespmem:s21+$0x400] =	vst v4;
	v4 =	vmax.f32 v5, $0.0e+00;
	v5 =	vadd.f32 v10, v9;
	v9 =	vunpack.i.l.bf16.f32 v6;
	v10 =	vld [tilespmem:s21+$0x480]  }
.Ltmp1:
0xad: {  	v6 =	vunpack.i.u.bf16.f32 v6;
	[tilespmem:s21+$0x410] =	vst v4;
	v4 =	vmax.f32 v7, $0.0e+00;
	v9 =	vadd.f32 v14, v9;
	v7 =	vld [tilespmem:s21+$0x490];
	(pc) =	sbr.rel @p2 .LBB2_5-.Ltmp1, $4  }
0xae: {  	[tilespmem:s21+$0x420] =	vst v4;
	v5 =	vmax.f32 v5, $0.0e+00;
	v6 =	vadd.f32 v12, v6;
	v12 =	vunpack.i.l.bf16.f32 v8;
	v4 =	vld [tilespmem:s21+$0x4A0]  }
0xaf: {  	v8 =	vunpack.i.u.bf16.f32 v8;
	[tilespmem:s21+$0x430] =	vst v5;
	v9 =	vmax.f32 v9, $0.0e+00;
	v12 =	vadd.f32 v15, v12;
	v5 =	vld [tilespmem:s21+$0x4B0]  }
0xb0: {  	[tilespmem:s21+$0x440] =	vst v9;
	v14 =	vmax.f32 v6, $0.0e+00;
	v9 =	vadd.f32 v11, v8;
	v8 =	vunpack.i.l.bf16.f32 v13;
	v6 =	vld [tilespmem:s21+$0x4C0]  }
0xb1: {  	s20 =	sadd.s32 $0x400, s20;
	v11 =	vunpack.i.u.bf16.f32 v13;
	[tilespmem:s21+$0x450] =	vst v14;
	v12 =	vmax.f32 v12, $0.0e+00;
	v10 =	vadd.f32 v10, v8;
	v8 =	vld [tilespmem:s21+$0x4D0]  }
0xb2: {  	[tilespmem:s21+$0x460] =	vst v12;
	v9 =	vmax.f32 v9, $0.0e+00;
	v12 =	vld [tilespmem:s21+$0x4E0];
	v7 =	vadd.f32 v7, v11;
	v11 =	vunpack.i.l.bf16.f32 v3  }
0xb3: {  	v3 =	vunpack.i.u.bf16.f32 v3;
	[tilespmem:s21+$0x470] =	vst v9;
	v9 =	vmax.f32 v10, $0.0e+00;
	v4 =	vadd.f32 v4, v11;
	v10 =	vld [tilespmem:s21+$0x4F0]  }
0xb4: {  	[tilespmem:s21+$0x480] =	vst v9;
	v7 =	vmax.f32 v7, $0.0e+00;
	v3 =	vadd.f32 v5, v3;
	v5 =	vunpack.i.l.bf16.f32 v2  }
0xb5: {  	v2 =	vunpack.i.u.bf16.f32 v2;
	[tilespmem:s21+$0x490] =	vst v7;
	v4 =	vmax.f32 v4, $0.0e+00;
	v5 =	vadd.f32 v6, v5  }
0xb6: {  	[tilespmem:s21+$0x4A0] =	vst v4;
	v3 =	vmax.f32 v3, $0.0e+00;
	v2 =	vadd.f32 v8, v2;
	v4 =	vunpack.i.l.bf16.f32 v1  }
0xb7: {  	v1 =	vunpack.i.u.bf16.f32 v1;
	[tilespmem:s21+$0x4B0] =	vst v3;
	v3 =	vmax.f32 v5, $0.0e+00;
	v4 =	vadd.f32 v12, v4  }
0xb8: {  	[tilespmem:s21+$0x4C0] =	vst v3;
	v2 =	vmax.f32 v2, $0.0e+00;
	v1 =	vadd.f32 v10, v1  }
0xb9: {  	s20 =	sshll.u32 s17, $0x8;
	[tilespmem:s21+$0x4D0] =	vst v2;
	v2 =	vmax.f32 v4, $0.0e+00  }
0xba: {  	s20 =	sand.u32 $0x100, s20;
	[tilespmem:s21+$0x4E0] =	vst v2;
	v1 =	vmax.f32 v1, $0.0e+00  }
0xbb: {  	s23 =	sor.u32 $0x200, s20;
	[tilespmem:s21+$0x4F0] =	vst v1  }
0xbc: {  	[spmem:s3] =	stream.indirect.scatter.add.f32 [tilespmem:s28], [sflag:$0x3], $0x80, s23, s9, $0xb8;
	[tilespmem:$0x1DC80] =	vst v63  }
0xbd: {  	_ =	swait.ge [sflag:s13], $0x2800  }
0xbe: {  	[sflag:s13] =	ssyncset.done $0x0  }
0xbf: {  	[sflag:s13] =	ssyncadd.s32 $0xFFFFD800  }
0xc0: {  	_ =	swait.ge [sflag:s14], $0x2800  }
0xc1: {  	[sflag:s14] =	ssyncset.done $0x0  }
0xc2: {  	s21 =	simm.s32 $0x0;
	[sflag:s14] =	ssyncadd.s32 $0xFFFFD800  }
0xc3: {  	v4 =	vld [tilespmem:s21+$0x7C00]  }
0xc4: {  	v5 =	vld [tilespmem:s21+$0x7C10]  }
0xc5: {  	v6 =	vld [tilespmem:s21+$0x7C20]  }
0xc6: {  	v8 =	vld [tilespmem:s21+$0x7C30]  }
0xc7: {  	v7 =	vld [tilespmem:s21+$0x2C00]  }
0xc8: {  	v10 =	vld [tilespmem:s21+$0x7C80]  }
0xc9: {  	v3 =	vld [tilespmem:s21+$0x7C90]  }
0xca: {  	v9 =	vld [tilespmem:s21+$0x2C10]  }
0xcb: {  	v11 =	vld [tilespmem:s21+$0x2C20];
	v13 =	vunpack.i.l.bf16.f32 v4  }
0xcc: {  	v2 =	vld [tilespmem:s21+$0x7CA0];
	v7 =	vadd.f32 v7, v13  }
0xcd: {  	v12 =	vld [tilespmem:s21+$0x2C30]  }
0xce: {  	v14 =	vld [tilespmem:s21+$0x2C40];
	v4 =	vunpack.i.u.bf16.f32 v4;
	v7 =	vmax.f32 v7, $0.0e+00  }
0xcf: {  	v1 =	vld [tilespmem:s21+$0x7CB0];
	v4 =	vadd.f32 v9, v4;
	[tilespmem:s21+$0x2C00] =	vst v7;
	v7 =	vunpack.i.l.bf16.f32 v5  }
0xd0: {  	v13 =	vld [tilespmem:s21+$0x2C50];
	v7 =	vadd.f32 v11, v7  }
0xd1: {  	v15 =	vld [tilespmem:s21+$0x2C60];
	v4 =	vmax.f32 v4, $0.0e+00;
	v5 =	vunpack.i.u.bf16.f32 v5  }
0xd2: {  	v9 =	vld [tilespmem:s21+$0x2C70];
	[tilespmem:s21+$0x2C10] =	vst v4;
	v4 =	vadd.f32 v12, v5;
	v11 =	vunpack.i.l.bf16.f32 v6;
	v5 =	vmax.f32 v7, $0.0e+00  }
0xd3: {  	v16 =	vld [tilespmem:s21+$0x2C80];
	[tilespmem:s21+$0x2C20] =	vst v5;
	v5 =	vadd.f32 v14, v11  }
0xd4: {  	v6 =	vunpack.i.u.bf16.f32 v6;
	v7 =	vld [tilespmem:s21+$0x2C90];
	v11 =	vmax.f32 v4, $0.0e+00  }
0xd5: {  	v12 =	vunpack.i.l.bf16.f32 v8;
	v6 =	vadd.f32 v13, v6;
	v4 =	vld [tilespmem:s21+$0x2CA0];
	[tilespmem:s21+$0x2C30] =	vst v11;
	v11 =	vmax.f32 v5, $0.0e+00  }
0xd6: {  	v8 =	vunpack.i.u.bf16.f32 v8;
	v5 =	vld [tilespmem:s21+$0x2CB0];
	[tilespmem:s21+$0x2C40] =	vst v11;
	v11 =	vadd.f32 v15, v12  }
0xd7: {  	v9 =	vadd.f32 v9, v8;
	v8 =	vunpack.i.l.bf16.f32 v10;
	v12 =	vmax.f32 v6, $0.0e+00;
	v6 =	vld [tilespmem:s21+$0x2CC0]  }
0xd8: {  	s22 =	simm.s32 $0x400;
	[tilespmem:s21+$0x2C50] =	vst v12;
	v12 =	vmax.f32 v11, $0.0e+00;
	v11 =	vunpack.i.u.bf16.f32 v10;
	v10 =	vadd.f32 v16, v8;
	v8 =	vld [tilespmem:s21+$0x2CD0]  }
.LBB2_7:
0xd9: {  	p2 =	sne.s32 s22, $0x9C00;
	[tilespmem:s21+$0x2C60] =	vst v12;
	v9 =	vmax.f32 v9, $0.0e+00;
	v7 =	vadd.f32 v7, v11;
	v11 =	vunpack.i.l.bf16.f32 v3;
	v12 =	vld [tilespmem:s21+$0x2CE0]  }
0xda: {  	s23 =	sshra.s32 s22, $0x2;
	v3 =	vunpack.i.u.bf16.f32 v3;
	[tilespmem:s21+$0x2C70] =	vst v9;
	v9 =	vmax.f32 v10, $0.0e+00;
	v4 =	vadd.f32 v4, v11;
	v10 =	vld [tilespmem:s21+$0x2CF0]  }
0xdb: {  	v11 =	vld [tilespmem:s23+$0x7C00];
	[tilespmem:s21+$0x2C80] =	vst v9;
	v7 =	vmax.f32 v7, $0.0e+00;
	v3 =	vadd.f32 v5, v3;
	v5 =	vunpack.i.l.bf16.f32 v2  }
0xdc: {  	v2 =	vunpack.i.u.bf16.f32 v2;
	v9 =	vld [tilespmem:s23+$0x7C10];
	[tilespmem:s21+$0x2C90] =	vst v7;
	v4 =	vmax.f32 v4, $0.0e+00;
	v5 =	vadd.f32 v6, v5  }
0xdd: {  	v6 =	vld [tilespmem:s23+$0x7C20];
	[tilespmem:s21+$0x2CA0] =	vst v4;
	v3 =	vmax.f32 v3, $0.0e+00;
	v2 =	vadd.f32 v8, v2;
	v4 =	vunpack.i.l.bf16.f32 v1  }
0xde: {  	v1 =	vunpack.i.u.bf16.f32 v1;
	v8 =	vld [tilespmem:s23+$0x7C30];
	[tilespmem:s21+$0x2CB0] =	vst v3;
	v3 =	vmax.f32 v5, $0.0e+00;
	v4 =	vadd.f32 v12, v4  }
0xdf: {  	v13 =	vld [tilespmem:s23+$0x7C80];
	[tilespmem:s21+$0x2CC0] =	vst v3;
	v2 =	vmax.f32 v2, $0.0e+00;
	v1 =	vadd.f32 v10, v1  }
0xe0: {  	v3 =	vld [tilespmem:s23+$0x7C90];
	[tilespmem:s21+$0x2CD0] =	vst v2;
	v4 =	vmax.f32 v4, $0.0e+00  }
0xe1: {  	v2 =	vld [tilespmem:s23+$0x7CA0];
	[tilespmem:s21+$0x2CE0] =	vst v4;
	v4 =	vmax.f32 v1, $0.0e+00  }
0xe2: {  	v1 =	vld [tilespmem:s23+$0x7CB0];
	[tilespmem:s21+$0x2CF0] =	vst v4;
	s21 =	smov.u32 s23  }
0xe3: {  	v4 =	vld [tilespmem:s21+$0x2C00]  }
0xe4: {  	v5 =	vld [tilespmem:s21+$0x2C10]  }
0xe5: {  	v7 =	vld [tilespmem:s21+$0x2C20]  }
0xe6: {  	v10 =	vld [tilespmem:s21+$0x2C30]  }
0xe7: {  	v12 =	vunpack.i.l.bf16.f32 v11;
	v14 =	vld [tilespmem:s21+$0x2C40]  }
0xe8: {  	v11 =	vunpack.i.u.bf16.f32 v11;
	v4 =	vadd.f32 v4, v12;
	v12 =	vld [tilespmem:s21+$0x2C50]  }
0xe9: {  	v5 =	vadd.f32 v5, v11;
	v11 =	vunpack.i.l.bf16.f32 v9;
	v15 =	vld [tilespmem:s21+$0x2C60]  }
0xea: {  	v9 =	vunpack.i.u.bf16.f32 v9;
	v4 =	vmax.f32 v4, $0.0e+00;
	v7 =	vadd.f32 v7, v11;
	v11 =	vld [tilespmem:s21+$0x2C70]  }
0xeb: {  	[tilespmem:s21+$0x2C00] =	vst v4;
	v4 =	vmax.f32 v5, $0.0e+00;
	v5 =	vadd.f32 v10, v9;
	v9 =	vunpack.i.l.bf16.f32 v6;
	v10 =	vld [tilespmem:s21+$0x2C80]  }
.Ltmp2:
0xec: {  	v6 =	vunpack.i.u.bf16.f32 v6;
	[tilespmem:s21+$0x2C10] =	vst v4;
	v4 =	vmax.f32 v7, $0.0e+00;
	v9 =	vadd.f32 v14, v9;
	v7 =	vld [tilespmem:s21+$0x2C90];
	(pc) =	sbr.rel @p2 .LBB2_7-.Ltmp2, $4  }
0xed: {  	[tilespmem:s21+$0x2C20] =	vst v4;
	v5 =	vmax.f32 v5, $0.0e+00;
	v6 =	vadd.f32 v12, v6;
	v12 =	vunpack.i.l.bf16.f32 v8;
	v4 =	vld [tilespmem:s21+$0x2CA0]  }
0xee: {  	v8 =	vunpack.i.u.bf16.f32 v8;
	[tilespmem:s21+$0x2C30] =	vst v5;
	v9 =	vmax.f32 v9, $0.0e+00;
	v12 =	vadd.f32 v15, v12;
	v5 =	vld [tilespmem:s21+$0x2CB0]  }
0xef: {  	[tilespmem:s21+$0x2C40] =	vst v9;
	v14 =	vmax.f32 v6, $0.0e+00;
	v9 =	vadd.f32 v11, v8;
	v8 =	vunpack.i.l.bf16.f32 v13;
	v6 =	vld [tilespmem:s21+$0x2CC0]  }
0xf0: {  	s22 =	sadd.s32 $0x400, s22;
	v11 =	vunpack.i.u.bf16.f32 v13;
	[tilespmem:s21+$0x2C50] =	vst v14;
	v12 =	vmax.f32 v12, $0.0e+00;
	v10 =	vadd.f32 v10, v8;
	v8 =	vld [tilespmem:s21+$0x2CD0]  }
0xf1: {  	[tilespmem:s21+$0x2C60] =	vst v12;
	v9 =	vmax.f32 v9, $0.0e+00;
	v58 =	vld [tilespmem:s21+$0x2CE0];
	v7 =	vadd.f32 v7, v11;
	v59 =	vunpack.i.l.bf16.f32 v3  }
0xf2: {  	v3 =	vunpack.i.u.bf16.f32 v3;
	v61 =	vld [tilespmem:s21+$0x2CF0];
	[tilespmem:s21+$0x2C70] =	vst v9;
	v60 =	vmax.f32 v10, $0.0e+00;
	v4 =	vadd.f32 v4, v59  }
0xf3: {  	v62 =	vunpack.i.l.bf16.f32 v2;
	[tilespmem:s21+$0x2C80] =	vst v60;
	v7 =	vmax.f32 v7, $0.0e+00;
	v3 =	vadd.f32 v5, v3  }
0xf4: {  	v2 =	vunpack.i.u.bf16.f32 v2;
	[tilespmem:s21+$0x2C90] =	vst v7;
	v4 =	vmax.f32 v4, $0.0e+00;
	v5 =	vadd.f32 v6, v62  }
0xf5: {  	v63 =	vunpack.i.l.bf16.f32 v1;
	[tilespmem:s21+$0x2CA0] =	vst v4;
	v3 =	vmax.f32 v3, $0.0e+00;
	v2 =	vadd.f32 v8, v2  }
0xf6: {  	v1 =	vunpack.i.u.bf16.f32 v1;
	[tilespmem:s21+$0x2CB0] =	vst v3;
	v3 =	vmax.f32 v5, $0.0e+00;
	v4 =	vadd.f32 v58, v63  }
0xf7: {  	v1 =	vadd.f32 v61, v1;
	[tilespmem:s21+$0x2CC0] =	vst v3;
	v2 =	vmax.f32 v2, $0.0e+00  }
0xf8: {  	[tilespmem:s21+$0x2CD0] =	vst v2;
	v2 =	vmax.f32 v4, $0.0e+00  }
0xf9: {  	v1 =	vmax.f32 v1, $0.0e+00;
	[tilespmem:s21+$0x2CE0] =	vst v2  }
0xfa: {  	s20 =	sadd.s32 $0x280, s20;
	[tilespmem:s21+$0x2CF0] =	vst v1  }
0xfb: {  	[spmem:s3] =	stream.indirect.scatter.add.f32 [tilespmem:s11], [sflag:$0x3], $0x80, s20, s9, $0xb8;
	[tilespmem:$0x1DC80] =	vst v63  }
0xfc: {  	_ =	swait.ge [sflag:s15], $0x2800  }
0xfd: {  	[sflag:s15] =	ssyncset.done $0x0  }
0xfe: {  	[sflag:s15] =	ssyncadd.s32 $0xFFFFD800  }
0xff: {  	_ =	swait.ge [sflag:s0], $0x50  }
0x100: {  	[sflag:s0] =	ssyncset.done $0x0  }
0x101: {  	[sflag:s0] =	ssyncadd.s32 $0xFFFFFFB0  }
0x102: {  	_ =	swait.ge [sflag:s0], $0x50  }
0x103: {  	s31 =	sshll.u32 s31, $0x4;
	[sflag:s0] =	ssyncset.done $0x0  }
0x104: {  	s20 =	sadd.s32 s7, s31;
	[sflag:s0] =	ssyncadd.s32 $0xFFFFFFB0  }
0x105: {  	[tilespmem:s4], [sflag:$0x2] =	stream.linear.gather [hbm4b:s20+s5], $0x2800, $0x38;
	[tilespmem:$0x1DC80] =	vst v63  }
.Ltmp3:
0x106: {  	_ = 	snop;
	(pc) =	sbr.rel @p1 .LBB2_10-.Ltmp3, $4  }
0x107: {  	[tilespmem:s28], [sflag:$0x1] =	stream.indirect.gather [hbm4b:s1+s9], $0x80, s30, s9, $0xb8;
	[tilespmem:$0x1DC80] =	vst v63  }
0x108: {  	_ =	swait.ge [sflag:s15], $0x2800  }
0x109: {  	[sflag:s15] =	ssyncset.done $0x0  }
0x10a: {  	[sflag:s15] =	ssyncadd.s32 $0xFFFFD800  }
0x10b: {  	_ =	swait.ge [sflag:s0], $0x50  }
0x10c: {  	s19 =	smul.u32 $0x50, s19;
	[sflag:s0] =	ssyncset.done $0x0  }
0x10d: {  	[sflag:s0] =	ssyncadd.s32 $0xFFFFFFB0  }
0x10e: {  	s19 =	sadd.s32 s12, s19;
	_ =	swait.ge [sflag:s0], $0x50  }
.Ltmp4:
0x10f: {  	s19 =	sshll.u32 s19, $0x4;
	[sflag:s0] =	ssyncset.done $0x0;
	(pc) =	sbr.rel .LBB2_4-.Ltmp4, $4  }
0x110: {  	s19 =	sadd.s32 s7, s19;
	[sflag:s0] =	ssyncadd.s32 $0xFFFFFFB0  }
0x111: {  	[tilespmem:s10], [sflag:$0x2] =	stream.linear.gather [hbm4b:s19+s5], $0x2800, $0x38;
	[tilespmem:$0x1DC80] =	vst v63  }
0x112: {  	s18 =	sshll.u32 s18, $0x7;
	s17 =	sadd.s32 $0x1, s17  }
0x113: {  	[tilespmem:s11], [sflag:$0x1] =	stream.indirect.gather [hbm4b:s1+s9], $0x80, s18, s9, $0xb8;
	[tilespmem:$0x1DC80] =	vst v63  }
.LBB2_10:
0x114: {  	_ =	swait.ge [sflag:s13], $0x2800  }
0x115: {  	[sflag:s13] =	ssyncset.done $0x0  }
0x116: {  	[sflag:s13] =	ssyncadd.s32 $0xFFFFD800  }
0x117: {  	_ =	swait.ge [sflag:s14], $0x2800  }
0x118: {  	[sflag:s14] =	ssyncset.done $0x0  }
0x119: {  	s17 =	simm.s32 $0x0;
	[sflag:s14] =	ssyncadd.s32 $0xFFFFD800  }
0x11a: {  	v4 =	vld [tilespmem:s17+$0x5400]  }
0x11b: {  	v5 =	vld [tilespmem:s17+$0x5410]  }
0x11c: {  	v6 =	vld [tilespmem:s17+$0x5420]  }
0x11d: {  	v8 =	vld [tilespmem:s17+$0x5430]  }
0x11e: {  	v7 =	vld [tilespmem:s17+$0x400]  }
0x11f: {  	v10 =	vld [tilespmem:s17+$0x5480]  }
0x120: {  	v3 =	vld [tilespmem:s17+$0x5490]  }
0x121: {  	v9 =	vld [tilespmem:s17+$0x410]  }
0x122: {  	v11 =	vld [tilespmem:s17+$0x420];
	v13 =	vunpack.i.l.bf16.f32 v4  }
0x123: {  	v2 =	vld [tilespmem:s17+$0x54A0];
	v7 =	vadd.f32 v7, v13  }
0x124: {  	v12 =	vld [tilespmem:s17+$0x430]  }
0x125: {  	v14 =	vld [tilespmem:s17+$0x440];
	v4 =	vunpack.i.u.bf16.f32 v4;
	v7 =	vmax.f32 v7, $0.0e+00  }
0x126: {  	v1 =	vld [tilespmem:s17+$0x54B0];
	v4 =	vadd.f32 v9, v4;
	[tilespmem:s17+$0x400] =	vst v7;
	v7 =	vunpack.i.l.bf16.f32 v5  }
0x127: {  	v13 =	vld [tilespmem:s17+$0x450];
	v7 =	vadd.f32 v11, v7  }
0x128: {  	v15 =	vld [tilespmem:s17+$0x460];
	v4 =	vmax.f32 v4, $0.0e+00;
	v5 =	vunpack.i.u.bf16.f32 v5  }
0x129: {  	v9 =	vld [tilespmem:s17+$0x470];
	[tilespmem:s17+$0x410] =	vst v4;
	v4 =	vadd.f32 v12, v5;
	v11 =	vunpack.i.l.bf16.f32 v6;
	v5 =	vmax.f32 v7, $0.0e+00  }
0x12a: {  	v16 =	vld [tilespmem:s17+$0x480];
	[tilespmem:s17+$0x420] =	vst v5;
	v5 =	vadd.f32 v14, v11  }
0x12b: {  	v6 =	vunpack.i.u.bf16.f32 v6;
	v7 =	vld [tilespmem:s17+$0x490];
	v11 =	vmax.f32 v4, $0.0e+00  }
0x12c: {  	v12 =	vunpack.i.l.bf16.f32 v8;
	v6 =	vadd.f32 v13, v6;
	v4 =	vld [tilespmem:s17+$0x4A0];
	[tilespmem:s17+$0x430] =	vst v11;
	v11 =	vmax.f32 v5, $0.0e+00  }
0x12d: {  	v8 =	vunpack.i.u.bf16.f32 v8;
	v5 =	vld [tilespmem:s17+$0x4B0];
	[tilespmem:s17+$0x440] =	vst v11;
	v11 =	vadd.f32 v15, v12  }
0x12e: {  	v9 =	vadd.f32 v9, v8;
	v8 =	vunpack.i.l.bf16.f32 v10;
	v12 =	vmax.f32 v6, $0.0e+00;
	v6 =	vld [tilespmem:s17+$0x4C0]  }
0x12f: {  	s18 =	simm.s32 $0x400;
	[tilespmem:s17+$0x450] =	vst v12;
	v12 =	vmax.f32 v11, $0.0e+00;
	v11 =	vunpack.i.u.bf16.f32 v10;
	v10 =	vadd.f32 v16, v8;
	v8 =	vld [tilespmem:s17+$0x4D0]  }
.LBB2_11:
0x130: {  	p1 =	sne.s32 s18, $0x9C00;
	[tilespmem:s17+$0x460] =	vst v12;
	v9 =	vmax.f32 v9, $0.0e+00;
	v7 =	vadd.f32 v7, v11;
	v11 =	vunpack.i.l.bf16.f32 v3;
	v12 =	vld [tilespmem:s17+$0x4E0]  }
0x131: {  	s19 =	sshra.s32 s18, $0x2;
	v3 =	vunpack.i.u.bf16.f32 v3;
	[tilespmem:s17+$0x470] =	vst v9;
	v9 =	vmax.f32 v10, $0.0e+00;
	v4 =	vadd.f32 v4, v11;
	v10 =	vld [tilespmem:s17+$0x4F0]  }
0x132: {  	v11 =	vld [tilespmem:s19+$0x5400];
	[tilespmem:s17+$0x480] =	vst v9;
	v7 =	vmax.f32 v7, $0.0e+00;
	v3 =	vadd.f32 v5, v3;
	v5 =	vunpack.i.l.bf16.f32 v2  }
0x133: {  	v2 =	vunpack.i.u.bf16.f32 v2;
	v9 =	vld [tilespmem:s19+$0x5410];
	[tilespmem:s17+$0x490] =	vst v7;
	v4 =	vmax.f32 v4, $0.0e+00;
	v5 =	vadd.f32 v6, v5  }
0x134: {  	v6 =	vld [tilespmem:s19+$0x5420];
	[tilespmem:s17+$0x4A0] =	vst v4;
	v3 =	vmax.f32 v3, $0.0e+00;
	v2 =	vadd.f32 v8, v2;
	v4 =	vunpack.i.l.bf16.f32 v1  }
0x135: {  	v1 =	vunpack.i.u.bf16.f32 v1;
	v8 =	vld [tilespmem:s19+$0x5430];
	[tilespmem:s17+$0x4B0] =	vst v3;
	v3 =	vmax.f32 v5, $0.0e+00;
	v4 =	vadd.f32 v12, v4  }
0x136: {  	v13 =	vld [tilespmem:s19+$0x5480];
	[tilespmem:s17+$0x4C0] =	vst v3;
	v2 =	vmax.f32 v2, $0.0e+00;
	v1 =	vadd.f32 v10, v1  }
0x137: {  	v3 =	vld [tilespmem:s19+$0x5490];
	[tilespmem:s17+$0x4D0] =	vst v2;
	v4 =	vmax.f32 v4, $0.0e+00  }
0x138: {  	v2 =	vld [tilespmem:s19+$0x54A0];
	[tilespmem:s17+$0x4E0] =	vst v4;
	v4 =	vmax.f32 v1, $0.0e+00  }
0x139: {  	v1 =	vld [tilespmem:s19+$0x54B0];
	[tilespmem:s17+$0x4F0] =	vst v4;
	s17 =	smov.u32 s19  }
0x13a: {  	v4 =	vld [tilespmem:s17+$0x400]  }
0x13b: {  	v5 =	vld [tilespmem:s17+$0x410]  }
0x13c: {  	v7 =	vld [tilespmem:s17+$0x420]  }
0x13d: {  	v10 =	vld [tilespmem:s17+$0x430]  }
0x13e: {  	v12 =	vunpack.i.l.bf16.f32 v11;
	v14 =	vld [tilespmem:s17+$0x440]  }
0x13f: {  	v11 =	vunpack.i.u.bf16.f32 v11;
	v4 =	vadd.f32 v4, v12;
	v12 =	vld [tilespmem:s17+$0x450]  }
0x140: {  	v5 =	vadd.f32 v5, v11;
	v11 =	vunpack.i.l.bf16.f32 v9;
	v15 =	vld [tilespmem:s17+$0x460]  }
0x141: {  	v9 =	vunpack.i.u.bf16.f32 v9;
	v4 =	vmax.f32 v4, $0.0e+00;
	v7 =	vadd.f32 v7, v11;
	v11 =	vld [tilespmem:s17+$0x470]  }
0x142: {  	[tilespmem:s17+$0x400] =	vst v4;
	v4 =	vmax.f32 v5, $0.0e+00;
	v5 =	vadd.f32 v10, v9;
	v9 =	vunpack.i.l.bf16.f32 v6;
	v10 =	vld [tilespmem:s17+$0x480]  }
.Ltmp5:
0x143: {  	v6 =	vunpack.i.u.bf16.f32 v6;
	[tilespmem:s17+$0x410] =	vst v4;
	v4 =	vmax.f32 v7, $0.0e+00;
	v9 =	vadd.f32 v14, v9;
	v7 =	vld [tilespmem:s17+$0x490];
	(pc) =	sbr.rel @p1 .LBB2_11-.Ltmp5, $4  }
0x144: {  	[tilespmem:s17+$0x420] =	vst v4;
	v5 =	vmax.f32 v5, $0.0e+00;
	v6 =	vadd.f32 v12, v6;
	v12 =	vunpack.i.l.bf16.f32 v8;
	v4 =	vld [tilespmem:s17+$0x4A0]  }
0x145: {  	v8 =	vunpack.i.u.bf16.f32 v8;
	[tilespmem:s17+$0x430] =	vst v5;
	v9 =	vmax.f32 v9, $0.0e+00;
	v12 =	vadd.f32 v15, v12;
	v5 =	vld [tilespmem:s17+$0x4B0]  }
0x146: {  	[tilespmem:s17+$0x440] =	vst v9;
	v14 =	vmax.f32 v6, $0.0e+00;
	v9 =	vadd.f32 v11, v8;
	v8 =	vunpack.i.l.bf16.f32 v13;
	v6 =	vld [tilespmem:s17+$0x4C0]  }
0x147: {  	s18 =	sadd.s32 $0x400, s18;
	v11 =	vunpack.i.u.bf16.f32 v13;
	[tilespmem:s17+$0x450] =	vst v14;
	v12 =	vmax.f32 v12, $0.0e+00;
	v10 =	vadd.f32 v10, v8;
	v8 =	vld [tilespmem:s17+$0x4D0]  }
0x148: {  	[tilespmem:s17+$0x460] =	vst v12;
	v9 =	vmax.f32 v9, $0.0e+00;
	v58 =	vld [tilespmem:s17+$0x4E0];
	v7 =	vadd.f32 v7, v11;
	v59 =	vunpack.i.l.bf16.f32 v3  }
0x149: {  	v3 =	vunpack.i.u.bf16.f32 v3;
	v61 =	vld [tilespmem:s17+$0x4F0];
	[tilespmem:s17+$0x470] =	vst v9;
	v60 =	vmax.f32 v10, $0.0e+00;
	v4 =	vadd.f32 v4, v59  }
0x14a: {  	v62 =	vunpack.i.l.bf16.f32 v2;
	[tilespmem:s17+$0x480] =	vst v60;
	v7 =	vmax.f32 v7, $0.0e+00;
	v3 =	vadd.f32 v5, v3  }
0x14b: {  	v2 =	vunpack.i.u.bf16.f32 v2;
	[tilespmem:s17+$0x490] =	vst v7;
	v4 =	vmax.f32 v4, $0.0e+00;
	v5 =	vadd.f32 v6, v62  }
0x14c: {  	v63 =	vunpack.i.l.bf16.f32 v1;
	[tilespmem:s17+$0x4A0] =	vst v4;
	v3 =	vmax.f32 v3, $0.0e+00;
	v2 =	vadd.f32 v8, v2  }
0x14d: {  	v1 =	vunpack.i.u.bf16.f32 v1;
	[tilespmem:s17+$0x4B0] =	vst v3;
	v3 =	vmax.f32 v5, $0.0e+00;
	v4 =	vadd.f32 v58, v63  }
0x14e: {  	v1 =	vadd.f32 v61, v1;
	[tilespmem:s17+$0x4C0] =	vst v3;
	v2 =	vmax.f32 v2, $0.0e+00  }
0x14f: {  	[tilespmem:s17+$0x4D0] =	vst v2;
	v2 =	vmax.f32 v4, $0.0e+00  }
0x150: {  	v1 =	vmax.f32 v1, $0.0e+00;
	[tilespmem:s17+$0x4E0] =	vst v2  }
0x151: {  	s20 =	simm.s32 $0x200;
	[tilespmem:s17+$0x4F0] =	vst v1  }
0x152: {  	[spmem:s3] =	stream.indirect.scatter.add.f32 [tilespmem:s28], [sflag:$0x5], $0x80, s20, s9, $0xb8;
	[tilespmem:$0x1DC80] =	vst v63  }
0x153: {  	_ =	swait.ge [sflag:s29], $0x2800  }
0x154: {  	[sflag:s29] =	ssyncset.done $0x0  }
0x155: {  	s31 =	stileid.u32;
	[sflag:s29] =	ssyncadd.s32 $0xFFFFD800  }
0x156: {  	s17 =	sshll.u32 s31, $0x6;
	[bflag:$0x0] =	sbarrier.arrive $0xFFFF  }
0x157: {  	s18 =	sshrl.u32 s8, $0x3;
	s17 =	sor.u32 $0x1C05, s17;
	s19 =	rddreg [dreg:$0xe]  }
0x158: {  	[hbm:s19], [sflag:s17] =	dma.local [spmem:s18], $0x2700  }
0x159: {  	_ =	swait.ge [sflag:s29], $0x2700  }
0x15a: {  	s16 =	sadd.s32 $0x1, s16;
	[sflag:s29] =	ssyncset.done $0x0  }
0x15b: {  	p1 =	sne.s32 s16, s25;
	s18 =	sshrl.u32 @!p0 s26, $0x3;
	[sflag:s29] =	ssyncadd.s32 $0xFFFFD900  }
0x15c: {  	[hbm:s24], [sflag:s17] =	dma.local @!p0 [spmem:s18], $0x100  }
.Ltmp6:
0x15d: {  	_ = 	snop;
	(pc) =	sbr.rel @p1 .LBB2_1-.Ltmp6, $4  }
0x15e: {  	s17 =	simm.s32 @!p0 $0x5  }
0x15f: {  	_ =	swait.ge @!p0 [sflag:s17], $0x100  }
0x160: {  	[sflag:s17] =	ssyncset.done @!p0 $0x0  }
0x161: {  	[sflag:s17] =	ssyncadd.s32 @!p0 $0xFFFFFF00  }
0x162: {  	_ =	sfence.sel $0x180000  }
0x163: {  	[bflag:$0x0] =	sbarrier.arrive $0xFFFF  }
0x164: {  	_ =	strace $0x90000047  }
0x165: {  	s0 =	stileid.u32;
	[bflag:$0x2] =	sbarrier.arrive $0xFFFF  }
0x166: {  	p0 =	sne.s32 s0, $0x0;
	s0 =	rddreg [dreg:$0x4]  }
0x167: {  	s0 =	sadd.s32 @!p0 $0x100000, s0  }
0x168: {  	[sflag:s0] =	ssyncadd.tile.s32 @!p0 $0x1;
	_ =	shalt  }
.Lfunc_end2:
_tile_overlayer_lowered:
.L_overlay_start_2:
0x169: {  	(tag) =	ssettag $0x2  }
0x16a: {  	s0 =	rddreg [dreg:$0x0];
	s2 =	stileid.u32  }
0x16b: {  	s1 =	rddreg [dreg:$0x1];
	p0 =	sne.s32 s2, $0x0  }
0x16c: {  	s3 =	rddreg [dreg:$0x2];
	[bflag:$0x3] =	sbarrier.arrive $0xFFFF;
	s2 =	simm.s32 @!p0 $0x1C05  }
0x16d: {  	[timem:s3], [sflag:s2] =	dma.local @!p0 [hbm:s0], s1  }
0x16e: {  	s0 =	simm.s32 @!p0 $0x5  }
0x16f: {  	_ =	swait.ge @!p0 [sflag:s0], s1  }
0x170: {  	s1 =	ssub.s32 @!p0 $0x0, s1;
	[sflag:s0] =	ssyncset.done @!p0 $0x0  }
0x171: {  	[sflag:s0] =	ssyncadd.s32 @!p0 s1  }
0x172: {  	[bflag:$0x3] =	sbarrier.arrive $0xFFFF  }
0x173: {  	_ =	shalt  }

</sc_bundles>
